<compile_context>
chip_gen: v7x
topology: tpu7x:2x2x1
jax: 0.10.2.dev20260603
libtpu: 0.0.44.dev20260713+nightly
codegen_flags: <defaults>
</compile_context>

<pallas_src>
import dataclasses
import functools

import jax
import jax.numpy as jnp
import numpy as np
from jax import lax
from jax.experimental import pallas as pl
from jax.experimental.pallas import tpu as pltpu
from jax.experimental.pallas import tpu_sc as plsc

N = 10000
E = 320000
D = 128
H = 8
C = 16
EPS = 1e-6
QK_SCALE = 1.0 / np.sqrt(float(C))

RW = 128
NC = 2
NS = 16
NW = NC * NS
EPW = E // NW
GE = 80
NCH = EPW // GE
NZCH = N // GE



def _qkv_body(x_ref, wq_ref, wk_ref, wv_ref, wqn_ref, wkn_ref,
              q_ref, k_ref, v_ref):
    x = x_ref[...]
    row = lax.broadcasted_iota(jnp.int32, (D, H), 0)
    col = lax.broadcasted_iota(jnp.int32, (D, H), 1)
    g = jnp.where(row // C == col, 1.0, 0.0).astype(jnp.float32)

    def rms(y, w_row, scale):
        gs = lax.dot(y * y, g, preferred_element_type=jnp.float32)
        gsb = lax.dot(gs, g.T, preferred_element_type=jnp.float32)
        return y * lax.rsqrt(gsb * (1.0 / C) + EPS) * w_row * scale

    q = lax.dot(x, wq_ref[...], preferred_element_type=jnp.float32)
    k = lax.dot(x, wk_ref[...], preferred_element_type=jnp.float32)
    v = lax.dot(x, wv_ref[...], preferred_element_type=jnp.float32)
    q_ref[...] = rms(q, wqn_ref[...], QK_SCALE)
    k_ref[...] = rms(k, wkn_ref[...], 1.0)
    v_ref[...] = v


def _qkv(x, Wq, Wk, Wv, wqn_tile, wkn_tile):
    nb = 10
    bs = N // nb
    spec_w = pl.BlockSpec((D, D), lambda i: (0, 0))
    spec_row = pl.BlockSpec((1, D), lambda i: (0, 0))
    spec_x = pl.BlockSpec((bs, D), lambda i: (i, 0))
    return pl.pallas_call(
        _qkv_body,
        grid=(nb,),
        in_specs=[spec_x, spec_w, spec_w, spec_w, spec_row, spec_row],
        out_specs=[spec_x, spec_x, spec_x],
        out_shape=[jax.ShapeDtypeStruct((N, D), jnp.float32)] * 3,
    )(x, Wq, Wk, Wv, wqn_tile, wkn_tile)


def _md_compiler_params():
    cp = pltpu.CompilerParams()
    if "needs_layout_passes" in pltpu.CompilerParams.__dataclass_fields__:
        cp = dataclasses.replace(cp, needs_layout_passes=False)
    return cp


@functools.lru_cache(maxsize=None)
def _sc_kernels():
    mesh = plsc.VectorSubcoreMesh(core_axis_name="c", subcore_axis_name="s")

    @functools.partial(
        pl.kernel,
        out_type=[jax.ShapeDtypeStruct((E, D), jnp.float32)] * 3,
        mesh=mesh,
        scratch_types=[
            pltpu.VMEM((GE,), jnp.int32),
            pltpu.VMEM((GE,), jnp.int32),
            pltpu.VMEM((GE, D), jnp.float32),
            pltpu.VMEM((GE, D), jnp.float32),
            pltpu.VMEM((GE, D), jnp.float32),
            pltpu.SemaphoreType.DMA,
            pltpu.SemaphoreType.DMA,
            pltpu.SemaphoreType.DMA,
        ],
    )
    def sc_gather_qkv(q_hbm, k_hbm, v_hbm, dst_hbm, src_hbm,
                      qd_hbm, ks_hbm, vs_hbm,
                      di_v, si_v, rq_v, rk_v, rv_v, sem0, sem1, sem2):
        wid = lax.axis_index("s") * NC + lax.axis_index("c")
        base = wid * EPW

        @pl.loop(0, NCH)
        def _(ch):
            off = base + ch * GE
            pltpu.sync_copy(dst_hbm.at[pl.ds(off, GE)], di_v)
            pltpu.sync_copy(src_hbm.at[pl.ds(off, GE)], si_v)
            cq = pltpu.async_copy(q_hbm.at[di_v], rq_v, sem0)
            ck = pltpu.async_copy(k_hbm.at[si_v], rk_v, sem1)
            cv = pltpu.async_copy(v_hbm.at[si_v], rv_v, sem2)
            cq.wait()
            pltpu.sync_copy(rq_v, qd_hbm.at[pl.ds(off, GE)])
            ck.wait()
            pltpu.sync_copy(rk_v, ks_hbm.at[pl.ds(off, GE)])
            cv.wait()
            pltpu.sync_copy(rv_v, vs_hbm.at[pl.ds(off, GE)])

    @functools.partial(
        pl.kernel,
        out_type=jax.ShapeDtypeStruct((E * H,), jnp.float32),
        mesh=mesh,
        scratch_types=[
            pltpu.VMEM((N * H,), jnp.float32),
            pltpu.VMEM((GE,), jnp.int32),
            pltpu.VMEM((GE * H,), jnp.float32),
        ],
        compiler_params=_md_compiler_params(),
    )
    def sc_gather_md(m_hbm, dst_hbm, md_hbm, mt_v, di_v, mdbuf_v):
        wid = lax.axis_index("s") * NC + lax.axis_index("c")
        base = wid * EPW
        pltpu.sync_copy(m_hbm, mt_v)
        lane = lax.iota(jnp.int32, 16)

        @pl.loop(0, NCH)
        def _(ch):
            off = base + ch * GE
            pltpu.sync_copy(dst_hbm.at[pl.ds(off, GE)], di_v)

            @pl.loop(0, GE // 16)
            def _(g):
                dvec = di_v[pl.ds(g * 16, 16)]
                b8 = dvec * H
                wbase = lane * H + g * (16 * H)
                for h in range(H):
                    vals = plsc.load_gather(mt_v, [b8 + h])
                    plsc.store_scatter(mdbuf_v, [wbase + h], vals)

            pltpu.sync_copy(mdbuf_v, md_hbm.at[pl.ds(off * H, GE * H)])

    EPT = E // NS
    NCH2 = EPT // GE

    @functools.partial(
        pl.kernel,
        out_type=jax.ShapeDtypeStruct((NC * N, RW), jnp.float32),
        mesh=mesh,
        scratch_types=[
            pltpu.VMEM((GE,), jnp.int32),
            pltpu.VMEM((GE, RW), jnp.float32),
            pltpu.VMEM((GE, RW), jnp.float32),
            pltpu.VMEM_SHARED((N, RW), jnp.float32),
        ],
    )
    def sc_scatter_rows(rows_hbm, arep_hbm, dst_hbm, out_hbm,
                        di_v, rows_v, zb_v, acc_sh):
        cid = lax.axis_index("c")
        sid = lax.axis_index("s")

        @pl.loop(0, GE)
        def _(i):
            @pl.loop(0, RW // C)
            def _(j):
                zb_v.at[i, pl.ds(j * C, C)][...] = jnp.zeros((C,), jnp.float32)

        @pl.loop(0, NZCH)
        def _(ch):
            @pl.when(lax.rem(ch, NS) == sid)
            def _():
                pltpu.sync_copy(zb_v, acc_sh.at[pl.ds(ch * GE, GE)])

        plsc.subcore_barrier()

        base = sid * EPT

        @pl.loop(0, NCH2)
        def _(ch):
            off = base + ch * GE
            pltpu.sync_copy(dst_hbm.at[pl.ds(off, GE)], di_v)

            @pl.when(cid == 0)
            def _():
                pltpu.sync_copy(rows_hbm.at[pl.ds(off, GE)], rows_v)

            @pl.when(cid == 1)
            def _():
                pltpu.sync_copy(arep_hbm.at[pl.ds(off, GE)], rows_v)

            pltpu.sync_copy(rows_v, acc_sh.at[di_v], add=True)

        plsc.subcore_barrier()

        @pl.loop(0, NZCH)
        def _(ch):
            @pl.when(lax.rem(ch, NS) == sid)
            def _():
                pltpu.sync_copy(acc_sh.at[pl.ds(ch * GE, GE)],
                                out_hbm.at[pl.ds(cid * N + ch * GE, GE)])

    return sc_gather_qkv, sc_gather_md, sc_scatter_rows


def _ematmul_body(ea_ref, we_ref, e_ref):
    e_ref[...] = lax.dot(ea_ref[...], we_ref[...],
                         preferred_element_type=jnp.float32)


def _ematmul(ea, We):
    bs = 4000
    nb = E // bs
    return pl.pallas_call(
        _ematmul_body,
        grid=(nb,),
        in_specs=[pl.BlockSpec((bs, D), lambda i: (i, 0)),
                  pl.BlockSpec((D, D), lambda i: (0, 0))],
        out_specs=pl.BlockSpec((bs, D), lambda i: (i, 0)),
        out_shape=jax.ShapeDtypeStruct((E, D), jnp.float32),
    )(ea, We)


def _edge_body(e_ref, qd_ref, ks_ref, vs_ref, s_ref, ve_ref):
    e = e_ref[...]
    ke = ks_ref[...] + e
    ve_ref[...] = vs_ref[...] + e
    prod = qd_ref[...] * ke
    row = lax.broadcasted_iota(jnp.int32, (D, H), 0)
    col = lax.broadcasted_iota(jnp.int32, (D, H), 1)
    g = jnp.where(row // C == col, 1.0, 0.0).astype(jnp.float32)
    s_ref[...] = lax.dot(prod, g, preferred_element_type=jnp.float32)


def _edge_dense(e, qd, ks, vs):
    bs = 4000
    nb = E // bs
    spec_e = pl.BlockSpec((bs, D), lambda i: (i, 0))
    spec_s = pl.BlockSpec((bs, H), lambda i: (i, 0))
    return pl.pallas_call(
        _edge_body,
        grid=(nb,),
        in_specs=[spec_e, spec_e, spec_e, spec_e],
        out_specs=[spec_s, spec_e],
        out_shape=[jax.ShapeDtypeStruct((E, H), jnp.float32),
                   jax.ShapeDtypeStruct((E, D), jnp.float32)],
    )(e, qd, ks, vs)


def _alpha_body(s_ref, md_ref, ve_ref, rows_ref, arep_ref):
    alpha = jnp.exp(s_ref[...] - md_ref[...])
    row = lax.broadcasted_iota(jnp.int32, (H, D), 1)
    col = lax.broadcasted_iota(jnp.int32, (H, D), 0)
    gt = jnp.where(row // C == col, 1.0, 0.0).astype(jnp.float32)
    alpha_rep = lax.dot(alpha, gt, preferred_element_type=jnp.float32)
    rows_ref[...] = alpha_rep * ve_ref[...]
    arep_ref[...] = alpha_rep


def _alpha_rows(s, md, ve):
    bs = 4000
    nb = E // bs
    spec_h = pl.BlockSpec((bs, H), lambda i: (i, 0))
    spec_d = pl.BlockSpec((bs, D), lambda i: (i, 0))
    return pl.pallas_call(
        _alpha_body,
        grid=(nb,),
        in_specs=[spec_h, spec_h, spec_d],
        out_specs=[spec_d, spec_d],
        out_shape=[jax.ShapeDtypeStruct((E, RW), jnp.float32),
                   jax.ShapeDtypeStruct((E, RW), jnp.float32)],
    )(s, md, ve)


def _finish_body(acc_ref, wo_ref, out_ref):
    num = acc_ref[0]
    den_b = acc_ref[1]
    outv = num / jnp.where(den_b > 0, den_b, 1.0)
    out_ref[...] = lax.dot(outv, wo_ref[...],
                           preferred_element_type=jnp.float32)


def _finish(acc, Wo):
    nb = 10
    bs = N // nb
    return pl.pallas_call(
        _finish_body,
        grid=(nb,),
        in_specs=[pl.BlockSpec((NC, bs, RW), lambda i: (0, i, 0)),
                  pl.BlockSpec((D, D), lambda i: (0, 0))],
        out_specs=pl.BlockSpec((bs, D), lambda i: (i, 0)),
        out_shape=jax.ShapeDtypeStruct((N, D), jnp.float32),
    )(acc, Wo)


def kernel(x, edge_index, edge_attr, Wq, Wk, Wv, We, Wo, w_q_norm, w_k_norm):
    wqn = jnp.tile(w_q_norm, D // C).reshape(1, D)
    wkn = jnp.tile(w_k_norm, D // C).reshape(1, D)
    q, k, v = _qkv(x, Wq, Wk, Wv, wqn, wkn)

    src = edge_index[0]
    dst = edge_index[1]

    sc_gather_qkv, sc_gather_md, sc_scatter_rows = _sc_kernels()
    qd, ks, vs = sc_gather_qkv(q, k, v, dst, src)
    e = _ematmul(edge_attr, We)
    s, ve = _edge_dense(e, qd, ks, vs)

    m = jax.ops.segment_max(s, dst, num_segments=N)
    md = sc_gather_md(m.reshape(N * H), dst).reshape(E, H)

    rows, arep = _alpha_rows(s, md, ve)
    acc = sc_scatter_rows(rows, arep, dst)
    out = _finish(acc.reshape(NC, N, RW), Wo)
    return out

# --- scband reference (transcript-rebuilt; emitter-appended) ---
"""Pipeline reference for scband-graph-transformer-17111149707850 (READ-ONLY COPY).

The authoritative reference and input builder live on the scoring server;
editing this copy changes nothing except your own understanding.
"""

import jax, jax.numpy as jnp
import numpy as np

N = 10000
E = 320000
D = 128
H = 8
C = 16


def rms_norm(x, w, eps=1e-6):
    var = jnp.mean(x * x, axis=-1, keepdims=True)
    return x * jax.lax.rsqrt(var + eps) * w


def setup_inputs(seed: int = 0) -> dict:
    key = jax.random.key(seed)
    ks = jax.random.split(key, 9)
    x = jax.random.normal(ks[0], (N, D), dtype=jnp.float32)
    edge_index = jax.random.randint(ks[1], (2, E), 0, N, dtype=jnp.int32)
    edge_attr = jax.random.normal(ks[2], (E, D), dtype=jnp.float32)
    scale = 1.0 / np.sqrt(D)
    Wq = jax.random.normal(ks[3], (D, D), dtype=jnp.float32) * scale
    Wk = jax.random.normal(ks[4], (D, D), dtype=jnp.float32) * scale
    Wv = jax.random.normal(ks[5], (D, D), dtype=jnp.float32) * scale
    We = jax.random.normal(ks[6], (D, D), dtype=jnp.float32) * scale
    Wo = jax.random.normal(ks[7], (D, D), dtype=jnp.float32) * scale
    w_q_norm = jnp.ones((C,), dtype=jnp.float32)
    w_k_norm = jnp.ones((C,), dtype=jnp.float32)
    return {"x": x, "edge_index": edge_index, "edge_attr": edge_attr,
            "Wq": Wq, "Wk": Wk, "Wv": Wv, "We": We, "Wo": Wo,
            "w_q_norm": w_q_norm, "w_k_norm": w_k_norm}


def reference(x, edge_index, edge_attr, Wq, Wk, Wv, We, Wo, w_q_norm, w_k_norm):
    n = x.shape[0]
    q = (x @ Wq).reshape(n, H, C)
    k = (x @ Wk).reshape(n, H, C)
    v = (x @ Wv).reshape(n, H, C)
    # qk_norm == 1 -> RMSNorm with elementwise affine on head channels
    q = rms_norm(q, w_q_norm)
    k = rms_norm(k, w_k_norm)
    e = (edge_attr @ We).reshape(-1, H, C)
    src = edge_index[0]
    dst = edge_index[1]
    # gather per-edge features (SparseCore gather)
    q_dst = jnp.take(q, dst, axis=0)
    k_src = jnp.take(k, src, axis=0)
    v_src = jnp.take(v, src, axis=0)
    ke = k_src + e
    ve = v_src + e
    qk_scale = 1.0 / np.sqrt(float(C))
    s = jnp.sum(q_dst * ke, axis=-1) * qk_scale  # [E, H]
    # numerically-stable per-dst softmax via segment max (M in the kernel)
    m = jax.ops.segment_max(s, dst, num_segments=n)
    m = jnp.where(jnp.isfinite(m), m, 0.0)
    alpha = jnp.exp(s - jnp.take(m, dst, axis=0))  # [E, H]
    denom = jax.ops.segment_sum(alpha, dst, num_segments=n)  # [N, H]
    num = jax.ops.segment_sum(alpha[..., None] * ve, dst, num_segments=n)  # [N, H, C]
    out = num / jnp.where(denom > 0, denom, 1.0)[..., None]
    out = out.reshape(n, H * C) @ Wo
    return out

if __name__ == "__main__":
    import jax
    _d = setup_inputs()
    print(jax.jit(kernel)(*tuple(_d.values())))

</pallas_src>

<mosaic_0001>
#map = affine_map<(d0, d1) -> (0, 0)>
#map1 = affine_map<(d0, d1) -> (0)>
module attributes {stable_mosaic.version = 14 : i64} {
  func.func @sc_scatter_rows(%arg0: i32, %arg1: i32, %arg2: memref<320000x128xf32, #tpu.memory_space<hbm>>, %arg3: memref<320000x128xf32, #tpu.memory_space<hbm>>, %arg4: memref<320000xi32, #tpu.memory_space<hbm>>, %arg5: memref<20000x128xf32, #tpu.memory_space<hbm>>, %arg6: memref<80xi32, #tpu.memory_space<vmem>>, %arg7: memref<80x128xf32, #tpu.memory_space<vmem>>, %arg8: memref<80x128xf32, #tpu.memory_space<vmem>>, %arg9: memref<10000x128xf32, #tpu.memory_space<vmem_shared>>) attributes {dimension_semantics = [#tpu.dimension_semantics<core_parallel>, #tpu.dimension_semantics<subcore_parallel>], iteration_bounds = array<i64: 2, 16>, scalar_prefetch = 0 : i64, scratch_operands = 4 : i64, tpu.core_type = #tpu.core_type<sc_vector_subcore>, window_params = [{transform_indices = #map}, {transform_indices = #map}, {transform_indices = #map1}, {transform_indices = #map}]} {
    %scan3A = arith.constant 0 : i32
    %scan3A_0 = arith.constant 80 : i32
    %scan3A_1 = arith.addi %scan3A, %scan3A_0 : i32
    %scan3A_2 = arith.constant 1 : i32
    scf.for %scan3A_21 = %scan3A to %scan3A_1 step %scan3A_2  : i32 {
      %mul3A_22 = arith.constant 1 : i32
      %mul3A_23 = arith.muli %scan3A_21, %mul3A_22 : i32
      %add3A = arith.constant 0 : i32
      %add3A_24 = arith.addi %add3A, %mul3A_23 : i32
      %scan3A_25 = arith.constant 0 : i32
      %scan3A_26 = arith.constant 8 : i32
      %scan3A_27 = arith.addi %scan3A_25, %scan3A_26 : i32
      %scan3A_28 = arith.constant 1 : i32
      scf.for %scan3A_30 = %scan3A_25 to %scan3A_27 step %scan3A_28  : i32 {
        %mul3A_31 = arith.constant 1 : i32
        %mul3A_32 = arith.muli %scan3A_30, %mul3A_31 : i32
        %add3A_33 = arith.constant 0 : i32
        %add3A_34 = arith.addi %add3A_33, %mul3A_32 : i32
        %broadcast_in_dim3A = arith.constant 0.000000e+00 : f32
        %broadcast_in_dim3A_35 = vector.broadcast %broadcast_in_dim3A : f32 to vector<16xf32>
        %mul3A_36 = arith.constant 16 : i32
        %mul3A_37 = arith.muli %add3A_34, %mul3A_36 : i32
        %swap3A = arith.index_cast %add3A_24 : i32 to index
        %swap3A_38 = arith.index_cast %mul3A_37 : i32 to index
        %swap3A_39 = tpu.vector_load %arg8[%swap3A, %swap3A_38] {strides = array<i32>} : memref<80x128xf32, #tpu.memory_space<vmem>>, vector<1x16xf32>,
        %swap3A_40 = vector.shape_cast %swap3A_39 : vector<1x16xf32> to vector<16xf32>
        %swap3A_41 = vector.shape_cast %broadcast_in_dim3A_35 : vector<16xf32> to vector<1x16xf32>
        tpu.vector_store %arg8[%swap3A, %swap3A_38], %swap3A_41 {strides = array<i32>} : memref<80x128xf32, #tpu.memory_space<vmem>>, vector<1x16xf32>,
      }
      %scan3A_29 = arith.constant 8 : i32
    }
    %scan3A_3 = arith.constant 80 : i32
    %scan3A_4 = arith.constant 0 : i32
    %scan3A_5 = arith.constant 125 : i32
    %scan3A_6 = arith.addi %scan3A_4, %scan3A_5 : i32
    %scan3A_7 = arith.constant 1 : i32
    scf.for %scan3A_21 = %scan3A_4 to %scan3A_6 step %scan3A_7  : i32 {
      %mul3A_22 = arith.constant 1 : i32
      %mul3A_23 = arith.muli %scan3A_21, %mul3A_22 : i32
      %add3A = arith.constant 0 : i32
      %add3A_24 = arith.addi %add3A, %mul3A_23 : i32
      %rem3A = arith.constant 16 : i32
      %rem3A_25 = arith.remsi %add3A_24, %rem3A : i32
      %eq3A = arith.cmpi eq, %rem3A_25, %arg1 : i32
      %convert_element_type3A = arith.extui %eq3A : i1 to i32
      %cond3A = arith.constant 0 : i32
      %cond3A_26 = arith.cmpi ne, %convert_element_type3A, %cond3A : i32
      scf.if %cond3A_26 {
        %mul3A_27 = arith.constant 80 : i32
        %mul3A_28 = arith.muli %add3A_24, %mul3A_27 : i32
        "tpu.region"() ({
          %run_scoped3A = tpu.sem_alloc : memref<!tpu.dma_semaphore, #tpu.memory_space<semaphore_mem>>
          %dma_start3A = arith.constant 0 : i32
          %dma_start3A_29 = tpu.memref_slice %arg9[%mul3A_28, %dma_start3A] : memref<10000x128xf32, #tpu.memory_space<vmem_shared>> -> memref<80x128xf32, #tpu.memory_space<vmem_shared>>
          %dma_start3A_30 = arith.constant 0 : i32
          %dma_start3A_31 = tpu.memref_slice %arg9[%mul3A_28, %dma_start3A_30] : memref<10000x128xf32, #tpu.memory_space<vmem_shared>> -> memref<80x128xf32, #tpu.memory_space<vmem_shared>>
          tpu.enqueue_dma source(%arg8 : memref<80x128xf32, #tpu.memory_space<vmem>>) target(%dma_start3A_31 : memref<80x128xf32, #tpu.memory_space<vmem_shared>>) target_semaphore(%run_scoped3A : memref<!tpu.dma_semaphore, #tpu.memory_space<semaphore_mem>>)
          %dma_wait3A = arith.constant 0 : i32
          %dma_wait3A_32 = tpu.memref_slice %arg9[%mul3A_28, %dma_wait3A] : memref<10000x128xf32, #tpu.memory_space<vmem_shared>> -> memref<80x128xf32, #tpu.memory_space<vmem_shared>>
          %dma_wait3A_33 = arith.constant 0 : i32
          %dma_wait3A_34 = tpu.memref_slice %arg9[%mul3A_28, %dma_wait3A_33] : memref<10000x128xf32, #tpu.memory_space<vmem_shared>> -> memref<80x128xf32, #tpu.memory_space<vmem_shared>>
          tpu.wait_dma2 semaphore(%run_scoped3A : memref<!tpu.dma_semaphore, #tpu.memory_space<semaphore_mem>>) src(%arg8 : memref<80x128xf32, #tpu.memory_space<vmem>>) dst(%dma_wait3A_34 : memref<80x128xf32, #tpu.memory_space<vmem_shared>>)
          tpu.yield
        }) : () -> ()
      } else {
      }
    }
    %scan3A_8 = arith.constant 125 : i32
    %barrier3A = arith.constant 0 : index
    tpu.barrier barrier_id(%barrier3A)
    %mul3A = arith.constant 20000 : i32
    %mul3A_9 = arith.muli %arg1, %mul3A : i32
    %scan3A_10 = arith.constant 0 : i32
    %scan3A_11 = arith.constant 250 : i32
    %scan3A_12 = arith.addi %scan3A_10, %scan3A_11 : i32
    %scan3A_13 = arith.constant 1 : i32
    scf.for %scan3A_21 = %scan3A_10 to %scan3A_12 step %scan3A_13  : i32 {
      %mul3A_22 = arith.constant 1 : i32
      %mul3A_23 = arith.muli %scan3A_21, %mul3A_22 : i32
      %add3A = arith.constant 0 : i32
      %add3A_24 = arith.addi %add3A, %mul3A_23 : i32
      %mul3A_25 = arith.constant 80 : i32
      %mul3A_26 = arith.muli %add3A_24, %mul3A_25 : i32
      %add3A_27 = arith.addi %mul3A_9, %mul3A_26 : i32
      "tpu.region"() ({
        %run_scoped3A = tpu.sem_alloc : memref<!tpu.dma_semaphore, #tpu.memory_space<semaphore_mem>>
        %dma_start3A = tpu.memref_slice %arg4[%add3A_27] : memref<320000xi32, #tpu.memory_space<hbm>> -> memref<80xi32, #tpu.memory_space<hbm>>
        %dma_start3A_35 = tpu.memref_slice %arg4[%add3A_27] : memref<320000xi32, #tpu.memory_space<hbm>> -> memref<80xi32, #tpu.memory_space<hbm>>
        tpu.enqueue_dma source(%dma_start3A_35 : memref<80xi32, #tpu.memory_space<hbm>>) target(%arg6 : memref<80xi32, #tpu.memory_space<vmem>>) target_semaphore(%run_scoped3A : memref<!tpu.dma_semaphore, #tpu.memory_space<semaphore_mem>>)
        %dma_wait3A = tpu.memref_slice %arg4[%add3A_27] : memref<320000xi32, #tpu.memory_space<hbm>> -> memref<80xi32, #tpu.memory_space<hbm>>
        %dma_wait3A_36 = tpu.memref_slice %arg4[%add3A_27] : memref<320000xi32, #tpu.memory_space<hbm>> -> memref<80xi32, #tpu.memory_space<hbm>>
        tpu.wait_dma2 semaphore(%run_scoped3A : memref<!tpu.dma_semaphore, #tpu.memory_space<semaphore_mem>>) src(%dma_wait3A_36 : memref<80xi32, #tpu.memory_space<hbm>>) dst(%arg6 : memref<80xi32, #tpu.memory_space<vmem>>)
        tpu.yield
      }) : () -> ()
      %eq3A = arith.constant 0 : i32
      %eq3A_28 = arith.cmpi eq, %arg0, %eq3A : i32
      %convert_element_type3A = arith.extui %eq3A_28 : i1 to i32
      %cond3A = arith.constant 0 : i32
      %cond3A_29 = arith.cmpi ne, %convert_element_type3A, %cond3A : i32
      scf.if %cond3A_29 {
        "tpu.region"() ({
          %run_scoped3A = tpu.sem_alloc : memref<!tpu.dma_semaphore, #tpu.memory_space<semaphore_mem>>
          %dma_start3A = arith.constant 0 : i32
          %dma_start3A_35 = tpu.memref_slice %arg2[%add3A_27, %dma_start3A] : memref<320000x128xf32, #tpu.memory_space<hbm>> -> memref<80x128xf32, #tpu.memory_space<hbm>>
          %dma_start3A_36 = arith.constant 0 : i32
          %dma_start3A_37 = tpu.memref_slice %arg2[%add3A_27, %dma_start3A_36] : memref<320000x128xf32, #tpu.memory_space<hbm>> -> memref<80x128xf32, #tpu.memory_space<hbm>>
          tpu.enqueue_dma source(%dma_start3A_37 : memref<80x128xf32, #tpu.memory_space<hbm>>) target(%arg7 : memref<80x128xf32, #tpu.memory_space<vmem>>) target_semaphore(%run_scoped3A : memref<!tpu.dma_semaphore, #tpu.memory_space<semaphore_mem>>)
          %dma_wait3A = arith.constant 0 : i32
          %dma_wait3A_38 = tpu.memref_slice %arg2[%add3A_27, %dma_wait3A] : memref<320000x128xf32, #tpu.memory_space<hbm>> -> memref<80x128xf32, #tpu.memory_space<hbm>>
          %dma_wait3A_39 = arith.constant 0 : i32
          %dma_wait3A_40 = tpu.memref_slice %arg2[%add3A_27, %dma_wait3A_39] : memref<320000x128xf32, #tpu.memory_space<hbm>> -> memref<80x128xf32, #tpu.memory_space<hbm>>
          tpu.wait_dma2 semaphore(%run_scoped3A : memref<!tpu.dma_semaphore, #tpu.memory_space<semaphore_mem>>) src(%dma_wait3A_40 : memref<80x128xf32, #tpu.memory_space<hbm>>) dst(%arg7 : memref<80x128xf32, #tpu.memory_space<vmem>>)
          tpu.yield
        }) : () -> ()
      } else {
      }
      %eq3A_30 = arith.constant 1 : i32
      %eq3A_31 = arith.cmpi eq, %arg0, %eq3A_30 : i32
      %convert_element_type3A_32 = arith.extui %eq3A_31 : i1 to i32
      %cond3A_33 = arith.constant 0 : i32
      %cond3A_34 = arith.cmpi ne, %convert_element_type3A_32, %cond3A_33 : i32
      scf.if %cond3A_34 {
        "tpu.region"() ({
          %run_scoped3A = tpu.sem_alloc : memref<!tpu.dma_semaphore, #tpu.memory_space<semaphore_mem>>
          %dma_start3A = arith.constant 0 : i32
          %dma_start3A_35 = tpu.memref_slice %arg3[%add3A_27, %dma_start3A] : memref<320000x128xf32, #tpu.memory_space<hbm>> -> memref<80x128xf32, #tpu.memory_space<hbm>>
          %dma_start3A_36 = arith.constant 0 : i32
          %dma_start3A_37 = tpu.memref_slice %arg3[%add3A_27, %dma_start3A_36] : memref<320000x128xf32, #tpu.memory_space<hbm>> -> memref<80x128xf32, #tpu.memory_space<hbm>>
          tpu.enqueue_dma source(%dma_start3A_37 : memref<80x128xf32, #tpu.memory_space<hbm>>) target(%arg7 : memref<80x128xf32, #tpu.memory_space<vmem>>) target_semaphore(%run_scoped3A : memref<!tpu.dma_semaphore, #tpu.memory_space<semaphore_mem>>)
          %dma_wait3A = arith.constant 0 : i32
          %dma_wait3A_38 = tpu.memref_slice %arg3[%add3A_27, %dma_wait3A] : memref<320000x128xf32, #tpu.memory_space<hbm>> -> memref<80x128xf32, #tpu.memory_space<hbm>>
          %dma_wait3A_39 = arith.constant 0 : i32
          %dma_wait3A_40 = tpu.memref_slice %arg3[%add3A_27, %dma_wait3A_39] : memref<320000x128xf32, #tpu.memory_space<hbm>> -> memref<80x128xf32, #tpu.memory_space<hbm>>
          tpu.wait_dma2 semaphore(%run_scoped3A : memref<!tpu.dma_semaphore, #tpu.memory_space<semaphore_mem>>) src(%dma_wait3A_40 : memref<80x128xf32, #tpu.memory_space<hbm>>) dst(%arg7 : memref<80x128xf32, #tpu.memory_space<vmem>>)
          tpu.yield
        }) : () -> ()
      } else {
      }
      "tpu.region"() ({
        %run_scoped3A = tpu.sem_alloc : memref<!tpu.dma_semaphore, #tpu.memory_space<semaphore_mem>>
        %dma_start3A = arith.constant 0 : i32
        %dma_start3A_35 = arith.constant 0 : i32
        %dma_start3A_36 = tpu.memref_slice %arg9[%dma_start3A, %dma_start3A_35] : memref<10000x128xf32, #tpu.memory_space<vmem_shared>> -> memref<10000x128xf32, #tpu.memory_space<vmem_shared>>
        tpu.enqueue_indirect_dma source(%arg7 : memref<80x128xf32, #tpu.memory_space<vmem>>) target(%dma_start3A_36 : memref<10000x128xf32, #tpu.memory_space<vmem_shared>>) offsets(%arg6 : memref<80xi32, #tpu.memory_space<vmem>>) semaphore(%run_scoped3A : memref<!tpu.dma_semaphore, #tpu.memory_space<semaphore_mem>>) {add = true}
        %dma_wait3A = arith.constant 0 : i32
        %dma_wait3A_37 = arith.constant 0 : i32
        %dma_wait3A_38 = tpu.memref_slice %arg9[%dma_wait3A, %dma_wait3A_37] : memref<10000x128xf32, #tpu.memory_space<vmem_shared>> -> memref<10000x128xf32, #tpu.memory_space<vmem_shared>>
        tpu.wait_indirect_dma semaphore(%run_scoped3A : memref<!tpu.dma_semaphore, #tpu.memory_space<semaphore_mem>>) src(%arg7 : memref<80x128xf32, #tpu.memory_space<vmem>>) dst(%dma_wait3A_38 : memref<10000x128xf32, #tpu.memory_space<vmem_shared>>)
        tpu.yield
      }) : () -> ()
    }
    %scan3A_14 = arith.constant 250 : i32
    %barrier3A_15 = arith.constant 0 : index
    tpu.barrier barrier_id(%barrier3A_15)
    %scan3A_16 = arith.constant 0 : i32
    %scan3A_17 = arith.constant 125 : i32
    %scan3A_18 = arith.addi %scan3A_16, %scan3A_17 : i32
    %scan3A_19 = arith.constant 1 : i32
    scf.for %scan3A_21 = %scan3A_16 to %scan3A_18 step %scan3A_19  : i32 {
      %mul3A_22 = arith.constant 1 : i32
      %mul3A_23 = arith.muli %scan3A_21, %mul3A_22 : i32
      %add3A = arith.constant 0 : i32
      %add3A_24 = arith.addi %add3A, %mul3A_23 : i32
      %rem3A = arith.constant 16 : i32
      %rem3A_25 = arith.remsi %add3A_24, %rem3A : i32
      %eq3A = arith.cmpi eq, %rem3A_25, %arg1 : i32
      %convert_element_type3A = arith.extui %eq3A : i1 to i32
      %cond3A = arith.constant 0 : i32
      %cond3A_26 = arith.cmpi ne, %convert_element_type3A, %cond3A : i32
      scf.if %cond3A_26 {
        %mul3A_27 = arith.constant 80 : i32
        %mul3A_28 = arith.muli %add3A_24, %mul3A_27 : i32
        %mul3A_29 = arith.constant 10000 : i32
        %mul3A_30 = arith.muli %arg0, %mul3A_29 : i32
        %mul3A_31 = arith.constant 80 : i32
        %mul3A_32 = arith.muli %add3A_24, %mul3A_31 : i32
        %add3A_33 = arith.addi %mul3A_30, %mul3A_32 : i32
        "tpu.region"() ({
          %run_scoped3A = tpu.sem_alloc : memref<!tpu.dma_semaphore, #tpu.memory_space<semaphore_mem>>
          %dma_start3A = arith.constant 0 : i32
          %dma_start3A_34 = tpu.memref_slice %arg5[%add3A_33, %dma_start3A] : memref<20000x128xf32, #tpu.memory_space<hbm>> -> memref<80x128xf32, #tpu.memory_space<hbm>>
          %dma_start3A_35 = arith.constant 0 : i32
          %dma_start3A_36 = tpu.memref_slice %arg9[%mul3A_28, %dma_start3A_35] : memref<10000x128xf32, #tpu.memory_space<vmem_shared>> -> memref<80x128xf32, #tpu.memory_space<vmem_shared>>
          tpu.enqueue_dma source(%dma_start3A_36 : memref<80x128xf32, #tpu.memory_space<vmem_shared>>) target(%dma_start3A_34 : memref<80x128xf32, #tpu.memory_space<hbm>>) target_semaphore(%run_scoped3A : memref<!tpu.dma_semaphore, #tpu.memory_space<semaphore_mem>>)
          %dma_wait3A = arith.constant 0 : i32
          %dma_wait3A_37 = tpu.memref_slice %arg5[%add3A_33, %dma_wait3A] : memref<20000x128xf32, #tpu.memory_space<hbm>> -> memref<80x128xf32, #tpu.memory_space<hbm>>
          %dma_wait3A_38 = arith.constant 0 : i32
          %dma_wait3A_39 = tpu.memref_slice %arg9[%mul3A_28, %dma_wait3A_38] : memref<10000x128xf32, #tpu.memory_space<vmem_shared>> -> memref<80x128xf32, #tpu.memory_space<vmem_shared>>
          tpu.wait_dma2 semaphore(%run_scoped3A : memref<!tpu.dma_semaphore, #tpu.memory_space<semaphore_mem>>) src(%dma_wait3A_39 : memref<80x128xf32, #tpu.memory_space<vmem_shared>>) dst(%dma_wait3A_37 : memref<80x128xf32, #tpu.memory_space<hbm>>)
          tpu.yield
        }) : () -> ()
      } else {
      }
    }
    %scan3A_20 = arith.constant 125 : i32
    return
  }
}

#map = affine_map<(d0, d1) -> (0, 0)>
#map1 = affine_map<(d0, d1) -> (0)>
module attributes {stable_mosaic.version = 14 : i64} {
  func.func @sc_gather_qkv(%arg0: i32, %arg1: i32, %arg2: memref<10000x128xf32, #tpu.memory_space<hbm>>, %arg3: memref<10000x128xf32, #tpu.memory_space<hbm>>, %arg4: memref<10000x128xf32, #tpu.memory_space<hbm>>, %arg5: memref<320000xi32, #tpu.memory_space<hbm>>, %arg6: memref<320000xi32, #tpu.memory_space<hbm>>, %arg7: memref<320000x128xf32, #tpu.memory_space<hbm>>, %arg8: memref<320000x128xf32, #tpu.memory_space<hbm>>, %arg9: memref<320000x128xf32, #tpu.memory_space<hbm>>, %arg10: memref<80xi32, #tpu.memory_space<vmem>>, %arg11: memref<80xi32, #tpu.memory_space<vmem>>, %arg12: memref<80x128xf32, #tpu.memory_space<vmem>>, %arg13: memref<80x128xf32, #tpu.memory_space<vmem>>, %arg14: memref<80x128xf32, #tpu.memory_space<vmem>>, %arg15: memref<!tpu.dma_semaphore, #tpu.memory_space<semaphore_mem>>, %arg16: memref<!tpu.dma_semaphore, #tpu.memory_space<semaphore_mem>>, %arg17: memref<!tpu.dma_semaphore, #tpu.memory_space<semaphore_mem>>) attributes {dimension_semantics = [#tpu.dimension_semantics<core_parallel>, #tpu.dimension_semantics<subcore_parallel>], iteration_bounds = array<i64: 2, 16>, scalar_prefetch = 0 : i64, scratch_operands = 8 : i64, tpu.core_type = #tpu.core_type<sc_vector_subcore>, window_params = [{transform_indices = #map}, {transform_indices = #map}, {transform_indices = #map}, {transform_indices = #map1}, {transform_indices = #map1}, {transform_indices = #map}, {transform_indices = #map}, {transform_indices = #map}]} {
    %mul3A = arith.constant 2 : i32
    %mul3A_0 = arith.muli %arg1, %mul3A : i32
    %add3A = arith.addi %mul3A_0, %arg0 : i32
    %mul3A_1 = arith.constant 10000 : i32
    %mul3A_2 = arith.muli %add3A, %mul3A_1 : i32
    %scan3A = arith.constant 0 : i32
    %scan3A_3 = arith.constant 125 : i32
    %scan3A_4 = arith.addi %scan3A, %scan3A_3 : i32
    %scan3A_5 = arith.constant 1 : i32
    scf.for %scan3A_7 = %scan3A to %scan3A_4 step %scan3A_5  : i32 {
      %mul3A_8 = arith.constant 1 : i32
      %mul3A_9 = arith.muli %scan3A_7, %mul3A_8 : i32
      %add3A_10 = arith.constant 0 : i32
      %add3A_11 = arith.addi %add3A_10, %mul3A_9 : i32
      %mul3A_12 = arith.constant 80 : i32
      %mul3A_13 = arith.muli %add3A_11, %mul3A_12 : i32
      %add3A_14 = arith.addi %mul3A_2, %mul3A_13 : i32
      "tpu.region"() ({
        %run_scoped3A = tpu.sem_alloc : memref<!tpu.dma_semaphore, #tpu.memory_space<semaphore_mem>>
        %dma_start3A_31 = tpu.memref_slice %arg5[%add3A_14] : memref<320000xi32, #tpu.memory_space<hbm>> -> memref<80xi32, #tpu.memory_space<hbm>>
        %dma_start3A_32 = tpu.memref_slice %arg5[%add3A_14] : memref<320000xi32, #tpu.memory_space<hbm>> -> memref<80xi32, #tpu.memory_space<hbm>>
        tpu.enqueue_dma source(%dma_start3A_32 : memref<80xi32, #tpu.memory_space<hbm>>) target(%arg10 : memref<80xi32, #tpu.memory_space<vmem>>) target_semaphore(%run_scoped3A : memref<!tpu.dma_semaphore, #tpu.memory_space<semaphore_mem>>)
        %dma_wait3A_33 = tpu.memref_slice %arg5[%add3A_14] : memref<320000xi32, #tpu.memory_space<hbm>> -> memref<80xi32, #tpu.memory_space<hbm>>
        %dma_wait3A_34 = tpu.memref_slice %arg5[%add3A_14] : memref<320000xi32, #tpu.memory_space<hbm>> -> memref<80xi32, #tpu.memory_space<hbm>>
        tpu.wait_dma2 semaphore(%run_scoped3A : memref<!tpu.dma_semaphore, #tpu.memory_space<semaphore_mem>>) src(%dma_wait3A_34 : memref<80xi32, #tpu.memory_space<hbm>>) dst(%arg10 : memref<80xi32, #tpu.memory_space<vmem>>)
        tpu.yield
      }) : () -> ()
      "tpu.region"() ({
        %run_scoped3A = tpu.sem_alloc : memref<!tpu.dma_semaphore, #tpu.memory_space<semaphore_mem>>
        %dma_start3A_31 = tpu.memref_slice %arg6[%add3A_14] : memref<320000xi32, #tpu.memory_space<hbm>> -> memref<80xi32, #tpu.memory_space<hbm>>
        %dma_start3A_32 = tpu.memref_slice %arg6[%add3A_14] : memref<320000xi32, #tpu.memory_space<hbm>> -> memref<80xi32, #tpu.memory_space<hbm>>
        tpu.enqueue_dma source(%dma_start3A_32 : memref<80xi32, #tpu.memory_space<hbm>>) target(%arg11 : memref<80xi32, #tpu.memory_space<vmem>>) target_semaphore(%run_scoped3A : memref<!tpu.dma_semaphore, #tpu.memory_space<semaphore_mem>>)
        %dma_wait3A_33 = tpu.memref_slice %arg6[%add3A_14] : memref<320000xi32, #tpu.memory_space<hbm>> -> memref<80xi32, #tpu.memory_space<hbm>>
        %dma_wait3A_34 = tpu.memref_slice %arg6[%add3A_14] : memref<320000xi32, #tpu.memory_space<hbm>> -> memref<80xi32, #tpu.memory_space<hbm>>
        tpu.wait_dma2 semaphore(%run_scoped3A : memref<!tpu.dma_semaphore, #tpu.memory_space<semaphore_mem>>) src(%dma_wait3A_34 : memref<80xi32, #tpu.memory_space<hbm>>) dst(%arg11 : memref<80xi32, #tpu.memory_space<vmem>>)
        tpu.yield
      }) : () -> ()
      %dma_start3A = arith.constant 0 : i32
      %dma_start3A_15 = arith.constant 0 : i32
      %dma_start3A_16 = tpu.memref_slice %arg2[%dma_start3A, %dma_start3A_15] : memref<10000x128xf32, #tpu.memory_space<hbm>> -> memref<10000x128xf32, #tpu.memory_space<hbm>>
      tpu.enqueue_indirect_dma source(%dma_start3A_16 : memref<10000x128xf32, #tpu.memory_space<hbm>>) target(%arg12 : memref<80x128xf32, #tpu.memory_space<vmem>>) offsets(%arg10 : memref<80xi32, #tpu.memory_space<vmem>>) semaphore(%arg15 : memref<!tpu.dma_semaphore, #tpu.memory_space<semaphore_mem>>)
      %dma_start3A_17 = arith.constant 0 : i32
      %dma_start3A_18 = arith.constant 0 : i32
      %dma_start3A_19 = tpu.memref_slice %arg3[%dma_start3A_17, %dma_start3A_18] : memref<10000x128xf32, #tpu.memory_space<hbm>> -> memref<10000x128xf32, #tpu.memory_space<hbm>>
      tpu.enqueue_indirect_dma source(%dma_start3A_19 : memref<10000x128xf32, #tpu.memory_space<hbm>>) target(%arg13 : memref<80x128xf32, #tpu.memory_space<vmem>>) offsets(%arg11 : memref<80xi32, #tpu.memory_space<vmem>>) semaphore(%arg16 : memref<!tpu.dma_semaphore, #tpu.memory_space<semaphore_mem>>)
      %dma_start3A_20 = arith.constant 0 : i32
      %dma_start3A_21 = arith.constant 0 : i32
      %dma_start3A_22 = tpu.memref_slice %arg4[%dma_start3A_20, %dma_start3A_21] : memref<10000x128xf32, #tpu.memory_space<hbm>> -> memref<10000x128xf32, #tpu.memory_space<hbm>>
      tpu.enqueue_indirect_dma source(%dma_start3A_22 : memref<10000x128xf32, #tpu.memory_space<hbm>>) target(%arg14 : memref<80x128xf32, #tpu.memory_space<vmem>>) offsets(%arg11 : memref<80xi32, #tpu.memory_space<vmem>>) semaphore(%arg17 : memref<!tpu.dma_semaphore, #tpu.memory_space<semaphore_mem>>)
      %dma_wait3A = arith.constant 0 : i32
      %dma_wait3A_23 = arith.constant 0 : i32
      %dma_wait3A_24 = tpu.memref_slice %arg2[%dma_wait3A, %dma_wait3A_23] : memref<10000x128xf32, #tpu.memory_space<hbm>> -> memref<10000x128xf32, #tpu.memory_space<hbm>>
      tpu.wait_indirect_dma semaphore(%arg15 : memref<!tpu.dma_semaphore, #tpu.memory_space<semaphore_mem>>) src(%dma_wait3A_24 : memref<10000x128xf32, #tpu.memory_space<hbm>>) dst(%arg12 : memref<80x128xf32, #tpu.memory_space<vmem>>)
      "tpu.region"() ({
        %run_scoped3A = tpu.sem_alloc : memref<!tpu.dma_semaphore, #tpu.memory_space<semaphore_mem>>
        %dma_start3A_31 = arith.constant 0 : i32
        %dma_start3A_32 = tpu.memref_slice %arg7[%add3A_14, %dma_start3A_31] : memref<320000x128xf32, #tpu.memory_space<hbm>> -> memref<80x128xf32, #tpu.memory_space<hbm>>
        %dma_start3A_33 = arith.constant 0 : i32
        %dma_start3A_34 = tpu.memref_slice %arg7[%add3A_14, %dma_start3A_33] : memref<320000x128xf32, #tpu.memory_space<hbm>> -> memref<80x128xf32, #tpu.memory_space<hbm>>
        tpu.enqueue_dma source(%arg12 : memref<80x128xf32, #tpu.memory_space<vmem>>) target(%dma_start3A_34 : memref<80x128xf32, #tpu.memory_space<hbm>>) target_semaphore(%run_scoped3A : memref<!tpu.dma_semaphore, #tpu.memory_space<semaphore_mem>>)
        %dma_wait3A_35 = arith.constant 0 : i32
        %dma_wait3A_36 = tpu.memref_slice %arg7[%add3A_14, %dma_wait3A_35] : memref<320000x128xf32, #tpu.memory_space<hbm>> -> memref<80x128xf32, #tpu.memory_space<hbm>>
        %dma_wait3A_37 = arith.constant 0 : i32
        %dma_wait3A_38 = tpu.memref_slice %arg7[%add3A_14, %dma_wait3A_37] : memref<320000x128xf32, #tpu.memory_space<hbm>> -> memref<80x128xf32, #tpu.memory_space<hbm>>
        tpu.wait_dma2 semaphore(%run_scoped3A : memref<!tpu.dma_semaphore, #tpu.memory_space<semaphore_mem>>) src(%arg12 : memref<80x128xf32, #tpu.memory_space<vmem>>) dst(%dma_wait3A_38 : memref<80x128xf32, #tpu.memory_space<hbm>>)
        tpu.yield
      }) : () -> ()
      %dma_wait3A_25 = arith.constant 0 : i32
      %dma_wait3A_26 = arith.constant 0 : i32
      %dma_wait3A_27 = tpu.memref_slice %arg3[%dma_wait3A_25, %dma_wait3A_26] : memref<10000x128xf32, #tpu.memory_space<hbm>> -> memref<10000x128xf32, #tpu.memory_space<hbm>>
      tpu.wait_indirect_dma semaphore(%arg16 : memref<!tpu.dma_semaphore, #tpu.memory_space<semaphore_mem>>) src(%dma_wait3A_27 : memref<10000x128xf32, #tpu.memory_space<hbm>>) dst(%arg13 : memref<80x128xf32, #tpu.memory_space<vmem>>)
      "tpu.region"() ({
        %run_scoped3A = tpu.sem_alloc : memref<!tpu.dma_semaphore, #tpu.memory_space<semaphore_mem>>
        %dma_start3A_31 = arith.constant 0 : i32
        %dma_start3A_32 = tpu.memref_slice %arg8[%add3A_14, %dma_start3A_31] : memref<320000x128xf32, #tpu.memory_space<hbm>> -> memref<80x128xf32, #tpu.memory_space<hbm>>
        %dma_start3A_33 = arith.constant 0 : i32
        %dma_start3A_34 = tpu.memref_slice %arg8[%add3A_14, %dma_start3A_33] : memref<320000x128xf32, #tpu.memory_space<hbm>> -> memref<80x128xf32, #tpu.memory_space<hbm>>
        tpu.enqueue_dma source(%arg13 : memref<80x128xf32, #tpu.memory_space<vmem>>) target(%dma_start3A_34 : memref<80x128xf32, #tpu.memory_space<hbm>>) target_semaphore(%run_scoped3A : memref<!tpu.dma_semaphore, #tpu.memory_space<semaphore_mem>>)
        %dma_wait3A_35 = arith.constant 0 : i32
        %dma_wait3A_36 = tpu.memref_slice %arg8[%add3A_14, %dma_wait3A_35] : memref<320000x128xf32, #tpu.memory_space<hbm>> -> memref<80x128xf32, #tpu.memory_space<hbm>>
        %dma_wait3A_37 = arith.constant 0 : i32
        %dma_wait3A_38 = tpu.memref_slice %arg8[%add3A_14, %dma_wait3A_37] : memref<320000x128xf32, #tpu.memory_space<hbm>> -> memref<80x128xf32, #tpu.memory_space<hbm>>
        tpu.wait_dma2 semaphore(%run_scoped3A : memref<!tpu.dma_semaphore, #tpu.memory_space<semaphore_mem>>) src(%arg13 : memref<80x128xf32, #tpu.memory_space<vmem>>) dst(%dma_wait3A_38 : memref<80x128xf32, #tpu.memory_space<hbm>>)
        tpu.yield
      }) : () -> ()
      %dma_wait3A_28 = arith.constant 0 : i32
      %dma_wait3A_29 = arith.constant 0 : i32
      %dma_wait3A_30 = tpu.memref_slice %arg4[%dma_wait3A_28, %dma_wait3A_29] : memref<10000x128xf32, #tpu.memory_space<hbm>> -> memref<10000x128xf32, #tpu.memory_space<hbm>>
      tpu.wait_indirect_dma semaphore(%arg17 : memref<!tpu.dma_semaphore, #tpu.memory_space<semaphore_mem>>) src(%dma_wait3A_30 : memref<10000x128xf32, #tpu.memory_space<hbm>>) dst(%arg14 : memref<80x128xf32, #tpu.memory_space<vmem>>)
      "tpu.region"() ({
        %run_scoped3A = tpu.sem_alloc : memref<!tpu.dma_semaphore, #tpu.memory_space<semaphore_mem>>
        %dma_start3A_31 = arith.constant 0 : i32
        %dma_start3A_32 = tpu.memref_slice %arg9[%add3A_14, %dma_start3A_31] : memref<320000x128xf32, #tpu.memory_space<hbm>> -> memref<80x128xf32, #tpu.memory_space<hbm>>
        %dma_start3A_33 = arith.constant 0 : i32
        %dma_start3A_34 = tpu.memref_slice %arg9[%add3A_14, %dma_start3A_33] : memref<320000x128xf32, #tpu.memory_space<hbm>> -> memref<80x128xf32, #tpu.memory_space<hbm>>
        tpu.enqueue_dma source(%arg14 : memref<80x128xf32, #tpu.memory_space<vmem>>) target(%dma_start3A_34 : memref<80x128xf32, #tpu.memory_space<hbm>>) target_semaphore(%run_scoped3A : memref<!tpu.dma_semaphore, #tpu.memory_space<semaphore_mem>>)
        %dma_wait3A_35 = arith.constant 0 : i32
        %dma_wait3A_36 = tpu.memref_slice %arg9[%add3A_14, %dma_wait3A_35] : memref<320000x128xf32, #tpu.memory_space<hbm>> -> memref<80x128xf32, #tpu.memory_space<hbm>>
        %dma_wait3A_37 = arith.constant 0 : i32
        %dma_wait3A_38 = tpu.memref_slice %arg9[%add3A_14, %dma_wait3A_37] : memref<320000x128xf32, #tpu.memory_space<hbm>> -> memref<80x128xf32, #tpu.memory_space<hbm>>
        tpu.wait_dma2 semaphore(%run_scoped3A : memref<!tpu.dma_semaphore, #tpu.memory_space<semaphore_mem>>) src(%arg14 : memref<80x128xf32, #tpu.memory_space<vmem>>) dst(%dma_wait3A_38 : memref<80x128xf32, #tpu.memory_space<hbm>>)
        tpu.yield
      }) : () -> ()
    }
    %scan3A_6 = arith.constant 125 : i32
    return
  }
}

#map = affine_map<(d0, d1) -> (0)>
module attributes {stable_mosaic.version = 14 : i64} {
  func.func @sc_gather_md(%arg0: i32, %arg1: i32, %arg2: memref<80000xf32, #tpu.memory_space<hbm>>, %arg3: memref<320000xi32, #tpu.memory_space<hbm>>, %arg4: memref<2560000xf32, #tpu.memory_space<hbm>>, %arg5: memref<80000xf32, #tpu.memory_space<vmem>>, %arg6: memref<80xi32, #tpu.memory_space<vmem>>, %arg7: memref<640xf32, #tpu.memory_space<vmem>>) attributes {dimension_semantics = [#tpu.dimension_semantics<core_parallel>, #tpu.dimension_semantics<subcore_parallel>], iteration_bounds = array<i64: 2, 16>, scalar_prefetch = 0 : i64, scratch_operands = 3 : i64, tpu.core_type = #tpu.core_type<sc_vector_subcore>, window_params = [{transform_indices = #map}, {transform_indices = #map}, {transform_indices = #map}]} {
    %mul3A = arith.constant 2 : i32
    %mul3A_0 = arith.muli %arg1, %mul3A : i32
    %add3A = arith.addi %mul3A_0, %arg0 : i32
    %mul3A_1 = arith.constant 10000 : i32
    %mul3A_2 = arith.muli %add3A, %mul3A_1 : i32
    "tpu.region"() ({
      %run_scoped3A = tpu.sem_alloc : memref<!tpu.dma_semaphore, #tpu.memory_space<semaphore_mem>>
      tpu.enqueue_dma source(%arg2 : memref<80000xf32, #tpu.memory_space<hbm>>) target(%arg5 : memref<80000xf32, #tpu.memory_space<vmem>>) target_semaphore(%run_scoped3A : memref<!tpu.dma_semaphore, #tpu.memory_space<semaphore_mem>>)
      tpu.wait_dma2 semaphore(%run_scoped3A : memref<!tpu.dma_semaphore, #tpu.memory_space<semaphore_mem>>) src(%arg2 : memref<80000xf32, #tpu.memory_space<hbm>>) dst(%arg5 : memref<80000xf32, #tpu.memory_space<vmem>>)
      tpu.yield
    }) : () -> ()
    %iota3A = tpu.iota {dimensions = array<i32: 0>} : vector<16xi32>
    %scan3A = arith.constant 0 : i32
    %scan3A_3 = arith.constant 125 : i32
    %scan3A_4 = arith.addi %scan3A, %scan3A_3 : i32
    %scan3A_5 = arith.constant 1 : i32
    scf.for %scan3A_7 = %scan3A to %scan3A_4 step %scan3A_5  : i32 {
      %mul3A_8 = arith.constant 1 : i32
      %mul3A_9 = arith.muli %scan3A_7, %mul3A_8 : i32
      %add3A_10 = arith.constant 0 : i32
      %add3A_11 = arith.addi %add3A_10, %mul3A_9 : i32
      %mul3A_12 = arith.constant 80 : i32
      %mul3A_13 = arith.muli %add3A_11, %mul3A_12 : i32
      %add3A_14 = arith.addi %mul3A_2, %mul3A_13 : i32
      "tpu.region"() ({
        %run_scoped3A = tpu.sem_alloc : memref<!tpu.dma_semaphore, #tpu.memory_space<semaphore_mem>>
        %dma_start3A = tpu.memref_slice %arg3[%add3A_14] : memref<320000xi32, #tpu.memory_space<hbm>> -> memref<80xi32, #tpu.memory_space<hbm>>
        %dma_start3A_22 = tpu.memref_slice %arg3[%add3A_14] : memref<320000xi32, #tpu.memory_space<hbm>> -> memref<80xi32, #tpu.memory_space<hbm>>
        tpu.enqueue_dma source(%dma_start3A_22 : memref<80xi32, #tpu.memory_space<hbm>>) target(%arg6 : memref<80xi32, #tpu.memory_space<vmem>>) target_semaphore(%run_scoped3A : memref<!tpu.dma_semaphore, #tpu.memory_space<semaphore_mem>>)
        %dma_wait3A = tpu.memref_slice %arg3[%add3A_14] : memref<320000xi32, #tpu.memory_space<hbm>> -> memref<80xi32, #tpu.memory_space<hbm>>
        %dma_wait3A_23 = tpu.memref_slice %arg3[%add3A_14] : memref<320000xi32, #tpu.memory_space<hbm>> -> memref<80xi32, #tpu.memory_space<hbm>>
        tpu.wait_dma2 semaphore(%run_scoped3A : memref<!tpu.dma_semaphore, #tpu.memory_space<semaphore_mem>>) src(%dma_wait3A_23 : memref<80xi32, #tpu.memory_space<hbm>>) dst(%arg6 : memref<80xi32, #tpu.memory_space<vmem>>)
        tpu.yield
      }) : () -> ()
      %scan3A_15 = arith.constant 0 : i32
      %scan3A_16 = arith.constant 5 : i32
      %scan3A_17 = arith.addi %scan3A_15, %scan3A_16 : i32
      %scan3A_18 = arith.constant 1 : i32
      scf.for %scan3A_22 = %scan3A_15 to %scan3A_17 step %scan3A_18  : i32 {
        %mul3A_23 = arith.constant 1 : i32
        %mul3A_24 = arith.muli %scan3A_22, %mul3A_23 : i32
        %add3A_25 = arith.constant 0 : i32
        %add3A_26 = arith.addi %add3A_25, %mul3A_24 : i32
        %mul3A_27 = arith.constant 16 : i32
        %mul3A_28 = arith.muli %add3A_26, %mul3A_27 : i32
        %get3A = arith.index_cast %mul3A_28 : i32 to index
        %get3A_29 = tpu.vector_load %arg6[%get3A] {strides = array<i32>} : memref<80xi32, #tpu.memory_space<vmem>>, vector<16xi32>,
        %mul3A_30 = arith.constant 8 : i32
        %mul3A_31 = vector.broadcast %mul3A_30 : i32 to vector<16xi32>
        %mul3A_32 = arith.muli %get3A_29, %mul3A_31 : vector<16xi32>
        %mul3A_33 = arith.constant 8 : i32
        %mul3A_34 = vector.broadcast %mul3A_33 : i32 to vector<16xi32>
        %mul3A_35 = arith.muli %iota3A, %mul3A_34 : vector<16xi32>
        %mul3A_36 = arith.constant 128 : i32
        %mul3A_37 = arith.muli %add3A_26, %mul3A_36 : i32
        %add3A_38 = vector.broadcast %mul3A_37 : i32 to vector<16xi32>
        %add3A_39 = arith.addi %mul3A_35, %add3A_38 : vector<16xi32>
        %add3A_40 = arith.constant 0 : i32
        %add3A_41 = vector.broadcast %add3A_40 : i32 to vector<16xi32>
        %add3A_42 = arith.addi %mul3A_32, %add3A_41 : vector<16xi32>
        %gather3A = tpu.vector_load_idx %arg5[%add3A_42] : memref<80000xf32, #tpu.memory_space<vmem>>[vector<16xi32>], vector<16xf32>,
        %add3A_43 = arith.constant 0 : i32
        %add3A_44 = vector.broadcast %add3A_43 : i32 to vector<16xi32>
        %add3A_45 = arith.addi %add3A_39, %add3A_44 : vector<16xi32>
        tpu.vector_store_idx %arg7[%add3A_45], %gather3A : memref<640xf32, #tpu.memory_space<vmem>>[vector<16xi32>], vector<16xf32>,
        %add3A_46 = arith.constant 1 : i32
        %add3A_47 = vector.broadcast %add3A_46 : i32 to vector<16xi32>
        %add3A_48 = arith.addi %mul3A_32, %add3A_47 : vector<16xi32>
        %gather3A_49 = tpu.vector_load_idx %arg5[%add3A_48] : memref<80000xf32, #tpu.memory_space<vmem>>[vector<16xi32>], vector<16xf32>,
        %add3A_50 = arith.constant 1 : i32
        %add3A_51 = vector.broadcast %add3A_50 : i32 to vector<16xi32>
        %add3A_52 = arith.addi %add3A_39, %add3A_51 : vector<16xi32>
        tpu.vector_store_idx %arg7[%add3A_52], %gather3A_49 : memref<640xf32, #tpu.memory_space<vmem>>[vector<16xi32>], vector<16xf32>,
        %add3A_53 = arith.constant 2 : i32
        %add3A_54 = vector.broadcast %add3A_53 : i32 to vector<16xi32>
        %add3A_55 = arith.addi %mul3A_32, %add3A_54 : vector<16xi32>
        %gather3A_56 = tpu.vector_load_idx %arg5[%add3A_55] : memref<80000xf32, #tpu.memory_space<vmem>>[vector<16xi32>], vector<16xf32>,
        %add3A_57 = arith.constant 2 : i32
        %add3A_58 = vector.broadcast %add3A_57 : i32 to vector<16xi32>
        %add3A_59 = arith.addi %add3A_39, %add3A_58 : vector<16xi32>
        tpu.vector_store_idx %arg7[%add3A_59], %gather3A_56 : memref<640xf32, #tpu.memory_space<vmem>>[vector<16xi32>], vector<16xf32>,
        %add3A_60 = arith.constant 3 : i32
        %add3A_61 = vector.broadcast %add3A_60 : i32 to vector<16xi32>
        %add3A_62 = arith.addi %mul3A_32, %add3A_61 : vector<16xi32>
        %gather3A_63 = tpu.vector_load_idx %arg5[%add3A_62] : memref<80000xf32, #tpu.memory_space<vmem>>[vector<16xi32>], vector<16xf32>,
        %add3A_64 = arith.constant 3 : i32
        %add3A_65 = vector.broadcast %add3A_64 : i32 to vector<16xi32>
        %add3A_66 = arith.addi %add3A_39, %add3A_65 : vector<16xi32>
        tpu.vector_store_idx %arg7[%add3A_66], %gather3A_63 : memref<640xf32, #tpu.memory_space<vmem>>[vector<16xi32>], vector<16xf32>,
        %add3A_67 = arith.constant 4 : i32
        %add3A_68 = vector.broadcast %add3A_67 : i32 to vector<16xi32>
        %add3A_69 = arith.addi %mul3A_32, %add3A_68 : vector<16xi32>
        %gather3A_70 = tpu.vector_load_idx %arg5[%add3A_69] : memref<80000xf32, #tpu.memory_space<vmem>>[vector<16xi32>], vector<16xf32>,
        %add3A_71 = arith.constant 4 : i32
        %add3A_72 = vector.broadcast %add3A_71 : i32 to vector<16xi32>
        %add3A_73 = arith.addi %add3A_39, %add3A_72 : vector<16xi32>
        tpu.vector_store_idx %arg7[%add3A_73], %gather3A_70 : memref<640xf32, #tpu.memory_space<vmem>>[vector<16xi32>], vector<16xf32>,
        %add3A_74 = arith.constant 5 : i32
        %add3A_75 = vector.broadcast %add3A_74 : i32 to vector<16xi32>
        %add3A_76 = arith.addi %mul3A_32, %add3A_75 : vector<16xi32>
        %gather3A_77 = tpu.vector_load_idx %arg5[%add3A_76] : memref<80000xf32, #tpu.memory_space<vmem>>[vector<16xi32>], vector<16xf32>,
        %add3A_78 = arith.constant 5 : i32
        %add3A_79 = vector.broadcast %add3A_78 : i32 to vector<16xi32>
        %add3A_80 = arith.addi %add3A_39, %add3A_79 : vector<16xi32>
        tpu.vector_store_idx %arg7[%add3A_80], %gather3A_77 : memref<640xf32, #tpu.memory_space<vmem>>[vector<16xi32>], vector<16xf32>,
        %add3A_81 = arith.constant 6 : i32
        %add3A_82 = vector.broadcast %add3A_81 : i32 to vector<16xi32>
        %add3A_83 = arith.addi %mul3A_32, %add3A_82 : vector<16xi32>
        %gather3A_84 = tpu.vector_load_idx %arg5[%add3A_83] : memref<80000xf32, #tpu.memory_space<vmem>>[vector<16xi32>], vector<16xf32>,
        %add3A_85 = arith.constant 6 : i32
        %add3A_86 = vector.broadcast %add3A_85 : i32 to vector<16xi32>
        %add3A_87 = arith.addi %add3A_39, %add3A_86 : vector<16xi32>
        tpu.vector_store_idx %arg7[%add3A_87], %gather3A_84 : memref<640xf32, #tpu.memory_space<vmem>>[vector<16xi32>], vector<16xf32>,
        %add3A_88 = arith.constant 7 : i32
        %add3A_89 = vector.broadcast %add3A_88 : i32 to vector<16xi32>
        %add3A_90 = arith.addi %mul3A_32, %add3A_89 : vector<16xi32>
        %gather3A_91 = tpu.vector_load_idx %arg5[%add3A_90] : memref<80000xf32, #tpu.memory_space<vmem>>[vector<16xi32>], vector<16xf32>,
        %add3A_92 = arith.constant 7 : i32
        %add3A_93 = vector.broadcast %add3A_92 : i32 to vector<16xi32>
        %add3A_94 = arith.addi %add3A_39, %add3A_93 : vector<16xi32>
        tpu.vector_store_idx %arg7[%add3A_94], %gather3A_91 : memref<640xf32, #tpu.memory_space<vmem>>[vector<16xi32>], vector<16xf32>,
      }
      %scan3A_19 = arith.constant 5 : i32
      %mul3A_20 = arith.constant 8 : i32
      %mul3A_21 = arith.muli %add3A_14, %mul3A_20 : i32
      "tpu.region"() ({
        %run_scoped3A = tpu.sem_alloc : memref<!tpu.dma_semaphore, #tpu.memory_space<semaphore_mem>>
        %dma_start3A = tpu.memref_slice %arg4[%mul3A_21] : memref<2560000xf32, #tpu.memory_space<hbm>> -> memref<640xf32, #tpu.memory_space<hbm>>
        %dma_start3A_22 = tpu.memref_slice %arg4[%mul3A_21] : memref<2560000xf32, #tpu.memory_space<hbm>> -> memref<640xf32, #tpu.memory_space<hbm>>
        tpu.enqueue_dma source(%arg7 : memref<640xf32, #tpu.memory_space<vmem>>) target(%dma_start3A_22 : memref<640xf32, #tpu.memory_space<hbm>>) target_semaphore(%run_scoped3A : memref<!tpu.dma_semaphore, #tpu.memory_space<semaphore_mem>>)
        %dma_wait3A = tpu.memref_slice %arg4[%mul3A_21] : memref<2560000xf32, #tpu.memory_space<hbm>> -> memref<640xf32, #tpu.memory_space<hbm>>
        %dma_wait3A_23 = tpu.memref_slice %arg4[%mul3A_21] : memref<2560000xf32, #tpu.memory_space<hbm>> -> memref<640xf32, #tpu.memory_space<hbm>>
        tpu.wait_dma2 semaphore(%run_scoped3A : memref<!tpu.dma_semaphore, #tpu.memory_space<semaphore_mem>>) src(%arg7 : memref<640xf32, #tpu.memory_space<vmem>>) dst(%dma_wait3A_23 : memref<640xf32, #tpu.memory_space<hbm>>)
        tpu.yield
      }) : () -> ()
    }
    %scan3A_6 = arith.constant 125 : i32
    return
  }
}

module attributes {stable_mosaic.version = 14 : i64} {
  func.func @_qkv_body(%arg0: i32, %arg1: memref<1000x128xf32, #tpu.memory_space<vmem>>, %arg2: memref<128x128xf32, #tpu.memory_space<vmem>>, %arg3: memref<128x128xf32, #tpu.memory_space<vmem>>, %arg4: memref<128x128xf32, #tpu.memory_space<vmem>>, %arg5: memref<1x128xf32, #tpu.memory_space<vmem>>, %arg6: memref<1x128xf32, #tpu.memory_space<vmem>>, %arg7: memref<1000x128xf32, #tpu.memory_space<vmem>>, %arg8: memref<1000x128xf32, #tpu.memory_space<vmem>>, %arg9: memref<1000x128xf32, #tpu.memory_space<vmem>>) attributes {dimension_semantics = [#tpu.dimension_semantics<arbitrary>], iteration_bounds = array<i64: 10>, scalar_prefetch = 0 : i64, scratch_operands = 0 : i64, tpu.core_type = #tpu.core_type<tc>, window_params = [{transform_indices = @transform_0, window_bounds = array<i64: 1000, 128>}, {pipeline_mode = #tpu.pipeline_mode<synchronous>, transform_indices = @transform_1, window_bounds = array<i64: 128, 128>}, {pipeline_mode = #tpu.pipeline_mode<synchronous>, transform_indices = @transform_2, window_bounds = array<i64: 128, 128>}, {pipeline_mode = #tpu.pipeline_mode<synchronous>, transform_indices = @transform_3, window_bounds = array<i64: 128, 128>}, {pipeline_mode = #tpu.pipeline_mode<synchronous>, transform_indices = @transform_4, window_bounds = array<i64: 1, 128>}, {pipeline_mode = #tpu.pipeline_mode<synchronous>, transform_indices = @transform_5, window_bounds = array<i64: 1, 128>}, {transform_indices = @transform_6, window_bounds = array<i64: 1000, 128>}, {transform_indices = @transform_7, window_bounds = array<i64: 1000, 128>}, {transform_indices = @transform_8, window_bounds = array<i64: 1000, 128>}]} {
    %get3A = arith.constant 0 : index
    %get3A_0 = arith.constant 0 : index
    %get3A_1 = vector.load %arg1[%get3A, %get3A_0] : memref<1000x128xf32, #tpu.memory_space<vmem>>, vector<1000x128xf32>
    %iota3A = tpu.iota {dimensions = array<i32: 0>} : vector<128x8xi32>
    %iota3A_2 = tpu.iota {dimensions = array<i32: 1>} : vector<128x8xi32>
    %jit3A = arith.constant 16 : i32
    %div3A = vector.broadcast %jit3A : i32 to vector<128x8xi32>
    %div3A_3 = arith.divsi %iota3A, %div3A : vector<128x8xi32>
    %sign3A = arith.constant 0 : i32
    %sign3A_4 = vector.broadcast %sign3A : i32 to vector<128x8xi32>
    %sign3A_5 = arith.cmpi sgt, %iota3A, %sign3A_4 : vector<128x8xi32>
    %sign3A_6 = arith.extui %sign3A_5 : vector<128x8xi1> to vector<128x8xi32>
    %sign3A_7 = arith.constant 0 : i32
    %sign3A_8 = vector.broadcast %sign3A_7 : i32 to vector<128x8xi32>
    %sign3A_9 = arith.cmpi slt, %iota3A, %sign3A_8 : vector<128x8xi32>
    %sign3A_10 = arith.extui %sign3A_9 : vector<128x8xi1> to vector<128x8xi32>
    %sign3A_11 = arith.subi %sign3A_6, %sign3A_10 : vector<128x8xi32>
    %sign3A_12 = arith.constant 0 : i32
    %sign3A_13 = arith.cmpi sgt, %jit3A, %sign3A_12 : i32
    %sign3A_14 = arith.extui %sign3A_13 : i1 to i32
    %sign3A_15 = arith.constant 0 : i32
    %sign3A_16 = arith.cmpi slt, %jit3A, %sign3A_15 : i32
    %sign3A_17 = arith.extui %sign3A_16 : i1 to i32
    %sign3A_18 = arith.subi %sign3A_14, %sign3A_17 : i32
    %ne3A = vector.broadcast %sign3A_18 : i32 to vector<128x8xi32>
    %ne3A_19 = arith.cmpi ne, %sign3A_11, %ne3A : vector<128x8xi32>
    %rem3A = vector.broadcast %jit3A : i32 to vector<128x8xi32>
    %rem3A_20 = arith.remsi %iota3A, %rem3A : vector<128x8xi32>
    %ne3A_21 = arith.constant 0 : i32
    %ne3A_22 = vector.broadcast %ne3A_21 : i32 to vector<128x8xi32>
    %ne3A_23 = arith.cmpi ne, %rem3A_20, %ne3A_22 : vector<128x8xi32>
    %and3A = arith.andi %ne3A_19, %ne3A_23 : vector<128x8xi1>
    %sub3A = arith.constant 1 : i32
    %sub3A_24 = vector.broadcast %sub3A : i32 to vector<128x8xi32>
    %sub3A_25 = arith.subi %div3A_3, %sub3A_24 : vector<128x8xi32>
    %select_n3A = arith.select %and3A, %sub3A_25, %div3A_3 : vector<128x8xi1>, vector<128x8xi32>
    %eq3A = arith.cmpi eq, %select_n3A, %iota3A_2 : vector<128x8xi32>
    %jit3A_26 = arith.constant 1.000000e+00 : f32
    %jit3A_27 = arith.constant 0.000000e+00 : f32
    %broadcast_in_dim3A = vector.broadcast %jit3A_26 : f32 to vector<128x8xf32>
    %broadcast_in_dim3A_28 = vector.broadcast %jit3A_27 : f32 to vector<128x8xf32>
    %select_n3A_29 = arith.select %eq3A, %broadcast_in_dim3A, %broadcast_in_dim3A_28 : vector<128x8xi1>, vector<128x8xf32>
    %get3A_30 = arith.constant 0 : index
    %get3A_31 = arith.constant 0 : index
    %get3A_32 = vector.load %arg2[%get3A_30, %get3A_31] : memref<128x128xf32, #tpu.memory_space<vmem>>, vector<128x128xf32>
    %dot_general3A = arith.constant dense<0.000000e+00> : vector<1000x128xf32>
    %dot_general3A_33 = tpu.matmul %get3A_1, %get3A_32, %dot_general3A {dimension_numbers = #tpu.dot_dimension_numbers<[1], [0], [0], [1], [0, 0, 1, 1], [], []>, transpose_lhs_hint = false} : vector<1000x128xf32>, vector<128x128xf32>, vector<1000x128xf32> -> vector<1000x128xf32>
    %get3A_34 = arith.constant 0 : index
    %get3A_35 = arith.constant 0 : index
    %get3A_36 = vector.load %arg3[%get3A_34, %get3A_35] : memref<128x128xf32, #tpu.memory_space<vmem>>, vector<128x128xf32>
    %dot_general3A_37 = arith.constant dense<0.000000e+00> : vector<1000x128xf32>
    %dot_general3A_38 = tpu.matmul %get3A_1, %get3A_36, %dot_general3A_37 {dimension_numbers = #tpu.dot_dimension_numbers<[1], [0], [0], [1], [0, 0, 1, 1], [], []>, transpose_lhs_hint = false} : vector<1000x128xf32>, vector<128x128xf32>, vector<1000x128xf32> -> vector<1000x128xf32>
    %get3A_39 = arith.constant 0 : index
    %get3A_40 = arith.constant 0 : index
    %get3A_41 = vector.load %arg4[%get3A_39, %get3A_40] : memref<128x128xf32, #tpu.memory_space<vmem>>, vector<128x128xf32>
    %dot_general3A_42 = arith.constant dense<0.000000e+00> : vector<1000x128xf32>
    %dot_general3A_43 = tpu.matmul %get3A_1, %get3A_41, %dot_general3A_42 {dimension_numbers = #tpu.dot_dimension_numbers<[1], [0], [0], [1], [0, 0, 1, 1], [], []>, transpose_lhs_hint = false} : vector<1000x128xf32>, vector<128x128xf32>, vector<1000x128xf32> -> vector<1000x128xf32>
    %get3A_44 = arith.constant 0 : index
    %get3A_45 = arith.constant 0 : index
    %get3A_46 = vector.load %arg5[%get3A_44, %get3A_45] : memref<1x128xf32, #tpu.memory_space<vmem>>, vector<1x128xf32>
    %mul3A = arith.mulf %dot_general3A_33, %dot_general3A_33 : vector<1000x128xf32>
    %dot_general3A_47 = arith.constant dense<0.000000e+00> : vector<1000x8xf32>
    %dot_general3A_48 = tpu.matmul %mul3A, %select_n3A_29, %dot_general3A_47 {dimension_numbers = #tpu.dot_dimension_numbers<[1], [0], [0], [1], [0, 0, 1, 1], [], []>, transpose_lhs_hint = false} : vector<1000x128xf32>, vector<128x8xf32>, vector<1000x8xf32> -> vector<1000x8xf32>
    %transpose3A = tpu.transpose %select_n3A_29, [1, 0] : vector<128x8xf32> -> vector<8x128xf32>
    %dot_general3A_49 = arith.constant dense<0.000000e+00> : vector<1000x128xf32>
    %dot_general3A_50 = tpu.matmul %dot_general3A_48, %transpose3A, %dot_general3A_49 {dimension_numbers = #tpu.dot_dimension_numbers<[1], [0], [0], [1], [0, 0, 1, 1], [], []>, transpose_lhs_hint = false} : vector<1000x8xf32>, vector<8x128xf32>, vector<1000x128xf32> -> vector<1000x128xf32>
    %mul3A_51 = arith.constant 6.250000e-02 : f32
    %mul3A_52 = vector.broadcast %mul3A_51 : f32 to vector<1000x128xf32>
    %mul3A_53 = arith.mulf %dot_general3A_50, %mul3A_52 : vector<1000x128xf32>
    %add3A = arith.constant 9.99999997E-7 : f32
    %add3A_54 = vector.broadcast %add3A : f32 to vector<1000x128xf32>
    %add3A_55 = arith.addf %mul3A_53, %add3A_54 : vector<1000x128xf32>
    %rsqrt3A = math.rsqrt %add3A_55 : vector<1000x128xf32>
    %mul3A_56 = arith.mulf %dot_general3A_33, %rsqrt3A : vector<1000x128xf32>
    %mul3A_57 = vector.broadcast %get3A_46 : vector<1x128xf32> to vector<1000x128xf32>
    %mul3A_58 = arith.mulf %mul3A_56, %mul3A_57 : vector<1000x128xf32>
    %mul3A_59 = arith.constant 2.500000e-01 : f32
    %mul3A_60 = vector.broadcast %mul3A_59 : f32 to vector<1000x128xf32>
    %mul3A_61 = arith.mulf %mul3A_58, %mul3A_60 : vector<1000x128xf32>
    %swap3A = arith.constant 0 : index
    %swap3A_62 = arith.constant 0 : index
    %swap3A_63 = vector.load %arg7[%swap3A, %swap3A_62] : memref<1000x128xf32, #tpu.memory_space<vmem>>, vector<1000x128xf32>
    tpu.vector_store %arg7[%swap3A, %swap3A_62], %mul3A_61 {strides = array<i32>} : memref<1000x128xf32, #tpu.memory_space<vmem>>, vector<1000x128xf32>,
    %get3A_64 = arith.constant 0 : index
    %get3A_65 = arith.constant 0 : index
    %get3A_66 = vector.load %arg6[%get3A_64, %get3A_65] : memref<1x128xf32, #tpu.memory_space<vmem>>, vector<1x128xf32>
    %mul3A_67 = arith.mulf %dot_general3A_38, %dot_general3A_38 : vector<1000x128xf32>
    %dot_general3A_68 = arith.constant dense<0.000000e+00> : vector<1000x8xf32>
    %dot_general3A_69 = tpu.matmul %mul3A_67, %select_n3A_29, %dot_general3A_68 {dimension_numbers = #tpu.dot_dimension_numbers<[1], [0], [0], [1], [0, 0, 1, 1], [], []>, transpose_lhs_hint = false} : vector<1000x128xf32>, vector<128x8xf32>, vector<1000x8xf32> -> vector<1000x8xf32>
    %transpose3A_70 = tpu.transpose %select_n3A_29, [1, 0] : vector<128x8xf32> -> vector<8x128xf32>
    %dot_general3A_71 = arith.constant dense<0.000000e+00> : vector<1000x128xf32>
    %dot_general3A_72 = tpu.matmul %dot_general3A_69, %transpose3A_70, %dot_general3A_71 {dimension_numbers = #tpu.dot_dimension_numbers<[1], [0], [0], [1], [0, 0, 1, 1], [], []>, transpose_lhs_hint = false} : vector<1000x8xf32>, vector<8x128xf32>, vector<1000x128xf32> -> vector<1000x128xf32>
    %mul3A_73 = arith.constant 6.250000e-02 : f32
    %mul3A_74 = vector.broadcast %mul3A_73 : f32 to vector<1000x128xf32>
    %mul3A_75 = arith.mulf %dot_general3A_72, %mul3A_74 : vector<1000x128xf32>
    %add3A_76 = arith.constant 9.99999997E-7 : f32
    %add3A_77 = vector.broadcast %add3A_76 : f32 to vector<1000x128xf32>
    %add3A_78 = arith.addf %mul3A_75, %add3A_77 : vector<1000x128xf32>
    %rsqrt3A_79 = math.rsqrt %add3A_78 : vector<1000x128xf32>
    %mul3A_80 = arith.mulf %dot_general3A_38, %rsqrt3A_79 : vector<1000x128xf32>
    %mul3A_81 = vector.broadcast %get3A_66 : vector<1x128xf32> to vector<1000x128xf32>
    %mul3A_82 = arith.mulf %mul3A_80, %mul3A_81 : vector<1000x128xf32>
    %mul3A_83 = arith.constant 1.000000e+00 : f32
    %mul3A_84 = vector.broadcast %mul3A_83 : f32 to vector<1000x128xf32>
    %mul3A_85 = arith.mulf %mul3A_82, %mul3A_84 : vector<1000x128xf32>
    %swap3A_86 = arith.constant 0 : index
    %swap3A_87 = arith.constant 0 : index
    %swap3A_88 = vector.load %arg8[%swap3A_86, %swap3A_87] : memref<1000x128xf32, #tpu.memory_space<vmem>>, vector<1000x128xf32>
    tpu.vector_store %arg8[%swap3A_86, %swap3A_87], %mul3A_85 {strides = array<i32>} : memref<1000x128xf32, #tpu.memory_space<vmem>>, vector<1000x128xf32>,
    %swap3A_89 = arith.constant 0 : index
    %swap3A_90 = arith.constant 0 : index
    %swap3A_91 = vector.load %arg9[%swap3A_89, %swap3A_90] : memref<1000x128xf32, #tpu.memory_space<vmem>>, vector<1000x128xf32>
    tpu.vector_store %arg9[%swap3A_89, %swap3A_90], %dot_general3A_43 {strides = array<i32>} : memref<1000x128xf32, #tpu.memory_space<vmem>>, vector<1000x128xf32>,
    return
  }
  func.func @transform_0(%arg0: i32) -> (i32, i32) {
    %c0_i32 = arith.constant 0 : i32
    %c0_i32_0 = arith.constant 0 : i32
    return %arg0, %c0_i32 : i32, i32
  }
  func.func @transform_1(%arg0: i32) -> (i32, i32) {
    %c0_i32 = arith.constant 0 : i32
    %c0_i32_0 = arith.constant 0 : i32
    %c0_i32_1 = arith.constant 0 : i32
    return %c0_i32, %c0_i32_0 : i32, i32
  }
  func.func @transform_2(%arg0: i32) -> (i32, i32) {
    %c0_i32 = arith.constant 0 : i32
    %c0_i32_0 = arith.constant 0 : i32
    %c0_i32_1 = arith.constant 0 : i32
    return %c0_i32, %c0_i32_0 : i32, i32
  }
  func.func @transform_3(%arg0: i32) -> (i32, i32) {
    %c0_i32 = arith.constant 0 : i32
    %c0_i32_0 = arith.constant 0 : i32
    %c0_i32_1 = arith.constant 0 : i32
    return %c0_i32, %c0_i32_0 : i32, i32
  }
  func.func @transform_4(%arg0: i32) -> (i32, i32) {
    %c0_i32 = arith.constant 0 : i32
    %c0_i32_0 = arith.constant 0 : i32
    %c0_i32_1 = arith.constant 0 : i32
    return %c0_i32, %c0_i32_0 : i32, i32
  }
  func.func @transform_5(%arg0: i32) -> (i32, i32) {
    %c0_i32 = arith.constant 0 : i32
    %c0_i32_0 = arith.constant 0 : i32
    %c0_i32_1 = arith.constant 0 : i32
    return %c0_i32, %c0_i32_0 : i32, i32
  }
  func.func @transform_6(%arg0: i32) -> (i32, i32) {
    %c0_i32 = arith.constant 0 : i32
    %c0_i32_0 = arith.constant 0 : i32
    return %arg0, %c0_i32 : i32, i32
  }
  func.func @transform_7(%arg0: i32) -> (i32, i32) {
    %c0_i32 = arith.constant 0 : i32
    %c0_i32_0 = arith.constant 0 : i32
    return %arg0, %c0_i32 : i32, i32
  }
  func.func @transform_8(%arg0: i32) -> (i32, i32) {
    %c0_i32 = arith.constant 0 : i32
    %c0_i32_0 = arith.constant 0 : i32
    return %arg0, %c0_i32 : i32, i32
  }
}

module attributes {stable_mosaic.version = 14 : i64} {
  func.func @_ematmul_body(%arg0: i32, %arg1: memref<4000x128xf32, #tpu.memory_space<vmem>>, %arg2: memref<128x128xf32, #tpu.memory_space<vmem>>, %arg3: memref<4000x128xf32, #tpu.memory_space<vmem>>) attributes {dimension_semantics = [#tpu.dimension_semantics<arbitrary>], iteration_bounds = array<i64: 80>, scalar_prefetch = 0 : i64, scratch_operands = 0 : i64, tpu.core_type = #tpu.core_type<tc>, window_params = [{transform_indices = @transform_0, window_bounds = array<i64: 4000, 128>}, {pipeline_mode = #tpu.pipeline_mode<synchronous>, transform_indices = @transform_1, window_bounds = array<i64: 128, 128>}, {transform_indices = @transform_2, window_bounds = array<i64: 4000, 128>}]} {
    %get3A = arith.constant 0 : index
    %get3A_0 = arith.constant 0 : index
    %get3A_1 = vector.load %arg1[%get3A, %get3A_0] : memref<4000x128xf32, #tpu.memory_space<vmem>>, vector<4000x128xf32>
    %get3A_2 = arith.constant 0 : index
    %get3A_3 = arith.constant 0 : index
    %get3A_4 = vector.load %arg2[%get3A_2, %get3A_3] : memref<128x128xf32, #tpu.memory_space<vmem>>, vector<128x128xf32>
    %dot_general3A = arith.constant dense<0.000000e+00> : vector<4000x128xf32>
    %dot_general3A_5 = tpu.matmul %get3A_1, %get3A_4, %dot_general3A {dimension_numbers = #tpu.dot_dimension_numbers<[1], [0], [0], [1], [0, 0, 1, 1], [], []>, transpose_lhs_hint = false} : vector<4000x128xf32>, vector<128x128xf32>, vector<4000x128xf32> -> vector<4000x128xf32>
    %swap3A = arith.constant 0 : index
    %swap3A_6 = arith.constant 0 : index
    %swap3A_7 = vector.load %arg3[%swap3A, %swap3A_6] : memref<4000x128xf32, #tpu.memory_space<vmem>>, vector<4000x128xf32>
    tpu.vector_store %arg3[%swap3A, %swap3A_6], %dot_general3A_5 {strides = array<i32>} : memref<4000x128xf32, #tpu.memory_space<vmem>>, vector<4000x128xf32>,
    return
  }
  func.func @transform_0(%arg0: i32) -> (i32, i32) {
    %c0_i32 = arith.constant 0 : i32
    %c0_i32_0 = arith.constant 0 : i32
    return %arg0, %c0_i32 : i32, i32
  }
  func.func @transform_1(%arg0: i32) -> (i32, i32) {
    %c0_i32 = arith.constant 0 : i32
    %c0_i32_0 = arith.constant 0 : i32
    %c0_i32_1 = arith.constant 0 : i32
    return %c0_i32, %c0_i32_0 : i32, i32
  }
  func.func @transform_2(%arg0: i32) -> (i32, i32) {
    %c0_i32 = arith.constant 0 : i32
    %c0_i32_0 = arith.constant 0 : i32
    return %arg0, %c0_i32 : i32, i32
  }
}

module attributes {stable_mosaic.version = 14 : i64} {
  func.func @_edge_body(%arg0: i32, %arg1: memref<4000x128xf32, #tpu.memory_space<vmem>>, %arg2: memref<4000x128xf32, #tpu.memory_space<vmem>>, %arg3: memref<4000x128xf32, #tpu.memory_space<vmem>>, %arg4: memref<4000x128xf32, #tpu.memory_space<vmem>>, %arg5: memref<4000x8xf32, #tpu.memory_space<vmem>>, %arg6: memref<4000x128xf32, #tpu.memory_space<vmem>>) attributes {dimension_semantics = [#tpu.dimension_semantics<arbitrary>], iteration_bounds = array<i64: 80>, scalar_prefetch = 0 : i64, scratch_operands = 0 : i64, tpu.core_type = #tpu.core_type<tc>, window_params = [{transform_indices = @transform_0, window_bounds = array<i64: 4000, 128>}, {transform_indices = @transform_1, window_bounds = array<i64: 4000, 128>}, {transform_indices = @transform_2, window_bounds = array<i64: 4000, 128>}, {transform_indices = @transform_3, window_bounds = array<i64: 4000, 128>}, {transform_indices = @transform_4, window_bounds = array<i64: 4000, 8>}, {transform_indices = @transform_5, window_bounds = array<i64: 4000, 128>}]} {
    %get3A = arith.constant 0 : index
    %get3A_0 = arith.constant 0 : index
    %get3A_1 = vector.load %arg1[%get3A, %get3A_0] : memref<4000x128xf32, #tpu.memory_space<vmem>>, vector<4000x128xf32>
    %get3A_2 = arith.constant 0 : index
    %get3A_3 = arith.constant 0 : index
    %get3A_4 = vector.load %arg3[%get3A_2, %get3A_3] : memref<4000x128xf32, #tpu.memory_space<vmem>>, vector<4000x128xf32>
    %add3A = arith.addf %get3A_4, %get3A_1 : vector<4000x128xf32>
    %get3A_5 = arith.constant 0 : index
    %get3A_6 = arith.constant 0 : index
    %get3A_7 = vector.load %arg4[%get3A_5, %get3A_6] : memref<4000x128xf32, #tpu.memory_space<vmem>>, vector<4000x128xf32>
    %add3A_8 = arith.addf %get3A_7, %get3A_1 : vector<4000x128xf32>
    %swap3A = arith.constant 0 : index
    %swap3A_9 = arith.constant 0 : index
    %swap3A_10 = vector.load %arg6[%swap3A, %swap3A_9] : memref<4000x128xf32, #tpu.memory_space<vmem>>, vector<4000x128xf32>
    tpu.vector_store %arg6[%swap3A, %swap3A_9], %add3A_8 {strides = array<i32>} : memref<4000x128xf32, #tpu.memory_space<vmem>>, vector<4000x128xf32>,
    %get3A_11 = arith.constant 0 : index
    %get3A_12 = arith.constant 0 : index
    %get3A_13 = vector.load %arg2[%get3A_11, %get3A_12] : memref<4000x128xf32, #tpu.memory_space<vmem>>, vector<4000x128xf32>
    %mul3A = arith.mulf %get3A_13, %add3A : vector<4000x128xf32>
    %iota3A = tpu.iota {dimensions = array<i32: 0>} : vector<128x8xi32>
    %iota3A_14 = tpu.iota {dimensions = array<i32: 1>} : vector<128x8xi32>
    %jit3A = arith.constant 16 : i32
    %div3A = vector.broadcast %jit3A : i32 to vector<128x8xi32>
    %div3A_15 = arith.divsi %iota3A, %div3A : vector<128x8xi32>
    %sign3A = arith.constant 0 : i32
    %sign3A_16 = vector.broadcast %sign3A : i32 to vector<128x8xi32>
    %sign3A_17 = arith.cmpi sgt, %iota3A, %sign3A_16 : vector<128x8xi32>
    %sign3A_18 = arith.extui %sign3A_17 : vector<128x8xi1> to vector<128x8xi32>
    %sign3A_19 = arith.constant 0 : i32
    %sign3A_20 = vector.broadcast %sign3A_19 : i32 to vector<128x8xi32>
    %sign3A_21 = arith.cmpi slt, %iota3A, %sign3A_20 : vector<128x8xi32>
    %sign3A_22 = arith.extui %sign3A_21 : vector<128x8xi1> to vector<128x8xi32>
    %sign3A_23 = arith.subi %sign3A_18, %sign3A_22 : vector<128x8xi32>
    %sign3A_24 = arith.constant 0 : i32
    %sign3A_25 = arith.cmpi sgt, %jit3A, %sign3A_24 : i32
    %sign3A_26 = arith.extui %sign3A_25 : i1 to i32
    %sign3A_27 = arith.constant 0 : i32
    %sign3A_28 = arith.cmpi slt, %jit3A, %sign3A_27 : i32
    %sign3A_29 = arith.extui %sign3A_28 : i1 to i32
    %sign3A_30 = arith.subi %sign3A_26, %sign3A_29 : i32
    %ne3A = vector.broadcast %sign3A_30 : i32 to vector<128x8xi32>
    %ne3A_31 = arith.cmpi ne, %sign3A_23, %ne3A : vector<128x8xi32>
    %rem3A = vector.broadcast %jit3A : i32 to vector<128x8xi32>
    %rem3A_32 = arith.remsi %iota3A, %rem3A : vector<128x8xi32>
    %ne3A_33 = arith.constant 0 : i32
    %ne3A_34 = vector.broadcast %ne3A_33 : i32 to vector<128x8xi32>
    %ne3A_35 = arith.cmpi ne, %rem3A_32, %ne3A_34 : vector<128x8xi32>
    %and3A = arith.andi %ne3A_31, %ne3A_35 : vector<128x8xi1>
    %sub3A = arith.constant 1 : i32
    %sub3A_36 = vector.broadcast %sub3A : i32 to vector<128x8xi32>
    %sub3A_37 = arith.subi %div3A_15, %sub3A_36 : vector<128x8xi32>
    %select_n3A = arith.select %and3A, %sub3A_37, %div3A_15 : vector<128x8xi1>, vector<128x8xi32>
    %eq3A = arith.cmpi eq, %select_n3A, %iota3A_14 : vector<128x8xi32>
    %jit3A_38 = arith.constant 1.000000e+00 : f32
    %jit3A_39 = arith.constant 0.000000e+00 : f32
    %broadcast_in_dim3A = vector.broadcast %jit3A_38 : f32 to vector<128x8xf32>
    %broadcast_in_dim3A_40 = vector.broadcast %jit3A_39 : f32 to vector<128x8xf32>
    %select_n3A_41 = arith.select %eq3A, %broadcast_in_dim3A, %broadcast_in_dim3A_40 : vector<128x8xi1>, vector<128x8xf32>
    %dot_general3A = arith.constant dense<0.000000e+00> : vector<4000x8xf32>
    %dot_general3A_42 = tpu.matmul %mul3A, %select_n3A_41, %dot_general3A {dimension_numbers = #tpu.dot_dimension_numbers<[1], [0], [0], [1], [0, 0, 1, 1], [], []>, transpose_lhs_hint = false} : vector<4000x128xf32>, vector<128x8xf32>, vector<4000x8xf32> -> vector<4000x8xf32>
    %swap3A_43 = arith.constant 0 : index
    %swap3A_44 = arith.constant 0 : index
    %swap3A_45 = vector.load %arg5[%swap3A_43, %swap3A_44] : memref<4000x8xf32, #tpu.memory_space<vmem>>, vector<4000x8xf32>
    tpu.vector_store %arg5[%swap3A_43, %swap3A_44], %dot_general3A_42 {strides = array<i32>} : memref<4000x8xf32, #tpu.memory_space<vmem>>, vector<4000x8xf32>,
    return
  }
  func.func @transform_0(%arg0: i32) -> (i32, i32) {
    %c0_i32 = arith.constant 0 : i32
    %c0_i32_0 = arith.constant 0 : i32
    return %arg0, %c0_i32 : i32, i32
  }
  func.func @transform_1(%arg0: i32) -> (i32, i32) {
    %c0_i32 = arith.constant 0 : i32
    %c0_i32_0 = arith.constant 0 : i32
    return %arg0, %c0_i32 : i32, i32
  }
  func.func @transform_2(%arg0: i32) -> (i32, i32) {
    %c0_i32 = arith.constant 0 : i32
    %c0_i32_0 = arith.constant 0 : i32
    return %arg0, %c0_i32 : i32, i32
  }
  func.func @transform_3(%arg0: i32) -> (i32, i32) {
    %c0_i32 = arith.constant 0 : i32
    %c0_i32_0 = arith.constant 0 : i32
    return %arg0, %c0_i32 : i32, i32
  }
  func.func @transform_4(%arg0: i32) -> (i32, i32) {
    %c0_i32 = arith.constant 0 : i32
    %c0_i32_0 = arith.constant 0 : i32
    return %arg0, %c0_i32 : i32, i32
  }
  func.func @transform_5(%arg0: i32) -> (i32, i32) {
    %c0_i32 = arith.constant 0 : i32
    %c0_i32_0 = arith.constant 0 : i32
    return %arg0, %c0_i32 : i32, i32
  }
}

module attributes {stable_mosaic.version = 14 : i64} {
  func.func @_alpha_body(%arg0: i32, %arg1: memref<4000x8xf32, #tpu.memory_space<vmem>>, %arg2: memref<4000x8xf32, #tpu.memory_space<vmem>>, %arg3: memref<4000x128xf32, #tpu.memory_space<vmem>>, %arg4: memref<4000x128xf32, #tpu.memory_space<vmem>>, %arg5: memref<4000x128xf32, #tpu.memory_space<vmem>>) attributes {dimension_semantics = [#tpu.dimension_semantics<arbitrary>], iteration_bounds = array<i64: 80>, scalar_prefetch = 0 : i64, scratch_operands = 0 : i64, tpu.core_type = #tpu.core_type<tc>, window_params = [{transform_indices = @transform_0, window_bounds = array<i64: 4000, 8>}, {transform_indices = @transform_1, window_bounds = array<i64: 4000, 8>}, {transform_indices = @transform_2, window_bounds = array<i64: 4000, 128>}, {transform_indices = @transform_3, window_bounds = array<i64: 4000, 128>}, {transform_indices = @transform_4, window_bounds = array<i64: 4000, 128>}]} {
    %get3A = arith.constant 0 : index
    %get3A_0 = arith.constant 0 : index
    %get3A_1 = vector.load %arg1[%get3A, %get3A_0] : memref<4000x8xf32, #tpu.memory_space<vmem>>, vector<4000x8xf32>
    %get3A_2 = arith.constant 0 : index
    %get3A_3 = arith.constant 0 : index
    %get3A_4 = vector.load %arg2[%get3A_2, %get3A_3] : memref<4000x8xf32, #tpu.memory_space<vmem>>, vector<4000x8xf32>
    %sub3A = arith.subf %get3A_1, %get3A_4 : vector<4000x8xf32>
    %exp3A = math.exp %sub3A : vector<4000x8xf32>
    %iota3A = tpu.iota {dimensions = array<i32: 1>} : vector<8x128xi32>
    %iota3A_5 = tpu.iota {dimensions = array<i32: 0>} : vector<8x128xi32>
    %jit3A = arith.constant 16 : i32
    %div3A = vector.broadcast %jit3A : i32 to vector<8x128xi32>
    %div3A_6 = arith.divsi %iota3A, %div3A : vector<8x128xi32>
    %sign3A = arith.constant 0 : i32
    %sign3A_7 = vector.broadcast %sign3A : i32 to vector<8x128xi32>
    %sign3A_8 = arith.cmpi sgt, %iota3A, %sign3A_7 : vector<8x128xi32>
    %sign3A_9 = arith.extui %sign3A_8 : vector<8x128xi1> to vector<8x128xi32>
    %sign3A_10 = arith.constant 0 : i32
    %sign3A_11 = vector.broadcast %sign3A_10 : i32 to vector<8x128xi32>
    %sign3A_12 = arith.cmpi slt, %iota3A, %sign3A_11 : vector<8x128xi32>
    %sign3A_13 = arith.extui %sign3A_12 : vector<8x128xi1> to vector<8x128xi32>
    %sign3A_14 = arith.subi %sign3A_9, %sign3A_13 : vector<8x128xi32>
    %sign3A_15 = arith.constant 0 : i32
    %sign3A_16 = arith.cmpi sgt, %jit3A, %sign3A_15 : i32
    %sign3A_17 = arith.extui %sign3A_16 : i1 to i32
    %sign3A_18 = arith.constant 0 : i32
    %sign3A_19 = arith.cmpi slt, %jit3A, %sign3A_18 : i32
    %sign3A_20 = arith.extui %sign3A_19 : i1 to i32
    %sign3A_21 = arith.subi %sign3A_17, %sign3A_20 : i32
    %ne3A = vector.broadcast %sign3A_21 : i32 to vector<8x128xi32>
    %ne3A_22 = arith.cmpi ne, %sign3A_14, %ne3A : vector<8x128xi32>
    %rem3A = vector.broadcast %jit3A : i32 to vector<8x128xi32>
    %rem3A_23 = arith.remsi %iota3A, %rem3A : vector<8x128xi32>
    %ne3A_24 = arith.constant 0 : i32
    %ne3A_25 = vector.broadcast %ne3A_24 : i32 to vector<8x128xi32>
    %ne3A_26 = arith.cmpi ne, %rem3A_23, %ne3A_25 : vector<8x128xi32>
    %and3A = arith.andi %ne3A_22, %ne3A_26 : vector<8x128xi1>
    %sub3A_27 = arith.constant 1 : i32
    %sub3A_28 = vector.broadcast %sub3A_27 : i32 to vector<8x128xi32>
    %sub3A_29 = arith.subi %div3A_6, %sub3A_28 : vector<8x128xi32>
    %select_n3A = arith.select %and3A, %sub3A_29, %div3A_6 : vector<8x128xi1>, vector<8x128xi32>
    %eq3A = arith.cmpi eq, %select_n3A, %iota3A_5 : vector<8x128xi32>
    %jit3A_30 = arith.constant 1.000000e+00 : f32
    %jit3A_31 = arith.constant 0.000000e+00 : f32
    %broadcast_in_dim3A = vector.broadcast %jit3A_30 : f32 to vector<8x128xf32>
    %broadcast_in_dim3A_32 = vector.broadcast %jit3A_31 : f32 to vector<8x128xf32>
    %select_n3A_33 = arith.select %eq3A, %broadcast_in_dim3A, %broadcast_in_dim3A_32 : vector<8x128xi1>, vector<8x128xf32>
    %dot_general3A = arith.constant dense<0.000000e+00> : vector<4000x128xf32>
    %dot_general3A_34 = tpu.matmul %exp3A, %select_n3A_33, %dot_general3A {dimension_numbers = #tpu.dot_dimension_numbers<[1], [0], [0], [1], [0, 0, 1, 1], [], []>, transpose_lhs_hint = false} : vector<4000x8xf32>, vector<8x128xf32>, vector<4000x128xf32> -> vector<4000x128xf32>
    %get3A_35 = arith.constant 0 : index
    %get3A_36 = arith.constant 0 : index
    %get3A_37 = vector.load %arg3[%get3A_35, %get3A_36] : memref<4000x128xf32, #tpu.memory_space<vmem>>, vector<4000x128xf32>
    %mul3A = arith.mulf %dot_general3A_34, %get3A_37 : vector<4000x128xf32>
    %swap3A = arith.constant 0 : index
    %swap3A_38 = arith.constant 0 : index
    %swap3A_39 = vector.load %arg4[%swap3A, %swap3A_38] : memref<4000x128xf32, #tpu.memory_space<vmem>>, vector<4000x128xf32>
    tpu.vector_store %arg4[%swap3A, %swap3A_38], %mul3A {strides = array<i32>} : memref<4000x128xf32, #tpu.memory_space<vmem>>, vector<4000x128xf32>,
    %swap3A_40 = arith.constant 0 : index
    %swap3A_41 = arith.constant 0 : index
    %swap3A_42 = vector.load %arg5[%swap3A_40, %swap3A_41] : memref<4000x128xf32, #tpu.memory_space<vmem>>, vector<4000x128xf32>
    tpu.vector_store %arg5[%swap3A_40, %swap3A_41], %dot_general3A_34 {strides = array<i32>} : memref<4000x128xf32, #tpu.memory_space<vmem>>, vector<4000x128xf32>,
    return
  }
  func.func @transform_0(%arg0: i32) -> (i32, i32) {
    %c0_i32 = arith.constant 0 : i32
    %c0_i32_0 = arith.constant 0 : i32
    return %arg0, %c0_i32 : i32, i32
  }
  func.func @transform_1(%arg0: i32) -> (i32, i32) {
    %c0_i32 = arith.constant 0 : i32
    %c0_i32_0 = arith.constant 0 : i32
    return %arg0, %c0_i32 : i32, i32
  }
  func.func @transform_2(%arg0: i32) -> (i32, i32) {
    %c0_i32 = arith.constant 0 : i32
    %c0_i32_0 = arith.constant 0 : i32
    return %arg0, %c0_i32 : i32, i32
  }
  func.func @transform_3(%arg0: i32) -> (i32, i32) {
    %c0_i32 = arith.constant 0 : i32
    %c0_i32_0 = arith.constant 0 : i32
    return %arg0, %c0_i32 : i32, i32
  }
  func.func @transform_4(%arg0: i32) -> (i32, i32) {
    %c0_i32 = arith.constant 0 : i32
    %c0_i32_0 = arith.constant 0 : i32
    return %arg0, %c0_i32 : i32, i32
  }
}

module attributes {stable_mosaic.version = 14 : i64} {
  func.func @_finish_body(%arg0: i32, %arg1: memref<2x1000x128xf32, #tpu.memory_space<vmem>>, %arg2: memref<128x128xf32, #tpu.memory_space<vmem>>, %arg3: memref<1000x128xf32, #tpu.memory_space<vmem>>) attributes {dimension_semantics = [#tpu.dimension_semantics<arbitrary>], iteration_bounds = array<i64: 10>, scalar_prefetch = 0 : i64, scratch_operands = 0 : i64, tpu.core_type = #tpu.core_type<tc>, window_params = [{transform_indices = @transform_0, window_bounds = array<i64: 2, 1000, 128>}, {pipeline_mode = #tpu.pipeline_mode<synchronous>, transform_indices = @transform_1, window_bounds = array<i64: 128, 128>}, {transform_indices = @transform_2, window_bounds = array<i64: 1000, 128>}]} {
    %get3A = arith.constant 0 : index
    %get3A_0 = arith.constant 0 : index
    %get3A_1 = arith.constant 0 : index
    %get3A_2 = vector.load %arg1[%get3A, %get3A_0, %get3A_1] : memref<2x1000x128xf32, #tpu.memory_space<vmem>>, vector<1x1000x128xf32>
    %get3A_3 = vector.shape_cast %get3A_2 : vector<1x1000x128xf32> to vector<1000x128xf32>
    %get3A_4 = arith.constant 1 : index
    %get3A_5 = arith.constant 0 : index
    %get3A_6 = arith.constant 0 : index
    %get3A_7 = vector.load %arg1[%get3A_4, %get3A_5, %get3A_6] : memref<2x1000x128xf32, #tpu.memory_space<vmem>>, vector<1x1000x128xf32>
    %get3A_8 = vector.shape_cast %get3A_7 : vector<1x1000x128xf32> to vector<1000x128xf32>
    %gt3A = arith.constant 0.000000e+00 : f32
    %gt3A_9 = vector.broadcast %gt3A : f32 to vector<1000x128xf32>
    %gt3A_10 = arith.cmpf ogt, %get3A_8, %gt3A_9 : vector<1000x128xf32>
    %jit3A = arith.constant 1.000000e+00 : f32
    %broadcast_in_dim3A = vector.broadcast %jit3A : f32 to vector<1000x128xf32>
    %select_n3A = arith.select %gt3A_10, %get3A_8, %broadcast_in_dim3A : vector<1000x128xi1>, vector<1000x128xf32>
    %div3A = arith.divf %get3A_3, %select_n3A : vector<1000x128xf32>
    %get3A_11 = arith.constant 0 : index
    %get3A_12 = arith.constant 0 : index
    %get3A_13 = vector.load %arg2[%get3A_11, %get3A_12] : memref<128x128xf32, #tpu.memory_space<vmem>>, vector<128x128xf32>
    %dot_general3A = arith.constant dense<0.000000e+00> : vector<1000x128xf32>
    %dot_general3A_14 = tpu.matmul %div3A, %get3A_13, %dot_general3A {dimension_numbers = #tpu.dot_dimension_numbers<[1], [0], [0], [1], [0, 0, 1, 1], [], []>, transpose_lhs_hint = false} : vector<1000x128xf32>, vector<128x128xf32>, vector<1000x128xf32> -> vector<1000x128xf32>
    %swap3A = arith.constant 0 : index
    %swap3A_15 = arith.constant 0 : index
    %swap3A_16 = vector.load %arg3[%swap3A, %swap3A_15] : memref<1000x128xf32, #tpu.memory_space<vmem>>, vector<1000x128xf32>
    tpu.vector_store %arg3[%swap3A, %swap3A_15], %dot_general3A_14 {strides = array<i32>} : memref<1000x128xf32, #tpu.memory_space<vmem>>, vector<1000x128xf32>,
    return
  }
  func.func @transform_0(%arg0: i32) -> (i32, i32, i32) {
    %c0_i32 = arith.constant 0 : i32
    %c0_i32_0 = arith.constant 0 : i32
    %c0_i32_1 = arith.constant 0 : i32
    return %c0_i32, %arg0, %c0_i32_0 : i32, i32, i32
  }
  func.func @transform_1(%arg0: i32) -> (i32, i32) {
    %c0_i32 = arith.constant 0 : i32
    %c0_i32_0 = arith.constant 0 : i32
    %c0_i32_1 = arith.constant 0 : i32
    return %c0_i32, %c0_i32_0 : i32, i32
  }
  func.func @transform_2(%arg0: i32) -> (i32, i32) {
    %c0_i32 = arith.constant 0 : i32
    %c0_i32_0 = arith.constant 0 : i32
    return %arg0, %c0_i32 : i32, i32
  }
}

</mosaic_0001>

<sc_bundles>
// kernel: kernel.10.cloned.1.call-start
scs
__scs_entry_jumppad:
0x0: {  	(pc) =	sbr.rel $0x88, $3  }
0x1: {  	(tag) =	ssettag $0x0;
	lr =	simm.s32 $0x1  }
0x2: {  	[smem:$0x3F97] =	sst lr;
	_ =	strace $0xD0000000  }
0x3: {  	_ = 	snop  }
0x4: {  	_ = 	snop  }
0x5: {  	_ = 	snop  }
0x6: {  	_ = 	snop  }
0x7: {  	_ = 	snop  }
__scs_overlays_trampoline_lowered:
0x8: {  	[smem:$0x3FA6] =	sst s0  }
0x9: {  	[smem:$0x3FA7] =	sst s1  }
0xa: {  	[smem:$0x3FA8] =	sst s2  }
0xb: {  	[smem:$0x3FA9] =	sst s3  }
0xc: {  	[smem:$0x3FAA] =	sst s4  }
0xd: {  	[smem:$0x3FAB] =	sst s5  }
0xe: {  	[smem:$0x3FAC] =	sst s6  }
0xf: {  	[smem:$0x3FAD] =	sst s7  }
0x10: {  	[smem:$0x3FAE] =	sst s8  }
0x11: {  	[smem:$0x3FAF] =	sst s9;
	s0 =	simm.s32 @!p0 $0x0  }
0x12: {  	s1 =	sld [smem:$0x3F95];
	s0 =	simm.s32 @p0 $0x1  }
0x13: {  	[smem:$0x3FB0] =	sst s0;
	s0 =	simm.s32 @!p1 $0x0  }
0x14: {  	s2 =	sld [smem:$0x3F94];
	s0 =	simm.s32 @p1 $0x1  }
0x15: {  	[smem:$0x3FB1] =	sst s0;
	s0 =	simm.s32 @!p2 $0x0  }
0x16: {  	s3 =	sld [smem:$0x3FDB];
	s0 =	simm.s32 @p2 $0x1  }
0x17: {  	s4 =	simm.s32 $0x1BF5;
	[smem:$0x3FB3] =	sst s0  }
0x18: {  	s0 =	sld [smem:$0x3F96];
	_ =	swait.ge [sflag:s4], $0x0  }
0x19: {  	s7 =	sld [smem:$0x3F97]  }
0x1a: {  	s8 =	sadd.s32 $0xFFFFE003, lr  }
0x1b: {  	s9 =	sadd.s32 $0xFFFFFEF7, lr;
	s5 =	simm.s32 $0xFFFFFFFF;
	p2 =	slt.u32 s8, $0xFFFFF086  }
0x1c: {  	p1 =	slt.u32 s9, $0xF7A;
	s5 =	simm.s32 @!p2 $0x0  }
0x1d: {  	s5 =	simm.s32 @p1 $0x1;
	p0 =	seq.s32 s7, s2  }
0x1e: {  	s7 =	smul.u32 @!p0 $0xF7A, s2;
	p2 =	seq.s32 @!p0 s5, $0x0  }
0x1f: {  	s9 =	smul.u32 $0xF7A, s1;
	s8 =	simm.s32 @!p0 $0x1BF5;
	p2 =	por !p2, p0  }
0x20: {  	[sflag:s8] =	ssyncset.s32 @!p0 $0xFFFFF086;
	s6 =	sadd.s32 @!p0 s3, s7;
	s7 =	simm.s32 @!p0 $0x108  }
0x21: {  	s3 =	sadd.s32 s3, s9;
	s6 =	sadd.s32 @!p0 $0x88, s6;
	s7 =	simm.s32 @p2 $0x1082  }
0x22: {  	[simem:s7], [sflag:s8] =	dma.local @!p0 [hbm:s6], $0xF7A  }
0x23: {  	s9 =	sor.u32 $0xD0000000, s2;
	s6 =	simm.s32 $0x108;
	_ =	swait.ge @!p0 [sflag:s8], $0x0  }
0x24: {  	s3 =	sadd.s32 $0x88, s3;
	s6 =	simm.s32 @!p1 $0x1082;
	[sflag:s4] =	ssyncset.s32 $0xFFFFF086  }
0x25: {  	[simem:s6], [sflag:s4] =	dma.local [hbm:s3], $0xF7A  }
0x26: {  	[smem:$0x3F97] =	sst s1;
	(tag) =	ssettag s2;
	_ =	strace s9  }
0x27: {  	s1 =	sld [smem:$0x3FA7]  }
0x28: {  	s2 =	sld [smem:$0x3FA8]  }
0x29: {  	s4 =	sld [smem:$0x3FAA]  }
0x2a: {  	p0 =	seq.s32 s5, $0x0;
	s5 =	sld [smem:$0x3FAB]  }
0x2b: {  	s6 =	sld [smem:$0x3FAC]  }
0x2c: {  	s7 =	sld [smem:$0x3FAD]  }
0x2d: {  	s3 =	simm.s32 $0x108;
	s8 =	sld [smem:$0x3FAE]  }
0x2e: {  	s3 =	simm.s32 @!p0 $0x1082;
	s9 =	sld [smem:$0x3FAF]  }
0x2f: {  	lr =	sadd.s32 s0, s3;
	s0 =	sld [smem:$0x3FA6]  }
0x30: {  	s3 =	sld [smem:$0x3FA9]  }
0x31: {  	[smem:$0x3FB2] =	sst s10  }
0x32: {  	s10 =	sld [smem:$0x3FB0];
	_ =	sdelay $0x3  }
0x33: {  	p0 =	seq.s32 s10, $0x1;
	s10 =	sld [smem:$0x3FB2];
	_ =	sdelay $0x3  }
0x34: {  	[smem:$0x3FB2] =	sst s10  }
0x35: {  	s10 =	sld [smem:$0x3FB1];
	_ =	sdelay $0x3  }
0x36: {  	p1 =	seq.s32 s10, $0x1;
	s10 =	sld [smem:$0x3FB2];
	_ =	sdelay $0x3  }
0x37: {  	[smem:$0x3FB2] =	sst s10  }
0x38: {  	s10 =	sld [smem:$0x3FB3]  }
0x39: {  	_ = 	snop;
	(pc) =	sbr.ind lr, $3  }
0x3a: {  	_ = 	snop  }
0x3b: {  	_ = 	snop  }
0x3c: {  	p2 =	seq.s32 s10, $0x1;
	s10 =	sld [smem:$0x3FB2]  }
0x3d: {  	_ =	shalt  }
0x3e: {  	_ =	shalt  }
0x3f: {  	_ =	shalt  }
0x40: {  	_ =	shalt  }
0x41: {  	_ =	shalt  }
0x42: {  	_ =	shalt  }
0x43: {  	_ =	shalt  }
0x44: {  	_ =	shalt  }
0x45: {  	_ =	shalt  }
0x46: {  	_ =	shalt  }
0x47: {  	_ =	shalt  }
0x48: {  	_ =	shalt  }
0x49: {  	_ =	shalt  }
0x4a: {  	_ =	shalt  }
0x4b: {  	_ =	shalt  }
0x4c: {  	_ =	shalt  }
0x4d: {  	_ =	shalt  }
0x4e: {  	_ =	shalt  }
0x4f: {  	_ =	shalt  }
0x50: {  	_ =	shalt  }
0x51: {  	_ =	shalt  }
0x52: {  	_ =	shalt  }
0x53: {  	_ =	shalt  }
0x54: {  	_ =	shalt  }
0x55: {  	_ =	shalt  }
0x56: {  	_ =	shalt  }
0x57: {  	_ =	shalt  }
0x58: {  	_ =	shalt  }
0x59: {  	_ =	shalt  }
0x5a: {  	_ =	shalt  }
0x5b: {  	_ =	shalt  }
0x5c: {  	_ =	shalt  }
0x5d: {  	_ =	shalt  }
0x5e: {  	_ =	shalt  }
0x5f: {  	_ =	shalt  }
0x60: {  	_ =	shalt  }
0x61: {  	_ =	shalt  }
0x62: {  	_ =	shalt  }
0x63: {  	_ =	shalt  }
0x64: {  	_ =	shalt  }
0x65: {  	_ =	shalt  }
0x66: {  	_ =	shalt  }
0x67: {  	_ =	shalt  }
0x68: {  	_ =	shalt  }
0x69: {  	_ =	shalt  }
0x6a: {  	_ =	shalt  }
0x6b: {  	_ =	shalt  }
0x6c: {  	_ =	shalt  }
0x6d: {  	_ =	shalt  }
0x6e: {  	_ =	shalt  }
0x6f: {  	_ =	shalt  }
0x70: {  	_ =	shalt  }
0x71: {  	_ =	shalt  }
0x72: {  	_ =	shalt  }
0x73: {  	_ =	shalt  }
0x74: {  	_ =	shalt  }
0x75: {  	_ =	shalt  }
0x76: {  	_ =	shalt  }
0x77: {  	_ =	shalt  }
0x78: {  	_ =	shalt  }
0x79: {  	_ =	shalt  }
0x7a: {  	_ =	shalt  }
0x7b: {  	_ =	shalt  }
0x7c: {  	_ =	shalt  }
0x7d: {  	_ =	shalt  }
0x7e: {  	_ =	shalt  }
0x7f: {  	_ =	shalt  }
0x80: {  	_ =	shalt  }
0x81: {  	_ =	shalt  }
0x82: {  	_ =	shalt  }
0x83: {  	_ =	shalt  }
0x84: {  	_ =	shalt  }
0x85: {  	_ =	shalt  }
0x86: {  	_ =	shalt  }
0x87: {  	_ =	shalt  }
.Lfunc_end0:
.L_simem_size_0:
called_computation.1_lowered:
.L_overlay_start_0:
0x88: {  	s2 =	sld [smem:$0x3FD9]  }
0x89: {  	s3 =	sld [smem:$0x3FFE];
	_ =	sdelay $0x1  }
0x8a: {  	s1 =	srdreg.scid  }
0x8b: {  	s0 =	sand.u32 $0x1, s1  }
0x8c: {  	s17 =	sshll.u32 s0, $0xA;
	s2 =	sadd.s32 s3, s2  }
0x8d: {  	s2 =	sadd.s32 s2, s17  }
0x8e: {  	[smem:$0x3FBE] =	sst s2  }
0x8f: {  	_ = 	snop  }
0x90: {  	s2 =	sld [smem:$0x3FD0];
	(tm) =	ssettm $0x1  }
0x91: {  	s18 =	sld [smem:$0x3FFB];
	_ =	sdelay $0x3  }
0x92: {  	_ =	strace s18  }
0x93: {  	s3 =	sld [smem:$0x3FFC];
	_ =	sdelay $0x3  }
0x94: {  	_ =	strace s3  }
0x95: {  	s3 =	sld [smem:$0x3FFD];
	_ =	sdelay $0x3  }
0x96: {  	_ =	strace s3  }
0x97: {  	_ =	strace $0x8FFFFFFF  }
0x98: {  	s19 =	sld [smem:$0x3FDB];
	_ =	sdelay $0x1  }
0x99: {  	s4 =	simm.s32 $_scs_section_size  }
0x9a: {  	s5 =	simm.s32 $_size__tile_overlayer_lowered;
	s6 =	simm.s32 $_tile_overlayer_lowered  }
0x9b: {  	s22 =	simm.s32 $0x1BFF;
	s21 =	sshll.u32 s6, $0x1;
	s3 =	sadd.s32 s4, s19  }
0x9c: {  	s7 =	simm.s32 $0x0;
	s20 =	sshll.u32 s5, $0x1;
	s5 =	sadd.s32 s21, s3  }
0x9d: {  	[timem:s7], [sflag:s22] =	dma.local [hbm:s5], s20  }
0x9e: {  	_ =	swait.ge [sflag:s22], s20  }
0x9f: {  	s4 =	ssub.s32 $0x0, s20;
	[sflag:s22] =	ssyncset.done $0x0  }
0xa0: {  	[sflag:s22] =	ssyncadd.s32 s4;
	_ =	sdelay $0x1  }
0xa1: {  	s23 =	simm.s32 $0x1B8B  }
0xa2: {  	_ =	swait.ge [sflag:s23], $0x1  }
0xa3: {  	[sflag:s23] =	ssyncset.done $0x0  }
0xa4: {  	s25 =	simm.s32 $0x1B8E;
	s24 =	sld [smem:$0x3FFE];
	[sflag:s23] =	ssyncadd.s32 $0xFFFFFFFF  }
0xa5: {  	s26 =	simm.s32 $execute0_lowered;
	[smem:$0x3FD2] =	sst s25  }
0xa6: {  	s5 =	sshll.u32 s26, $0x1;
	_ =	strace $0x80000046;
	[dreg:$0x1] =	wrdreg $0xFFFFFFFF  }
0xa7: {  	s28 =	simm.s32 $_size_execute0_lowered;
	s3 =	sadd.s32 s3, s5;
	[dreg:$0x0] =	wrdreg $0x0  }
0xa8: {  	s5 =	sshll.u32 s28, $0x1;
	[dreg:$0x2] =	wrdreg s3  }
0xa9: {  	[dreg:$0x3] =	wrdreg s5  }
0xaa: {  	[dreg:$0x4] =	wrdreg $0xC0  }
0xab: {  	_ =	task [dreg:s7], $0x5FFFF  }
0xac: {  	[dreg:$0x1] =	wrdreg $0xFFFFFFFF  }
0xad: {  	[dreg:$0x0] =	wrdreg $0x60  }
0xae: {  	[dreg:$0x2] =	wrdreg s2  }
0xaf: {  	[dreg:$0x3] =	wrdreg s24  }
0xb0: {  	[dreg:$0x4] =	wrdreg $0x9  }
0xb1: {  	_ =	task.clear_ibuf [dreg:s7], $0x5FFFF;
	_ =	strace $0x90000046  }
0xb2: {  	s29 =	simm.s32 $0x9;
	_ =	strace $0x80000048  }
0xb3: {  	_ =	swait.ge [sflag:s29], $0x1  }
0xb4: {  	[sflag:s29] =	ssyncadd.s32 $0xFFFFFFFF  }
0xb5: {  	_ =	strace $0x90000048  }
0xb6: {  	_ =	sfence  }
0xb7: {  	s30 =	sld [smem:$0x0];
	_ =	sdelay $0x2  }
0xb8: {  	s31 =	sshll.u32 s1, $0xD;
	s1 =	sshrl.u32 s1, $0x2  }
0xb9: {  	s3 =	sand.u32 $0x4000, s31;
	s1 =	sadd.s32 s1, s30  }
0xba: {  	s0 =	sor.u32 s3, s0;
	s1 =	sshll.u32 s1, $0x11  }
0xbb: {  	s0 =	sor.u32 s1, s0  }
0xbc: {  	s0 =	sadd.s32 $0x8F2B, s0  }
0xbd: {  	[sflag:s0] =	ssyncadd.remote.s32 $0x1  }
0xbe: {  	_ =	sfence.sel $0xFFFF  }
0xbf: {  	[dreg:$0x0] =	wrdreg $0xFFFFFFFF;
	(pc) =	sbr.abs _section_cstart, $3  }
0xc0: {  	[dreg:$0x1] =	wrdreg $0xFFFFFFFF  }
0xc1: {  	_ =	task.clear_ibuf [dreg:s7], $0x2FFFF;
	_ =	strace $0x9FFFFFFF  }
0xc2: {  	(tm) =	ssettm $0x7FFFFFFF  }
0xc3: {  	_ =	shalt  }
tec
execute0_lowered:
.L_overlay_start_1:
0x0: {  	(tag) =	ssettag $0x1  }
0x1: {  	s2 =	rddreg [dreg:$0x0]  }
0x2: {  	s6 =	rddreg [dreg:$0x1]  }
0x3: {  	s0 =	rddreg [dreg:$0x2]  }
0x4: {  	s4 =	srdreg.scid;
	s1 =	stileid.u32;
	s3 =	simm.s32 $0x0  }
0x5: {  	s12 =	simm.s32 $0x4;
	s13 =	simm.s32 $0x80;
	s14 =	simm.s32 $0x50  }
0x6: {  	s15 =	simm.s32 $0x100;
	s16 =	simm.s32 $0x2900;
	s17 =	simm.s32 $0x5100  }
0x7: {  	s18 =	simm.s32 $0x1;
	s19 =	simm.s32 $0x2;
	s8 =	smul.u32 $0x4E20, s1  }
0x8: {  	s20 =	simm.s32 $0x3;
	s7 =	sand.u32 $0x1, s4;
	s10 =	smul.u32 $0x4E200, s1  }
0x9: {  	s21 =	simm.s32 $0x0;
	[smem:$0x7FF] =	sst s3;
	s9 =	smul.u32 $0x2710, s7  }
0xa: {  	s4 =	sadd.s32 $0x15400, s6;
	s11 =	smul.u32 $0x27100, s7;
	s7 =	ssub.s32 $0x2, s7  }
0xb: {  	s5 =	sadd.s32 $0x3C600, s6;
	_ =	strace $0x80000047;
	s30 =	sshrl.u32 s7, $0x1  }
0xc: {  	s29 =	sadd.s32 s10, s6;
	s8 =	sadd.s32 s9, s8;
	s7 =	ssub.s32 s7, s30  }
0xd: {  	s9 =	sadd.s32 s11, s29;
	s8 =	sshrl.u32 s8, $0x3;
	s7 =	smax.u32 s7, $0x1  }
0xe: {  	s31 =	sadd.s32 s8, s6;
	s6 =	sadd.s32 $0x63800, s9;
	s8 =	sadd.s32 $0x545800, s9  }
0xf: {  	s9 =	sadd.s32 $0xA27800, s9;
	s10 =	sadd.s32 $0x1800, s31;
	s11 =	sadd.s32 $0xB600, s31  }
.LBB2_1:
0x10: {  	[tilespmem:s3], [sflag:$0x4] =	stream.linear.gather [hbm4b:s11+s3], $0x50, $0x38;
	[tilespmem:$0x7900] =	vst v63  }
0x11: {  	_ =	swait.ge [sflag:s12], $0x50  }
0x12: {  	[sflag:s12] =	ssyncset.done $0x0  }
0x13: {  	[sflag:s12] =	ssyncadd.s32 $0xFFFFFFB0  }
0x14: {  	[tilespmem:s13], [sflag:$0x4] =	stream.linear.gather [hbm4b:s10+s3], $0x50, $0x38;
	[tilespmem:$0x7900] =	vst v63  }
0x15: {  	_ =	swait.ge [sflag:s12], $0x50  }
0x16: {  	[sflag:s12] =	ssyncset.done $0x0  }
0x17: {  	[sflag:s12] =	ssyncadd.s32 $0xFFFFFFB0  }
0x18: {  	[tilespmem:s15], [sflag:$0x1] =	stream.indirect.gather [hbm4b:s2+s14], $0x80, s3, s14, $0xb8;
	[tilespmem:$0x7900] =	vst v63  }
0x19: {  	_ = 	snop  }
0x1a: {  	[tilespmem:s16], [sflag:$0x2] =	stream.indirect.gather [hbm4b:s4+s14], $0x80, s13, s14, $0xb8;
	[tilespmem:$0x7900] =	vst v63  }
0x1b: {  	_ = 	snop  }
0x1c: {  	[tilespmem:s17], [sflag:$0x3] =	stream.indirect.gather [hbm4b:s5+s14], $0x80, s13, s14, $0xb8;
	[tilespmem:$0x7900] =	vst v63  }
0x1d: {  	_ =	swait.ge [sflag:s18], $0x2800  }
0x1e: {  	[sflag:s18] =	ssyncset.done $0x0  }
0x1f: {  	s22 =	sadd.s32 $0x0, s6;
	[sflag:s18] =	ssyncadd.s32 $0xFFFFD800  }
0x20: {  	[hbm4b:s22+s3] =	stream.linear.scatter [tilespmem:s15], [sflag:$0x4], $0x2800, $0x38;
	[tilespmem:$0x7900] =	vst v63  }
0x21: {  	_ =	swait.ge [sflag:s12], $0x2800  }
0x22: {  	[sflag:s12] =	ssyncset.done $0x0  }
0x23: {  	[sflag:s12] =	ssyncadd.s32 $0xFFFFD800  }
0x24: {  	_ =	swait.ge [sflag:s19], $0x2800  }
0x25: {  	[sflag:s19] =	ssyncset.done $0x0  }
0x26: {  	s30 =	sadd.s32 $0x0, s8;
	[sflag:s19] =	ssyncadd.s32 $0xFFFFD800  }
0x27: {  	[hbm4b:s30+s3] =	stream.linear.scatter [tilespmem:s16], [sflag:$0x4], $0x2800, $0x38;
	[tilespmem:$0x7900] =	vst v63  }
0x28: {  	_ =	swait.ge [sflag:s12], $0x2800  }
0x29: {  	[sflag:s12] =	ssyncset.done $0x0  }
0x2a: {  	[sflag:s12] =	ssyncadd.s32 $0xFFFFD800  }
0x2b: {  	_ =	swait.ge [sflag:s20], $0x2800  }
0x2c: {  	[sflag:s20] =	ssyncset.done $0x0  }
0x2d: {  	s31 =	sadd.s32 $0x0, s9;
	[sflag:s20] =	ssyncadd.s32 $0xFFFFD800  }
0x2e: {  	[hbm4b:s31+s3] =	stream.linear.scatter [tilespmem:s17], [sflag:$0x4], $0x2800, $0x38;
	[tilespmem:$0x7900] =	vst v63  }
0x2f: {  	s23 =	smov.u32 s10;
	_ =	swait.ge [sflag:s12], $0x2800  }
0x30: {  	s24 =	smov.u32 s11;
	s22 =	simm.s32 $0x500;
	[sflag:s12] =	ssyncset.done $0x0  }
.LBB2_2:
0x31: {  	[sflag:s12] =	ssyncadd.s32 $0xFFFFD800  }
0x32: {  	s23 =	sadd.s32 $0xA, s23;
	s24 =	sadd.s32 $0xA, s24;
	s25 =	smov.u32 s22  }
0x33: {  	[tilespmem:s3], [sflag:$0x4] =	stream.linear.gather [hbm4b:s24+s3], $0x50, $0x38;
	[tilespmem:$0x7900] =	vst v63  }
0x34: {  	p0 =	sne.s32 s22, $0x26C00;
	s22 =	sadd.s32 $0x500, s22;
	_ =	swait.ge [sflag:s12], $0x50  }
0x35: {  	[sflag:s12] =	ssyncset.done $0x0  }
0x36: {  	[sflag:s12] =	ssyncadd.s32 $0xFFFFFFB0  }
0x37: {  	[tilespmem:s13], [sflag:$0x4] =	stream.linear.gather [hbm4b:s23+s3], $0x50, $0x38;
	[tilespmem:$0x7900] =	vst v63  }
0x38: {  	_ =	swait.ge [sflag:s12], $0x50  }
0x39: {  	[sflag:s12] =	ssyncset.done $0x0  }
0x3a: {  	[sflag:s12] =	ssyncadd.s32 $0xFFFFFFB0  }
0x3b: {  	[tilespmem:s15], [sflag:$0x1] =	stream.indirect.gather [hbm4b:s2+s14], $0x80, s3, s14, $0xb8;
	[tilespmem:$0x7900] =	vst v63  }
0x3c: {  	_ = 	snop  }
0x3d: {  	[tilespmem:s16], [sflag:$0x2] =	stream.indirect.gather [hbm4b:s4+s14], $0x80, s13, s14, $0xb8;
	[tilespmem:$0x7900] =	vst v63  }
0x3e: {  	_ = 	snop  }
0x3f: {  	[tilespmem:s17], [sflag:$0x3] =	stream.indirect.gather [hbm4b:s5+s14], $0x80, s13, s14, $0xb8;
	[tilespmem:$0x7900] =	vst v63  }
0x40: {  	_ =	swait.ge [sflag:s18], $0x2800  }
0x41: {  	[sflag:s18] =	ssyncset.done $0x0  }
0x42: {  	s26 =	sadd.s32 s25, s6;
	[sflag:s18] =	ssyncadd.s32 $0xFFFFD800  }
0x43: {  	[hbm4b:s26+s3] =	stream.linear.scatter [tilespmem:s15], [sflag:$0x4], $0x2800, $0x38;
	[tilespmem:$0x7900] =	vst v63  }
0x44: {  	_ =	swait.ge [sflag:s12], $0x2800  }
0x45: {  	[sflag:s12] =	ssyncset.done $0x0  }
0x46: {  	[sflag:s12] =	ssyncadd.s32 $0xFFFFD800  }
0x47: {  	_ =	swait.ge [sflag:s19], $0x2800  }
0x48: {  	[sflag:s19] =	ssyncset.done $0x0  }
0x49: {  	s26 =	sadd.s32 s25, s8;
	[sflag:s19] =	ssyncadd.s32 $0xFFFFD800  }
0x4a: {  	[hbm4b:s26+s3] =	stream.linear.scatter [tilespmem:s16], [sflag:$0x4], $0x2800, $0x38;
	[tilespmem:$0x7900] =	vst v63  }
0x4b: {  	_ =	swait.ge [sflag:s12], $0x2800  }
0x4c: {  	[sflag:s12] =	ssyncset.done $0x0  }
0x4d: {  	[sflag:s12] =	ssyncadd.s32 $0xFFFFD800  }
0x4e: {  	_ =	swait.ge [sflag:s20], $0x2800  }
.Ltmp0:
0x4f: {  	[sflag:s20] =	ssyncset.done $0x0;
	(pc) =	sbr.rel @p0 .LBB2_2-.Ltmp0, $4  }
0x50: {  	s25 =	sadd.s32 s25, s9;
	[sflag:s20] =	ssyncadd.s32 $0xFFFFD800  }
0x51: {  	[hbm4b:s25+s3] =	stream.linear.scatter [tilespmem:s17], [sflag:$0x4], $0x2800, $0x38;
	[tilespmem:$0x7900] =	vst v63  }
0x52: {  	_ =	swait.ge [sflag:s12], $0x2800  }
0x53: {  	[sflag:s12] =	ssyncset.done $0x0  }
0x54: {  	s21 =	sadd.s32 $0x1, s21  }
0x55: {  	p0 =	sne.s32 s21, s7  }
.Ltmp1:
0x56: {  	_ = 	snop;
	(pc) =	sbr.rel @p0 .LBB2_1-.Ltmp1, $2  }
0x57: {  	_ =	sdelay $0x2  }
0x58: {  	[sflag:s12] =	ssyncadd.s32 $0xFFFFD800  }
0x59: {  	_ =	sfence.sel $0x180000  }
0x5a: {  	[bflag:$0x0] =	sbarrier.arrive $0xFFFF  }
0x5b: {  	p0 =	sne.s32 s1, $0x0;
	_ =	strace $0x90000047  }
0x5c: {  	s0 =	sadd.s32 @!p0 $0x100000, s0;
	[bflag:$0x2] =	sbarrier.arrive $0xFFFF  }
0x5d: {  	[sflag:s0] =	ssyncadd.tile.s32 @!p0 $0x1;
	_ =	shalt  }
.Lfunc_end2:
_tile_overlayer_lowered:
.L_overlay_start_2:
0x5e: {  	(tag) =	ssettag $0x2  }
0x5f: {  	s0 =	rddreg [dreg:$0x0];
	s2 =	stileid.u32  }
0x60: {  	s1 =	rddreg [dreg:$0x1];
	p0 =	sne.s32 s2, $0x0  }
0x61: {  	s3 =	rddreg [dreg:$0x2];
	[bflag:$0x3] =	sbarrier.arrive $0xFFFF;
	s2 =	simm.s32 @!p0 $0x1C04  }
0x62: {  	[timem:s3], [sflag:s2] =	dma.local @!p0 [hbm:s0], s1  }
0x63: {  	s0 =	simm.s32 @!p0 $0x4  }
0x64: {  	_ =	swait.ge @!p0 [sflag:s0], s1  }
0x65: {  	s1 =	ssub.s32 @!p0 $0x0, s1;
	[sflag:s0] =	ssyncset.done @!p0 $0x0  }
0x66: {  	[sflag:s0] =	ssyncadd.s32 @!p0 s1  }
0x67: {  	[bflag:$0x3] =	sbarrier.arrive $0xFFFF  }
0x68: {  	_ =	shalt  }

// kernel: kernel.13.cloned.1.call-start
scs
__scs_entry_jumppad:
0x0: {  	(pc) =	sbr.rel $0x88, $3  }
0x1: {  	(tag) =	ssettag $0x0;
	lr =	simm.s32 $0x1  }
0x2: {  	[smem:$0x3F97] =	sst lr;
	_ =	strace $0xD0000000  }
0x3: {  	_ = 	snop  }
0x4: {  	_ = 	snop  }
0x5: {  	_ = 	snop  }
0x6: {  	_ = 	snop  }
0x7: {  	_ = 	snop  }
__scs_overlays_trampoline_lowered:
0x8: {  	[smem:$0x3FA6] =	sst s0  }
0x9: {  	[smem:$0x3FA7] =	sst s1  }
0xa: {  	[smem:$0x3FA8] =	sst s2  }
0xb: {  	[smem:$0x3FA9] =	sst s3  }
0xc: {  	[smem:$0x3FAA] =	sst s4  }
0xd: {  	[smem:$0x3FAB] =	sst s5  }
0xe: {  	[smem:$0x3FAC] =	sst s6  }
0xf: {  	[smem:$0x3FAD] =	sst s7  }
0x10: {  	[smem:$0x3FAE] =	sst s8  }
0x11: {  	[smem:$0x3FAF] =	sst s9;
	s0 =	simm.s32 @!p0 $0x0  }
0x12: {  	s1 =	sld [smem:$0x3F95];
	s0 =	simm.s32 @p0 $0x1  }
0x13: {  	[smem:$0x3FB0] =	sst s0;
	s0 =	simm.s32 @!p1 $0x0  }
0x14: {  	s2 =	sld [smem:$0x3F94];
	s0 =	simm.s32 @p1 $0x1  }
0x15: {  	[smem:$0x3FB1] =	sst s0;
	s0 =	simm.s32 @!p2 $0x0  }
0x16: {  	s3 =	sld [smem:$0x3FDB];
	s0 =	simm.s32 @p2 $0x1  }
0x17: {  	s4 =	simm.s32 $0x1BF5;
	[smem:$0x3FB3] =	sst s0  }
0x18: {  	s0 =	sld [smem:$0x3F96];
	_ =	swait.ge [sflag:s4], $0x0  }
0x19: {  	s7 =	sld [smem:$0x3F97]  }
0x1a: {  	s8 =	sadd.s32 $0xFFFFE003, lr  }
0x1b: {  	s9 =	sadd.s32 $0xFFFFFEF7, lr;
	s5 =	simm.s32 $0xFFFFFFFF;
	p2 =	slt.u32 s8, $0xFFFFF086  }
0x1c: {  	p1 =	slt.u32 s9, $0xF7A;
	s5 =	simm.s32 @!p2 $0x0  }
0x1d: {  	s5 =	simm.s32 @p1 $0x1;
	p0 =	seq.s32 s7, s2  }
0x1e: {  	s7 =	smul.u32 @!p0 $0xF7A, s2;
	p2 =	seq.s32 @!p0 s5, $0x0  }
0x1f: {  	s9 =	smul.u32 $0xF7A, s1;
	s8 =	simm.s32 @!p0 $0x1BF5;
	p2 =	por !p2, p0  }
0x20: {  	[sflag:s8] =	ssyncset.s32 @!p0 $0xFFFFF086;
	s6 =	sadd.s32 @!p0 s3, s7;
	s7 =	simm.s32 @!p0 $0x108  }
0x21: {  	s3 =	sadd.s32 s3, s9;
	s6 =	sadd.s32 @!p0 $0x88, s6;
	s7 =	simm.s32 @p2 $0x1082  }
0x22: {  	[simem:s7], [sflag:s8] =	dma.local @!p0 [hbm:s6], $0xF7A  }
0x23: {  	s9 =	sor.u32 $0xD0000000, s2;
	s6 =	simm.s32 $0x108;
	_ =	swait.ge @!p0 [sflag:s8], $0x0  }
0x24: {  	s3 =	sadd.s32 $0x88, s3;
	s6 =	simm.s32 @!p1 $0x1082;
	[sflag:s4] =	ssyncset.s32 $0xFFFFF086  }
0x25: {  	[simem:s6], [sflag:s4] =	dma.local [hbm:s3], $0xF7A  }
0x26: {  	[smem:$0x3F97] =	sst s1;
	(tag) =	ssettag s2;
	_ =	strace s9  }
0x27: {  	s1 =	sld [smem:$0x3FA7]  }
0x28: {  	s2 =	sld [smem:$0x3FA8]  }
0x29: {  	s4 =	sld [smem:$0x3FAA]  }
0x2a: {  	p0 =	seq.s32 s5, $0x0;
	s5 =	sld [smem:$0x3FAB]  }
0x2b: {  	s6 =	sld [smem:$0x3FAC]  }
0x2c: {  	s7 =	sld [smem:$0x3FAD]  }
0x2d: {  	s3 =	simm.s32 $0x108;
	s8 =	sld [smem:$0x3FAE]  }
0x2e: {  	s3 =	simm.s32 @!p0 $0x1082;
	s9 =	sld [smem:$0x3FAF]  }
0x2f: {  	lr =	sadd.s32 s0, s3;
	s0 =	sld [smem:$0x3FA6]  }
0x30: {  	s3 =	sld [smem:$0x3FA9]  }
0x31: {  	[smem:$0x3FB2] =	sst s10  }
0x32: {  	s10 =	sld [smem:$0x3FB0];
	_ =	sdelay $0x3  }
0x33: {  	p0 =	seq.s32 s10, $0x1;
	s10 =	sld [smem:$0x3FB2];
	_ =	sdelay $0x3  }
0x34: {  	[smem:$0x3FB2] =	sst s10  }
0x35: {  	s10 =	sld [smem:$0x3FB1];
	_ =	sdelay $0x3  }
0x36: {  	p1 =	seq.s32 s10, $0x1;
	s10 =	sld [smem:$0x3FB2];
	_ =	sdelay $0x3  }
0x37: {  	[smem:$0x3FB2] =	sst s10  }
0x38: {  	s10 =	sld [smem:$0x3FB3]  }
0x39: {  	_ = 	snop;
	(pc) =	sbr.ind lr, $3  }
0x3a: {  	_ = 	snop  }
0x3b: {  	_ = 	snop  }
0x3c: {  	p2 =	seq.s32 s10, $0x1;
	s10 =	sld [smem:$0x3FB2]  }
0x3d: {  	_ =	shalt  }
0x3e: {  	_ =	shalt  }
0x3f: {  	_ =	shalt  }
0x40: {  	_ =	shalt  }
0x41: {  	_ =	shalt  }
0x42: {  	_ =	shalt  }
0x43: {  	_ =	shalt  }
0x44: {  	_ =	shalt  }
0x45: {  	_ =	shalt  }
0x46: {  	_ =	shalt  }
0x47: {  	_ =	shalt  }
0x48: {  	_ =	shalt  }
0x49: {  	_ =	shalt  }
0x4a: {  	_ =	shalt  }
0x4b: {  	_ =	shalt  }
0x4c: {  	_ =	shalt  }
0x4d: {  	_ =	shalt  }
0x4e: {  	_ =	shalt  }
0x4f: {  	_ =	shalt  }
0x50: {  	_ =	shalt  }
0x51: {  	_ =	shalt  }
0x52: {  	_ =	shalt  }
0x53: {  	_ =	shalt  }
0x54: {  	_ =	shalt  }
0x55: {  	_ =	shalt  }
0x56: {  	_ =	shalt  }
0x57: {  	_ =	shalt  }
0x58: {  	_ =	shalt  }
0x59: {  	_ =	shalt  }
0x5a: {  	_ =	shalt  }
0x5b: {  	_ =	shalt  }
0x5c: {  	_ =	shalt  }
0x5d: {  	_ =	shalt  }
0x5e: {  	_ =	shalt  }
0x5f: {  	_ =	shalt  }
0x60: {  	_ =	shalt  }
0x61: {  	_ =	shalt  }
0x62: {  	_ =	shalt  }
0x63: {  	_ =	shalt  }
0x64: {  	_ =	shalt  }
0x65: {  	_ =	shalt  }
0x66: {  	_ =	shalt  }
0x67: {  	_ =	shalt  }
0x68: {  	_ =	shalt  }
0x69: {  	_ =	shalt  }
0x6a: {  	_ =	shalt  }
0x6b: {  	_ =	shalt  }
0x6c: {  	_ =	shalt  }
0x6d: {  	_ =	shalt  }
0x6e: {  	_ =	shalt  }
0x6f: {  	_ =	shalt  }
0x70: {  	_ =	shalt  }
0x71: {  	_ =	shalt  }
0x72: {  	_ =	shalt  }
0x73: {  	_ =	shalt  }
0x74: {  	_ =	shalt  }
0x75: {  	_ =	shalt  }
0x76: {  	_ =	shalt  }
0x77: {  	_ =	shalt  }
0x78: {  	_ =	shalt  }
0x79: {  	_ =	shalt  }
0x7a: {  	_ =	shalt  }
0x7b: {  	_ =	shalt  }
0x7c: {  	_ =	shalt  }
0x7d: {  	_ =	shalt  }
0x7e: {  	_ =	shalt  }
0x7f: {  	_ =	shalt  }
0x80: {  	_ =	shalt  }
0x81: {  	_ =	shalt  }
0x82: {  	_ =	shalt  }
0x83: {  	_ =	shalt  }
0x84: {  	_ =	shalt  }
0x85: {  	_ =	shalt  }
0x86: {  	_ =	shalt  }
0x87: {  	_ =	shalt  }
.Lfunc_end0:
.L_simem_size_0:
called_computation.2_lowered:
.L_overlay_start_0:
0x88: {  	s2 =	sld [smem:$0x3FD9]  }
0x89: {  	s3 =	sld [smem:$0x3FFE];
	_ =	sdelay $0x1  }
0x8a: {  	s1 =	srdreg.scid  }
0x8b: {  	s0 =	sand.u32 $0x1, s1  }
0x8c: {  	s16 =	sshll.u32 s0, $0xA;
	s2 =	sadd.s32 s3, s2  }
0x8d: {  	s2 =	sadd.s32 s2, s16  }
0x8e: {  	[smem:$0x3FBE] =	sst s2  }
0x8f: {  	_ = 	snop  }
0x90: {  	(tm) =	ssettm $0x1  }
0x91: {  	s17 =	sld [smem:$0x3FFB];
	_ =	sdelay $0x3  }
0x92: {  	_ =	strace s17  }
0x93: {  	s2 =	sld [smem:$0x3FFC];
	_ =	sdelay $0x3  }
0x94: {  	_ =	strace s2  }
0x95: {  	s2 =	sld [smem:$0x3FFD];
	_ =	sdelay $0x3  }
0x96: {  	_ =	strace s2  }
0x97: {  	_ =	strace $0x8FFFFFFF  }
0x98: {  	s18 =	sld [smem:$0x3FDB];
	_ =	sdelay $0x1  }
0x99: {  	s19 =	simm.s32 $_scs_section_size  }
0x9a: {  	s4 =	simm.s32 $_size__tile_overlayer_lowered;
	s5 =	simm.s32 $_tile_overlayer_lowered  }
0x9b: {  	s22 =	simm.s32 $0x1BFF;
	s21 =	sshll.u32 s5, $0x1;
	s2 =	sadd.s32 s19, s18  }
0x9c: {  	s6 =	simm.s32 $0x0;
	s20 =	sshll.u32 s4, $0x1;
	s4 =	sadd.s32 s21, s2  }
0x9d: {  	[timem:s6], [sflag:s22] =	dma.local [hbm:s4], s20  }
0x9e: {  	_ =	swait.ge [sflag:s22], s20  }
0x9f: {  	s3 =	ssub.s32 $0x0, s20;
	[sflag:s22] =	ssyncset.done $0x0  }
0xa0: {  	[sflag:s22] =	ssyncadd.s32 s3;
	_ =	sdelay $0x1  }
0xa1: {  	s23 =	simm.s32 $0x1B8B  }
0xa2: {  	_ =	swait.ge [sflag:s23], $0x1  }
0xa3: {  	[sflag:s23] =	ssyncset.done $0x0  }
0xa4: {  	s25 =	simm.s32 $0x1B8E;
	s24 =	sld [smem:$0x3FFE];
	[sflag:s23] =	ssyncadd.s32 $0xFFFFFFFF  }
0xa5: {  	s26 =	simm.s32 $execute0_lowered;
	[smem:$0x3FD2] =	sst s25  }
0xa6: {  	s4 =	sshll.u32 s26, $0x1;
	_ =	strace $0x8000004C;
	[dreg:$0x1] =	wrdreg $0xFFFFFFFF  }
0xa7: {  	s28 =	simm.s32 $_size_execute0_lowered;
	s2 =	sadd.s32 s2, s4;
	[dreg:$0x0] =	wrdreg $0x0  }
0xa8: {  	s4 =	sshll.u32 s28, $0x1;
	[dreg:$0x2] =	wrdreg s2  }
0xa9: {  	[dreg:$0x3] =	wrdreg s4  }
0xaa: {  	[dreg:$0x4] =	wrdreg $0xC0  }
0xab: {  	_ =	task [dreg:s6], $0x5FFFF  }
0xac: {  	[dreg:$0x1] =	wrdreg $0xFFFFFFFF  }
0xad: {  	[dreg:$0x0] =	wrdreg $0x60  }
0xae: {  	[dreg:$0x2] =	wrdreg s24  }
0xaf: {  	[dreg:$0x3] =	wrdreg $0x9  }
0xb0: {  	_ =	task.clear_ibuf [dreg:s6], $0x4FFFF;
	_ =	strace $0x9000004C  }
0xb1: {  	s29 =	simm.s32 $0x9;
	_ =	strace $0x8000004E  }
0xb2: {  	_ =	swait.ge [sflag:s29], $0x1  }
0xb3: {  	[sflag:s29] =	ssyncadd.s32 $0xFFFFFFFF  }
0xb4: {  	_ =	strace $0x9000004E  }
0xb5: {  	_ =	sfence  }
0xb6: {  	s30 =	sld [smem:$0x0];
	_ =	sdelay $0x2  }
0xb7: {  	s31 =	sshll.u32 s1, $0xD;
	s1 =	sshrl.u32 s1, $0x2  }
0xb8: {  	s3 =	sand.u32 $0x4000, s31;
	s1 =	sadd.s32 s1, s30  }
0xb9: {  	s0 =	sor.u32 s3, s0;
	s1 =	sshll.u32 s1, $0x11  }
0xba: {  	s0 =	sor.u32 s1, s0  }
0xbb: {  	s0 =	sadd.s32 $0x8F2B, s0  }
0xbc: {  	[sflag:s0] =	ssyncadd.remote.s32 $0x1  }
0xbd: {  	_ =	sfence.sel $0xFFFF  }
0xbe: {  	[dreg:$0x0] =	wrdreg $0xFFFFFFFF;
	(pc) =	sbr.abs _section_cstart, $3  }
0xbf: {  	[dreg:$0x1] =	wrdreg $0xFFFFFFFF  }
0xc0: {  	_ =	task.clear_ibuf [dreg:s6], $0x2FFFF;
	_ =	strace $0x9FFFFFFF  }
0xc1: {  	(tm) =	ssettm $0x7FFFFFFF  }
tec
execute0_lowered:
.L_overlay_start_1:
0x0: {  	(tag) =	ssettag $0x1  }
0x1: {  	s5 =	rddreg [dreg:$0x0]  }
0x2: {  	s0 =	rddreg [dreg:$0x1];
	s1 =	simm.s32 $0x0  }
0x3: {  	s2 =	srdreg.scid;
	v0 =	vlaneseq.u32;
	s10 =	simm.s32 $0x0;
	[smem:$0x7FF] =	sst s1  }
0x4: {  	s6 =	sand.u32 $0x1, s2;
	s2 =	stileid.u32;
	v0 =	vmul.u32 $0x8, v0;
	s3 =	sadd.s32 $0x1800, s5  }
0x5: {  	s4 =	sadd.s32 $0xB600, s5;
	s5 =	sadd.s32 $0x15400, s5;
	s7 =	ssub.s32 $0x2, s6  }
0x6: {  	_ =	strace $0x8000004D;
	s9 =	sshll.u32 s2, $0x1;
	s8 =	sshrl.u32 s7, $0x1;
	v1 =	vor.u32 $0x1, v0  }
0x7: {  	s6 =	sor.u32 s6, s9;
	v2 =	vor.u32 $0x2, v0;
	v3 =	vor.u32 $0x3, v0;
	v4 =	vor.u32 $0x4, v0;
	s9 =	simm.s32 $0x13900;
	s7 =	ssub.s32 s7, s8  }
0x8: {  	v5 =	vor.u32 $0x5, v0;
	v6 =	vor.u32 $0x6, v0;
	v7 =	vor.u32 $0x7, v0;
	s6 =	smul.u32 $0x2710, s6;
	s8 =	simm.s32 $0x1;
	s7 =	smax.u32 s7, $0x1  }
.LBB2_1:
0x9: {  	[tilespmem:s1], [sflag:$0x1] =	stream.linear.gather [hbm4b:s3+s1], $0x13880, $0x38;
	[tilespmem:$0x13B80] =	vst v63  }
0xa: {  	_ =	swait.ge [sflag:s8], $0x13880  }
0xb: {  	[sflag:s8] =	ssyncset.done $0x0  }
0xc: {  	s11 =	simm.s32 $0x0;
	[sflag:s8] =	ssyncadd.s32 $0xFFFEC780  }
.LBB2_2:
0xd: {  	s12 =	smul.u32 $0x50, s11;
	_ =	sdelay $0x1  }
0xe: {  	s12 =	sadd.s32 s6, s12  }
0xf: {  	s13 =	sshrl.u32 s12, $0x3  }
0x10: {  	s15 =	simm.s32 $0x0;
	s14 =	sadd.s32 s4, s13;
	s13 =	simm.s32 $0x13880  }
0x11: {  	[tilespmem:s13], [sflag:$0x1] =	stream.linear.gather [hbm4b:s14+s15], $0x50, $0x38;
	[tilespmem:$0x13B80] =	vst v63  }
0x12: {  	_ =	swait.ge [sflag:s8], $0x50  }
0x13: {  	[sflag:s8] =	ssyncset.done $0x0  }
0x14: {  	[sflag:s8] =	ssyncadd.s32 $0xFFFFFFB0  }
0x15: {  	v8 =	vld [tilespmem:s13+$0x0];
	_ =	sdelay $0x4  }
0x16: {  	v8 =	vshll.u32 v8, $0x3;
	_ =	sdelay $0x4  }
0x17: {  	v10 =	vor.u32 s15, v0;
	v9 =	vld.idx.msk [tilespmem:v8+s1+$0x0], $0xffff  }
0x18: {  	v11 =	vor.u32 $0x1, v8;
	_ =	sdelay $0x3  }
0x19: {  	[tilespmem:v10+s9+$0x0] =	vst.idx.msk $0xffff, v9  }
0x1a: {  	v10 =	vor.u32 s15, v1;
	v9 =	vld.idx.msk [tilespmem:v11+s1+$0x0], $0xffff  }
0x1b: {  	v11 =	vor.u32 $0x2, v8;
	_ =	sdelay $0x3  }
0x1c: {  	[tilespmem:v10+s9+$0x0] =	vst.idx.msk $0xffff, v9  }
0x1d: {  	v10 =	vor.u32 s15, v2;
	v9 =	vld.idx.msk [tilespmem:v11+s1+$0x0], $0xffff  }
0x1e: {  	v11 =	vor.u32 $0x3, v8;
	_ =	sdelay $0x3  }
0x1f: {  	[tilespmem:v10+s9+$0x0] =	vst.idx.msk $0xffff, v9  }
0x20: {  	v10 =	vor.u32 s15, v3;
	v9 =	vld.idx.msk [tilespmem:v11+s1+$0x0], $0xffff  }
0x21: {  	v11 =	vor.u32 $0x4, v8;
	_ =	sdelay $0x3  }
0x22: {  	[tilespmem:v10+s9+$0x0] =	vst.idx.msk $0xffff, v9  }
0x23: {  	v10 =	vor.u32 s15, v4;
	v9 =	vld.idx.msk [tilespmem:v11+s1+$0x0], $0xffff  }
0x24: {  	v11 =	vor.u32 $0x5, v8;
	_ =	sdelay $0x3  }
0x25: {  	[tilespmem:v10+s9+$0x0] =	vst.idx.msk $0xffff, v9  }
0x26: {  	v10 =	vor.u32 s15, v5;
	v9 =	vld.idx.msk [tilespmem:v11+s1+$0x0], $0xffff  }
0x27: {  	v11 =	vor.u32 $0x6, v8;
	_ =	sdelay $0x3  }
0x28: {  	[tilespmem:v10+s9+$0x0] =	vst.idx.msk $0xffff, v9  }
0x29: {  	v10 =	vor.u32 s15, v6;
	v9 =	vld.idx.msk [tilespmem:v11+s1+$0x0], $0xffff  }
0x2a: {  	v8 =	vor.u32 $0x7, v8;
	_ =	sdelay $0x3  }
0x2b: {  	[tilespmem:v10+s9+$0x0] =	vst.idx.msk $0xffff, v9  }
0x2c: {  	s14 =	simm.s32 $0x80;
	v9 =	vor.u32 s15, v7;
	v8 =	vld.idx.msk [tilespmem:v8+s1+$0x0], $0xffff  }
.LBB2_3:
0x2d: {  	_ =	sdelay $0x2  }
0x2e: {  	p0 =	sne.s32 s14, $0x200  }
0x2f: {  	s13 =	sadd.s32 $0x10, s13;
	s15 =	smov.u32 s14;
	s14 =	sadd.s32 $0x80, s14;
	[tilespmem:v9+s9+$0x0] =	vst.idx.msk $0xffff, v8  }
0x30: {  	v8 =	vld [tilespmem:s13+$0x0];
	_ =	sdelay $0x4  }
0x31: {  	v8 =	vshll.u32 v8, $0x3;
	_ =	sdelay $0x4  }
0x32: {  	v9 =	vld.idx.msk [tilespmem:v8+s1+$0x0], $0xffff  }
0x33: {  	v10 =	vor.u32 s15, v0  }
0x34: {  	v11 =	vor.u32 $0x1, v8;
	_ =	sdelay $0x3  }
0x35: {  	[tilespmem:v10+s9+$0x0] =	vst.idx.msk $0xffff, v9  }
0x36: {  	v9 =	vld.idx.msk [tilespmem:v11+s1+$0x0], $0xffff  }
0x37: {  	v10 =	vor.u32 s15, v1  }
0x38: {  	v11 =	vor.u32 $0x2, v8;
	_ =	sdelay $0x3  }
0x39: {  	[tilespmem:v10+s9+$0x0] =	vst.idx.msk $0xffff, v9  }
0x3a: {  	v9 =	vld.idx.msk [tilespmem:v11+s1+$0x0], $0xffff  }
0x3b: {  	v10 =	vor.u32 s15, v2  }
0x3c: {  	v11 =	vor.u32 $0x3, v8;
	_ =	sdelay $0x3  }
0x3d: {  	[tilespmem:v10+s9+$0x0] =	vst.idx.msk $0xffff, v9  }
0x3e: {  	v9 =	vld.idx.msk [tilespmem:v11+s1+$0x0], $0xffff  }
0x3f: {  	v10 =	vor.u32 s15, v3  }
0x40: {  	v11 =	vor.u32 $0x4, v8;
	_ =	sdelay $0x3  }
0x41: {  	[tilespmem:v10+s9+$0x0] =	vst.idx.msk $0xffff, v9  }
0x42: {  	v9 =	vld.idx.msk [tilespmem:v11+s1+$0x0], $0xffff  }
0x43: {  	v10 =	vor.u32 s15, v4  }
0x44: {  	v11 =	vor.u32 $0x5, v8;
	_ =	sdelay $0x3  }
0x45: {  	[tilespmem:v10+s9+$0x0] =	vst.idx.msk $0xffff, v9  }
0x46: {  	v9 =	vld.idx.msk [tilespmem:v11+s1+$0x0], $0xffff  }
0x47: {  	v10 =	vor.u32 s15, v5  }
0x48: {  	v11 =	vor.u32 $0x6, v8;
	_ =	sdelay $0x3  }
0x49: {  	[tilespmem:v10+s9+$0x0] =	vst.idx.msk $0xffff, v9  }
0x4a: {  	v9 =	vld.idx.msk [tilespmem:v11+s1+$0x0], $0xffff  }
0x4b: {  	v10 =	vor.u32 s15, v6  }
0x4c: {  	v8 =	vor.u32 $0x7, v8;
	_ =	sdelay $0x1  }
.Ltmp0:
0x4d: {  	(pc) =	sbr.rel @p0 .LBB2_3-.Ltmp0, $4  }
0x4e: {  	_ = 	snop  }
0x4f: {  	[tilespmem:v10+s9+$0x0] =	vst.idx.msk $0xffff, v9  }
0x50: {  	v8 =	vld.idx.msk [tilespmem:v8+s1+$0x0], $0xffff  }
0x51: {  	v9 =	vor.u32 s15, v7  }
0x52: {  	_ =	sdelay $0x1  }
0x53: {  	s11 =	sadd.s32 $0x1, s11  }
0x54: {  	p0 =	sne.s32 s11, $0x7D  }
.Ltmp1:
0x55: {  	s12 =	sadd.s32 s5, s12;
	[tilespmem:v9+s9+$0x0] =	vst.idx.msk $0xffff, v8;
	(pc) =	sbr.rel @p0 .LBB2_2-.Ltmp1, $4  }
0x56: {  	[hbm4b:s12+s1] =	stream.linear.scatter [tilespmem:s9], [sflag:$0x1], $0x280, $0x38;
	[tilespmem:$0x13B80] =	vst v63  }
0x57: {  	_ =	swait.ge [sflag:s8], $0x280  }
0x58: {  	[sflag:s8] =	ssyncset.done $0x0  }
0x59: {  	[sflag:s8] =	ssyncadd.s32 $0xFFFFFD80  }
0x5a: {  	s10 =	sadd.s32 $0x1, s10  }
0x5b: {  	p0 =	sne.s32 s10, s7  }
.Ltmp2:
0x5c: {  	_ = 	snop;
	(pc) =	sbr.rel @p0 .LBB2_1-.Ltmp2, $1  }
0x5d: {  	_ =	sdelay $0x3  }
0x5e: {  	_ =	sfence.sel $0x180000  }
0x5f: {  	[bflag:$0x0] =	sbarrier.arrive $0xFFFF  }
0x60: {  	p0 =	sne.s32 s2, $0x0;
	_ =	strace $0x9000004D  }
0x61: {  	s0 =	sadd.s32 @!p0 $0x100000, s0;
	[bflag:$0x2] =	sbarrier.arrive $0xFFFF  }
0x62: {  	[sflag:s0] =	ssyncadd.tile.s32 @!p0 $0x1;
	_ =	shalt  }
.Lfunc_end2:
_tile_overlayer_lowered:
.L_overlay_start_2:
0x63: {  	(tag) =	ssettag $0x2  }
0x64: {  	s0 =	rddreg [dreg:$0x0];
	s2 =	stileid.u32  }
0x65: {  	s1 =	rddreg [dreg:$0x1];
	p0 =	sne.s32 s2, $0x0  }
0x66: {  	s3 =	rddreg [dreg:$0x2];
	[bflag:$0x3] =	sbarrier.arrive $0xFFFF;
	s2 =	simm.s32 @!p0 $0x1C01  }
0x67: {  	[timem:s3], [sflag:s2] =	dma.local @!p0 [hbm:s0], s1  }
0x68: {  	s0 =	simm.s32 @!p0 $0x1  }
0x69: {  	_ =	swait.ge @!p0 [sflag:s0], s1  }
0x6a: {  	s1 =	ssub.s32 @!p0 $0x0, s1;
	[sflag:s0] =	ssyncset.done @!p0 $0x0  }
0x6b: {  	[sflag:s0] =	ssyncadd.s32 @!p0 s1  }
0x6c: {  	[bflag:$0x3] =	sbarrier.arrive $0xFFFF  }
0x6d: {  	_ =	shalt  }

// kernel: kernel.16.cloned.1.call-start
scs
__scs_entry_jumppad:
0x0: {  	(pc) =	sbr.rel $0x88, $3  }
0x1: {  	(tag) =	ssettag $0x0;
	lr =	simm.s32 $0x1  }
0x2: {  	[smem:$0x3F97] =	sst lr;
	_ =	strace $0xD0000000  }
0x3: {  	_ = 	snop  }
0x4: {  	_ = 	snop  }
0x5: {  	_ = 	snop  }
0x6: {  	_ = 	snop  }
0x7: {  	_ = 	snop  }
__scs_overlays_trampoline_lowered:
0x8: {  	[smem:$0x3FA6] =	sst s0  }
0x9: {  	[smem:$0x3FA7] =	sst s1  }
0xa: {  	[smem:$0x3FA8] =	sst s2  }
0xb: {  	[smem:$0x3FA9] =	sst s3  }
0xc: {  	[smem:$0x3FAA] =	sst s4  }
0xd: {  	[smem:$0x3FAB] =	sst s5  }
0xe: {  	[smem:$0x3FAC] =	sst s6  }
0xf: {  	[smem:$0x3FAD] =	sst s7  }
0x10: {  	[smem:$0x3FAE] =	sst s8  }
0x11: {  	[smem:$0x3FAF] =	sst s9;
	s0 =	simm.s32 @!p0 $0x0  }
0x12: {  	s1 =	sld [smem:$0x3F95];
	s0 =	simm.s32 @p0 $0x1  }
0x13: {  	[smem:$0x3FB0] =	sst s0;
	s0 =	simm.s32 @!p1 $0x0  }
0x14: {  	s2 =	sld [smem:$0x3F94];
	s0 =	simm.s32 @p1 $0x1  }
0x15: {  	[smem:$0x3FB1] =	sst s0;
	s0 =	simm.s32 @!p2 $0x0  }
0x16: {  	s3 =	sld [smem:$0x3FDB];
	s0 =	simm.s32 @p2 $0x1  }
0x17: {  	s4 =	simm.s32 $0x1BF5;
	[smem:$0x3FB3] =	sst s0  }
0x18: {  	s0 =	sld [smem:$0x3F96];
	_ =	swait.ge [sflag:s4], $0x0  }
0x19: {  	s7 =	sld [smem:$0x3F97]  }
0x1a: {  	s8 =	sadd.s32 $0xFFFFE003, lr  }
0x1b: {  	s9 =	sadd.s32 $0xFFFFFEF7, lr;
	s5 =	simm.s32 $0xFFFFFFFF;
	p2 =	slt.u32 s8, $0xFFFFF086  }
0x1c: {  	p1 =	slt.u32 s9, $0xF7A;
	s5 =	simm.s32 @!p2 $0x0  }
0x1d: {  	s5 =	simm.s32 @p1 $0x1;
	p0 =	seq.s32 s7, s2  }
0x1e: {  	s7 =	smul.u32 @!p0 $0xF7A, s2;
	p2 =	seq.s32 @!p0 s5, $0x0  }
0x1f: {  	s9 =	smul.u32 $0xF7A, s1;
	s8 =	simm.s32 @!p0 $0x1BF5;
	p2 =	por !p2, p0  }
0x20: {  	[sflag:s8] =	ssyncset.s32 @!p0 $0xFFFFF086;
	s6 =	sadd.s32 @!p0 s3, s7;
	s7 =	simm.s32 @!p0 $0x108  }
0x21: {  	s3 =	sadd.s32 s3, s9;
	s6 =	sadd.s32 @!p0 $0x88, s6;
	s7 =	simm.s32 @p2 $0x1082  }
0x22: {  	[simem:s7], [sflag:s8] =	dma.local @!p0 [hbm:s6], $0xF7A  }
0x23: {  	s9 =	sor.u32 $0xD0000000, s2;
	s6 =	simm.s32 $0x108;
	_ =	swait.ge @!p0 [sflag:s8], $0x0  }
0x24: {  	s3 =	sadd.s32 $0x88, s3;
	s6 =	simm.s32 @!p1 $0x1082;
	[sflag:s4] =	ssyncset.s32 $0xFFFFF086  }
0x25: {  	[simem:s6], [sflag:s4] =	dma.local [hbm:s3], $0xF7A  }
0x26: {  	[smem:$0x3F97] =	sst s1;
	(tag) =	ssettag s2;
	_ =	strace s9  }
0x27: {  	s1 =	sld [smem:$0x3FA7]  }
0x28: {  	s2 =	sld [smem:$0x3FA8]  }
0x29: {  	s4 =	sld [smem:$0x3FAA]  }
0x2a: {  	p0 =	seq.s32 s5, $0x0;
	s5 =	sld [smem:$0x3FAB]  }
0x2b: {  	s6 =	sld [smem:$0x3FAC]  }
0x2c: {  	s7 =	sld [smem:$0x3FAD]  }
0x2d: {  	s3 =	simm.s32 $0x108;
	s8 =	sld [smem:$0x3FAE]  }
0x2e: {  	s3 =	simm.s32 @!p0 $0x1082;
	s9 =	sld [smem:$0x3FAF]  }
0x2f: {  	lr =	sadd.s32 s0, s3;
	s0 =	sld [smem:$0x3FA6]  }
0x30: {  	s3 =	sld [smem:$0x3FA9]  }
0x31: {  	[smem:$0x3FB2] =	sst s10  }
0x32: {  	s10 =	sld [smem:$0x3FB0];
	_ =	sdelay $0x3  }
0x33: {  	p0 =	seq.s32 s10, $0x1;
	s10 =	sld [smem:$0x3FB2];
	_ =	sdelay $0x3  }
0x34: {  	[smem:$0x3FB2] =	sst s10  }
0x35: {  	s10 =	sld [smem:$0x3FB1];
	_ =	sdelay $0x3  }
0x36: {  	p1 =	seq.s32 s10, $0x1;
	s10 =	sld [smem:$0x3FB2];
	_ =	sdelay $0x3  }
0x37: {  	[smem:$0x3FB2] =	sst s10  }
0x38: {  	s10 =	sld [smem:$0x3FB3]  }
0x39: {  	_ = 	snop;
	(pc) =	sbr.ind lr, $3  }
0x3a: {  	_ = 	snop  }
0x3b: {  	_ = 	snop  }
0x3c: {  	p2 =	seq.s32 s10, $0x1;
	s10 =	sld [smem:$0x3FB2]  }
0x3d: {  	_ =	shalt  }
0x3e: {  	_ =	shalt  }
0x3f: {  	_ =	shalt  }
0x40: {  	_ =	shalt  }
0x41: {  	_ =	shalt  }
0x42: {  	_ =	shalt  }
0x43: {  	_ =	shalt  }
0x44: {  	_ =	shalt  }
0x45: {  	_ =	shalt  }
0x46: {  	_ =	shalt  }
0x47: {  	_ =	shalt  }
0x48: {  	_ =	shalt  }
0x49: {  	_ =	shalt  }
0x4a: {  	_ =	shalt  }
0x4b: {  	_ =	shalt  }
0x4c: {  	_ =	shalt  }
0x4d: {  	_ =	shalt  }
0x4e: {  	_ =	shalt  }
0x4f: {  	_ =	shalt  }
0x50: {  	_ =	shalt  }
0x51: {  	_ =	shalt  }
0x52: {  	_ =	shalt  }
0x53: {  	_ =	shalt  }
0x54: {  	_ =	shalt  }
0x55: {  	_ =	shalt  }
0x56: {  	_ =	shalt  }
0x57: {  	_ =	shalt  }
0x58: {  	_ =	shalt  }
0x59: {  	_ =	shalt  }
0x5a: {  	_ =	shalt  }
0x5b: {  	_ =	shalt  }
0x5c: {  	_ =	shalt  }
0x5d: {  	_ =	shalt  }
0x5e: {  	_ =	shalt  }
0x5f: {  	_ =	shalt  }
0x60: {  	_ =	shalt  }
0x61: {  	_ =	shalt  }
0x62: {  	_ =	shalt  }
0x63: {  	_ =	shalt  }
0x64: {  	_ =	shalt  }
0x65: {  	_ =	shalt  }
0x66: {  	_ =	shalt  }
0x67: {  	_ =	shalt  }
0x68: {  	_ =	shalt  }
0x69: {  	_ =	shalt  }
0x6a: {  	_ =	shalt  }
0x6b: {  	_ =	shalt  }
0x6c: {  	_ =	shalt  }
0x6d: {  	_ =	shalt  }
0x6e: {  	_ =	shalt  }
0x6f: {  	_ =	shalt  }
0x70: {  	_ =	shalt  }
0x71: {  	_ =	shalt  }
0x72: {  	_ =	shalt  }
0x73: {  	_ =	shalt  }
0x74: {  	_ =	shalt  }
0x75: {  	_ =	shalt  }
0x76: {  	_ =	shalt  }
0x77: {  	_ =	shalt  }
0x78: {  	_ =	shalt  }
0x79: {  	_ =	shalt  }
0x7a: {  	_ =	shalt  }
0x7b: {  	_ =	shalt  }
0x7c: {  	_ =	shalt  }
0x7d: {  	_ =	shalt  }
0x7e: {  	_ =	shalt  }
0x7f: {  	_ =	shalt  }
0x80: {  	_ =	shalt  }
0x81: {  	_ =	shalt  }
0x82: {  	_ =	shalt  }
0x83: {  	_ =	shalt  }
0x84: {  	_ =	shalt  }
0x85: {  	_ =	shalt  }
0x86: {  	_ =	shalt  }
0x87: {  	_ =	shalt  }
.Lfunc_end0:
.L_simem_size_0:
called_computation.3_lowered:
.L_overlay_start_0:
0x88: {  	s2 =	sld [smem:$0x3FD9]  }
0x89: {  	s3 =	sld [smem:$0x3FFE];
	_ =	sdelay $0x1  }
0x8a: {  	s1 =	srdreg.scid  }
0x8b: {  	s0 =	sand.u32 $0x1, s1  }
0x8c: {  	s16 =	sshll.u32 s0, $0xA;
	s2 =	sadd.s32 s3, s2  }
0x8d: {  	s2 =	sadd.s32 s2, s16  }
0x8e: {  	[smem:$0x3FBE] =	sst s2  }
0x8f: {  	_ = 	snop  }
0x90: {  	(tm) =	ssettm $0x1  }
0x91: {  	s17 =	sld [smem:$0x3FFB];
	_ =	sdelay $0x3  }
0x92: {  	_ =	strace s17  }
0x93: {  	s2 =	sld [smem:$0x3FFC];
	_ =	sdelay $0x3  }
0x94: {  	_ =	strace s2  }
0x95: {  	s2 =	sld [smem:$0x3FFD];
	_ =	sdelay $0x3  }
0x96: {  	_ =	strace s2  }
0x97: {  	_ =	strace $0x8FFFFFFF  }
0x98: {  	s18 =	sld [smem:$0x3FDB];
	_ =	sdelay $0x1  }
0x99: {  	s19 =	simm.s32 $_scs_section_size  }
0x9a: {  	s4 =	simm.s32 $_size__tile_overlayer_lowered;
	s5 =	simm.s32 $_tile_overlayer_lowered  }
0x9b: {  	s22 =	simm.s32 $0x1BFF;
	s21 =	sshll.u32 s5, $0x1;
	s2 =	sadd.s32 s19, s18  }
0x9c: {  	s6 =	simm.s32 $0x0;
	s20 =	sshll.u32 s4, $0x1;
	s4 =	sadd.s32 s21, s2  }
0x9d: {  	[timem:s6], [sflag:s22] =	dma.local [hbm:s4], s20  }
0x9e: {  	_ =	swait.ge [sflag:s22], s20  }
0x9f: {  	s3 =	ssub.s32 $0x0, s20;
	[sflag:s22] =	ssyncset.done $0x0  }
0xa0: {  	[sflag:s22] =	ssyncadd.s32 s3;
	_ =	sdelay $0x1  }
0xa1: {  	s23 =	simm.s32 $0x1B8B  }
0xa2: {  	_ =	swait.ge [sflag:s23], $0x1  }
0xa3: {  	[sflag:s23] =	ssyncset.done $0x0  }
0xa4: {  	s25 =	simm.s32 $0x1B8E;
	s24 =	sld [smem:$0x3FFE];
	[sflag:s23] =	ssyncadd.s32 $0xFFFFFFFF  }
0xa5: {  	s26 =	simm.s32 $execute0_lowered;
	[smem:$0x3FD2] =	sst s25  }
0xa6: {  	s4 =	sshll.u32 s26, $0x1;
	_ =	strace $0x8000004F;
	[dreg:$0x1] =	wrdreg $0xFFFFFFFF  }
0xa7: {  	s28 =	simm.s32 $_size_execute0_lowered;
	s2 =	sadd.s32 s2, s4;
	[dreg:$0x0] =	wrdreg $0x0  }
0xa8: {  	s4 =	sshll.u32 s28, $0x1;
	[dreg:$0x2] =	wrdreg s2  }
0xa9: {  	[dreg:$0x3] =	wrdreg s4  }
0xaa: {  	[dreg:$0x4] =	wrdreg $0xC0  }
0xab: {  	_ =	task [dreg:s6], $0x5FFFF  }
0xac: {  	[dreg:$0x1] =	wrdreg $0xFFFFFFFF  }
0xad: {  	[dreg:$0x0] =	wrdreg $0x60  }
0xae: {  	[dreg:$0x2] =	wrdreg s24  }
0xaf: {  	[dreg:$0x3] =	wrdreg $0x50800  }
0xb0: {  	[dreg:$0x4] =	wrdreg $0x9  }
0xb1: {  	_ =	task.clear_ibuf [dreg:s6], $0x5FFFF;
	_ =	strace $0x9000004F  }
0xb2: {  	s29 =	simm.s32 $0x9;
	_ =	strace $0x80000051  }
0xb3: {  	_ =	swait.ge [sflag:s29], $0x1  }
0xb4: {  	[sflag:s29] =	ssyncadd.s32 $0xFFFFFFFF  }
0xb5: {  	_ =	strace $0x90000051  }
0xb6: {  	_ =	sfence  }
0xb7: {  	s30 =	sld [smem:$0x0];
	_ =	sdelay $0x2  }
0xb8: {  	s31 =	sshll.u32 s1, $0xD;
	s1 =	sshrl.u32 s1, $0x2  }
0xb9: {  	s3 =	sand.u32 $0x4000, s31;
	s1 =	sadd.s32 s1, s30  }
0xba: {  	s0 =	sor.u32 s3, s0;
	s1 =	sshll.u32 s1, $0x11  }
0xbb: {  	s0 =	sor.u32 s1, s0  }
0xbc: {  	s0 =	sadd.s32 $0x8F2B, s0  }
0xbd: {  	[sflag:s0] =	ssyncadd.remote.s32 $0x1  }
0xbe: {  	_ =	sfence.sel $0xFFFF  }
0xbf: {  	[dreg:$0x0] =	wrdreg $0xFFFFFFFF;
	(pc) =	sbr.abs _section_cstart, $3  }
0xc0: {  	[dreg:$0x1] =	wrdreg $0xFFFFFFFF  }
0xc1: {  	_ =	task.clear_ibuf [dreg:s6], $0x2FFFF;
	_ =	strace $0x9FFFFFFF  }
0xc2: {  	(tm) =	ssettm $0x7FFFFFFF  }
0xc3: {  	_ =	shalt  }
tec
execute0_lowered:
.L_overlay_start_1:
0x0: {  	(tag) =	ssettag $0x1  }
0x1: {  	s6 =	rddreg [dreg:$0x0]  }
0x2: {  	s2 =	rddreg [dreg:$0x1]  }
0x3: {  	s0 =	rddreg [dreg:$0x2]  }
0x4: {  	s1 =	stileid.u32;
	s4 =	srdreg.scid  }
0x5: {  	s3 =	simm.s32 $0x0;
	s10 =	simm.s32 $0xA27600;
	s5 =	smul.u32 $0x9C4, s1  }
0x6: {  	s4 =	sand.u32 $0x1, s4;
	[smem:$0x7FF] =	sst s3;
	s31 =	smul.u32 $0x4E200, s1  }
0x7: {  	s11 =	simm.s32 $0x0;
	s7 =	smul.u32 $0x27100, s4;
	_ =	strace $0x80000050  }
0x8: {  	s30 =	ssub.s32 $0x2, s4;
	p0 =	seq.s32 s4, $0x1;
	s8 =	sadd.s32 s5, s6  }
0x9: {  	s9 =	sshrl.u32 s30, $0x1;
	s10 =	simm.s32 @!p0 $0x545600;
	s29 =	sadd.s32 s7, s6  }
0xa: {  	s7 =	ssub.s32 s30, s9;
	s6 =	sadd.s32 s10, s6;
	s9 =	simm.s32 $0x80  }
0xb: {  	s10 =	simm.s32 $0x50;
	s4 =	sadd.s32 $0x15400, s29;
	s5 =	smax.u32 s7, $0x1  }
0xc: {  	v0 =	vimm.f32 $0.0e+00;
	s6 =	sadd.s32 s31, s6;
	s7 =	sadd.s32 $0xB600, s8;
	s8 =	simm.s32 $0x1  }
.LBB2_1:
0xd: {  	s12 =	simm.s32 $0x70;
	s13 =	simm.s32 $0x3C0  }
.LBB2_2:
0xe: {  	p0 =	sne.s32 s13, $0x9FC0;
	[tilespmem:s12+$0x2880] =	vst v0  }
0xf: {  	[tilespmem:s12+$0x2810] =	vst v0  }
0x10: {  	[tilespmem:s12+$0x2820] =	vst v0  }
.Ltmp0:
0x11: {  	[tilespmem:s12+$0x2830] =	vst v0;
	(pc) =	sbr.rel @p0 .LBB2_2-.Ltmp0, $4  }
0x12: {  	[tilespmem:s12+$0x2840] =	vst v0  }
0x13: {  	[tilespmem:s12+$0x2850] =	vst v0  }
0x14: {  	[tilespmem:s12+$0x2860] =	vst v0  }
0x15: {  	[tilespmem:s12+$0x2870] =	vst v0;
	s12 =	sshra.s32 s13, $0x2;
	s13 =	sadd.s32 $0x200, s13  }
0x16: {  	[tilespmem:s12+$0x2880] =	vst v0  }
0x17: {  	[tilespmem:s12+$0x2810] =	vst v0  }
0x18: {  	[tilespmem:s12+$0x2820] =	vst v0  }
0x19: {  	[tilespmem:s12+$0x2830] =	vst v0  }
0x1a: {  	[tilespmem:s12+$0x2840] =	vst v0;
	s13 =	simm.s32 $0x0  }
0x1b: {  	[tilespmem:s12+$0x2850] =	vst v0;
	s13 =	sand.u32 $0xF, s13  }
0x1c: {  	[tilespmem:s12+$0x2860] =	vst v0;
	p0 =	sne.s32 s13, s1  }
0x1d: {  	[tilespmem:s12+$0x2870] =	vst v0;
	s12 =	simm.s32 @!p0 $0x2880;
	s15 =	simm.s32 @!p0 $0x1  }
0x1e: {  	[spmem:s2] =	stream.linear.scatter @!p0 [tilespmem:s12], [sflag:$0x1], $0x2800, $0x38;
	[tilespmem:$0x18900] =	vst v63  }
0x1f: {  	s14 =	simm.s32 $0x2;
	_ =	swait.ge @!p0 [sflag:s15], $0x2800  }
0x20: {  	s13 =	simm.s32 $0x1;
	s12 =	sadd.s32 $0x2800, s2;
	[sflag:s15] =	ssyncset.done @!p0 $0x0  }
.LBB2_4:
0x21: {  	s16 =	sand.u32 $0xF, s13;
	s13 =	smov.u32 s14;
	s14 =	sadd.s32 $0x1, s14  }
0x22: {  	[sflag:s15] =	ssyncadd.s32 @!p0 $0xFFFFD800;
	p1 =	sne.s32 s14, $0x7D  }
.Ltmp1:
0x23: {  	p0 =	sne.s32 s16, s1;
	(pc) =	sbr.rel @p1 .LBB2_4-.Ltmp1, $4  }
0x24: {  	s16 =	simm.s32 @!p0 $0x2880;
	s15 =	simm.s32 @!p0 $0x1  }
0x25: {  	[spmem:s12] =	stream.linear.scatter @!p0 [tilespmem:s16], [sflag:$0x1], $0x2800, $0x38;
	[tilespmem:$0x18900] =	vst v63  }
0x26: {  	_ =	swait.ge @!p0 [sflag:s15], $0x2800  }
0x27: {  	s12 =	sadd.s32 $0x2800, s12;
	[sflag:s15] =	ssyncset.done @!p0 $0x0  }
0x28: {  	s13 =	sand.u32 $0xF, s13  }
0x29: {  	p1 =	sne.s32 s13, s1  }
0x2a: {  	[sflag:s15] =	ssyncadd.s32 @!p0 $0xFFFFD800;
	s13 =	simm.s32 @!p1 $0x2880;
	s14 =	simm.s32 @!p1 $0x1  }
0x2b: {  	[spmem:s12] =	stream.linear.scatter @!p1 [tilespmem:s13], [sflag:$0x1], $0x2800, $0x38;
	[tilespmem:$0x18900] =	vst v63  }
0x2c: {  	_ =	swait.ge @!p1 [sflag:s14], $0x2800  }
0x2d: {  	[sflag:s14] =	ssyncset.done @!p1 $0x0  }
0x2e: {  	[sflag:s14] =	ssyncadd.s32 @!p1 $0xFFFFD800  }
0x2f: {  	s31 =	sadd.s32 $0x0, s7;
	[bflag:$0x0] =	sbarrier.arrive $0xFFFF  }
0x30: {  	[tilespmem:s3], [sflag:$0x1] =	stream.linear.gather [hbm4b:s31+s3], $0x50, $0x38;
	[tilespmem:$0x18900] =	vst v63  }
0x31: {  	_ =	swait.ge [sflag:s8], $0x50  }
0x32: {  	[sflag:s8] =	ssyncset.done $0x0  }
0x33: {  	[sflag:s8] =	ssyncadd.s32 $0xFFFFFFB0  }
0x34: {  	[tilespmem:s9], [sflag:$0x1] =	stream.linear.gather [hbm4b:s6+s3], $0x2800, $0x38;
	[tilespmem:$0x18900] =	vst v63  }
0x35: {  	_ =	swait.ge [sflag:s8], $0x2800  }
0x36: {  	[sflag:s8] =	ssyncset.done $0x0  }
0x37: {  	[sflag:s8] =	ssyncadd.s32 $0xFFFFD800  }
0x38: {  	[spmem:s2] =	stream.indirect.scatter.add.f32 [tilespmem:s9], [sflag:$0x1], $0x80, s3, s10, $0xb8;
	[tilespmem:$0x18900] =	vst v63  }
0x39: {  	s13 =	simm.s32 $0xA;
	_ =	swait.ge [sflag:s8], $0x2800  }
0x3a: {  	s12 =	sadd.s32 $0x500, s6;
	s14 =	simm.s32 $0x14;
	[sflag:s8] =	ssyncset.done $0x0  }
.LBB2_6:
0x3b: {  	s15 =	sadd.s32 s13, s7  }
0x3c: {  	[sflag:s8] =	ssyncadd.s32 $0xFFFFD800;
	s13 =	smov.u32 s14;
	s16 =	sadd.s32 $0xA, s14  }
0x3d: {  	[tilespmem:s3], [sflag:$0x1] =	stream.linear.gather [hbm4b:s15+s3], $0x50, $0x38;
	[tilespmem:$0x18900] =	vst v63  }
0x3e: {  	p0 =	sne.s32 s14, $0x9BA;
	_ =	swait.ge [sflag:s8], $0x50  }
0x3f: {  	[sflag:s8] =	ssyncset.done $0x0  }
0x40: {  	[sflag:s8] =	ssyncadd.s32 $0xFFFFFFB0  }
0x41: {  	[tilespmem:s9], [sflag:$0x1] =	stream.linear.gather [hbm4b:s12+s3], $0x2800, $0x38;
	[tilespmem:$0x18900] =	vst v63  }
0x42: {  	_ =	swait.ge [sflag:s8], $0x2800  }
.Ltmp2:
0x43: {  	[sflag:s8] =	ssyncset.done $0x0;
	(pc) =	sbr.rel @p0 .LBB2_6-.Ltmp2, $4  }
0x44: {  	[sflag:s8] =	ssyncadd.s32 $0xFFFFD800  }
0x45: {  	[spmem:s2] =	stream.indirect.scatter.add.f32 [tilespmem:s9], [sflag:$0x1], $0x80, s3, s10, $0xb8;
	[tilespmem:$0x18900] =	vst v63  }
0x46: {  	_ =	swait.ge [sflag:s8], $0x2800  }
0x47: {  	s14 =	smov.u32 s16;
	s12 =	sadd.s32 $0x500, s12;
	[sflag:s8] =	ssyncset.done $0x0  }
0x48: {  	s13 =	sadd.s32 s13, s7;
	[sflag:s8] =	ssyncadd.s32 $0xFFFFD800  }
0x49: {  	[tilespmem:s3], [sflag:$0x1] =	stream.linear.gather [hbm4b:s13+s3], $0x50, $0x38;
	[tilespmem:$0x18900] =	vst v63  }
0x4a: {  	_ =	swait.ge [sflag:s8], $0x50  }
0x4b: {  	[sflag:s8] =	ssyncset.done $0x0  }
0x4c: {  	[sflag:s8] =	ssyncadd.s32 $0xFFFFFFB0  }
0x4d: {  	[tilespmem:s9], [sflag:$0x1] =	stream.linear.gather [hbm4b:s12+s3], $0x2800, $0x38;
	[tilespmem:$0x18900] =	vst v63  }
0x4e: {  	_ =	swait.ge [sflag:s8], $0x2800  }
0x4f: {  	[sflag:s8] =	ssyncset.done $0x0  }
0x50: {  	s31 =	simm.s32 $0x0;
	[sflag:s8] =	ssyncadd.s32 $0xFFFFD800  }
0x51: {  	[spmem:s2] =	stream.indirect.scatter.add.f32 [tilespmem:s9], [sflag:$0x1], $0x80, s3, s10, $0xb8;
	[tilespmem:$0x18900] =	vst v63  }
0x52: {  	s12 =	sand.u32 $0xF, s31;
	_ =	swait.ge [sflag:s8], $0x2800  }
0x53: {  	s14 =	simm.s32 $0x1;
	p0 =	sne.s32 s12, s1;
	[sflag:s8] =	ssyncset.done $0x0  }
0x54: {  	s12 =	sshll.u32 @!p0 s1, $0x6;
	s13 =	sshrl.u32 @!p0 s2, $0x3;
	[sflag:s8] =	ssyncadd.s32 $0xFFFFD800  }
0x55: {  	s15 =	simm.s32 @!p0 $0x1;
	s12 =	sor.u32 @!p0 $0x1C01, s12;
	[bflag:$0x0] =	sbarrier.arrive $0xFFFF  }
0x56: {  	[hbm:s4], [sflag:s12] =	dma.local @!p0 [spmem:s13], $0x500  }
0x57: {  	s16 =	sand.u32 $0xF, s14;
	s14 =	sadd.s32 $0x2800, s2;
	_ =	swait.ge @!p0 [sflag:s15], $0x500  }
0x58: {  	s13 =	simm.s32 $0x2;
	s12 =	sadd.s32 $0x500, s4;
	[sflag:s15] =	ssyncset.done @!p0 $0x0  }
.LBB2_8:
0x59: {  	[sflag:s15] =	ssyncadd.s32 @!p0 $0xFFFFFB00  }
0x5a: {  	p0 =	sne.s32 s16, s1;
	s16 =	smov.u32 s13;
	s13 =	sadd.s32 $0x1, s13  }
0x5b: {  	p1 =	sne.s32 s13, $0x7D  }
.Ltmp3:
0x5c: {  	s15 =	sshll.u32 @!p0 s1, $0x6;
	s17 =	sshrl.u32 @!p0 s14, $0x3;
	(pc) =	sbr.rel @p1 .LBB2_8-.Ltmp3, $4  }
0x5d: {  	s18 =	sor.u32 @!p0 $0x1C01, s15;
	s15 =	simm.s32 @!p0 $0x1  }
0x5e: {  	[hbm:s12], [sflag:s18] =	dma.local @!p0 [spmem:s17], $0x500  }
0x5f: {  	s12 =	sadd.s32 $0x500, s12;
	_ =	swait.ge @!p0 [sflag:s15], $0x500  }
0x60: {  	s16 =	sand.u32 $0xF, s16;
	s14 =	sadd.s32 $0x2800, s14;
	[sflag:s15] =	ssyncset.done @!p0 $0x0  }
0x61: {  	p1 =	sne.s32 s16, s1;
	[sflag:s15] =	ssyncadd.s32 @!p0 $0xFFFFFB00;
	s11 =	sadd.s32 $0x1, s11  }
0x62: {  	s13 =	sshll.u32 @!p1 s1, $0x6;
	s14 =	sshrl.u32 @!p1 s14, $0x3;
	p0 =	sne.s32 s11, s5  }
.Ltmp4:
0x63: {  	s15 =	simm.s32 @!p1 $0x1;
	s13 =	sor.u32 @!p1 $0x1C01, s13;
	(pc) =	sbr.rel @p0 .LBB2_1-.Ltmp4, $4  }
0x64: {  	[hbm:s12], [sflag:s13] =	dma.local @!p1 [spmem:s14], $0x500  }
0x65: {  	_ =	swait.ge @!p1 [sflag:s15], $0x500  }
0x66: {  	[sflag:s15] =	ssyncset.done @!p1 $0x0  }
0x67: {  	[sflag:s15] =	ssyncadd.s32 @!p1 $0xFFFFFB00  }
0x68: {  	_ =	sfence.sel $0x180000  }
0x69: {  	[bflag:$0x0] =	sbarrier.arrive $0xFFFF  }
0x6a: {  	p0 =	sne.s32 s1, $0x0;
	_ =	strace $0x90000050  }
0x6b: {  	s0 =	sadd.s32 @!p0 $0x100000, s0;
	[bflag:$0x2] =	sbarrier.arrive $0xFFFF  }
0x6c: {  	[sflag:s0] =	ssyncadd.tile.s32 @!p0 $0x1;
	_ =	shalt  }
.Lfunc_end2:
_tile_overlayer_lowered:
.L_overlay_start_2:
0x6d: {  	(tag) =	ssettag $0x2  }
0x6e: {  	s0 =	rddreg [dreg:$0x0];
	s2 =	stileid.u32  }
0x6f: {  	s1 =	rddreg [dreg:$0x1];
	p0 =	sne.s32 s2, $0x0  }
0x70: {  	s3 =	rddreg [dreg:$0x2];
	[bflag:$0x3] =	sbarrier.arrive $0xFFFF;
	s2 =	simm.s32 @!p0 $0x1C01  }
0x71: {  	[timem:s3], [sflag:s2] =	dma.local @!p0 [hbm:s0], s1  }
0x72: {  	s0 =	simm.s32 @!p0 $0x1  }
0x73: {  	_ =	swait.ge @!p0 [sflag:s0], s1  }
0x74: {  	s1 =	ssub.s32 @!p0 $0x0, s1;
	[sflag:s0] =	ssyncset.done @!p0 $0x0  }
0x75: {  	[sflag:s0] =	ssyncadd.s32 @!p0 s1  }
0x76: {  	[bflag:$0x3] =	sbarrier.arrive $0xFFFF  }
0x77: {  	_ =	shalt  }

// kernel: scatter_offload_async_start
scs
__scs_entry_jumppad:
0x0: {  	(pc) =	sbr.rel $0x88, $3  }
0x1: {  	(tag) =	ssettag $0x0;
	lr =	simm.s32 $0x1  }
0x2: {  	[smem:$0x3F97] =	sst lr;
	_ =	strace $0xD0000000  }
0x3: {  	_ = 	snop  }
0x4: {  	_ = 	snop  }
0x5: {  	_ = 	snop  }
0x6: {  	_ = 	snop  }
0x7: {  	_ = 	snop  }
__scs_overlays_trampoline_lowered:
0x8: {  	[smem:$0x3FA6] =	sst s0  }
0x9: {  	[smem:$0x3FA7] =	sst s1  }
0xa: {  	[smem:$0x3FA8] =	sst s2  }
0xb: {  	[smem:$0x3FA9] =	sst s3  }
0xc: {  	[smem:$0x3FAA] =	sst s4  }
0xd: {  	[smem:$0x3FAB] =	sst s5  }
0xe: {  	[smem:$0x3FAC] =	sst s6  }
0xf: {  	[smem:$0x3FAD] =	sst s7  }
0x10: {  	[smem:$0x3FAE] =	sst s8  }
0x11: {  	[smem:$0x3FAF] =	sst s9;
	s0 =	simm.s32 @!p0 $0x0  }
0x12: {  	s1 =	sld [smem:$0x3F95];
	s0 =	simm.s32 @p0 $0x1  }
0x13: {  	[smem:$0x3FB0] =	sst s0;
	s0 =	simm.s32 @!p1 $0x0  }
0x14: {  	s2 =	sld [smem:$0x3F94];
	s0 =	simm.s32 @p1 $0x1  }
0x15: {  	[smem:$0x3FB1] =	sst s0;
	s0 =	simm.s32 @!p2 $0x0  }
0x16: {  	s3 =	sld [smem:$0x3FDB];
	s0 =	simm.s32 @p2 $0x1  }
0x17: {  	s4 =	simm.s32 $0x1BF5;
	[smem:$0x3FB3] =	sst s0  }
0x18: {  	s0 =	sld [smem:$0x3F96];
	_ =	swait.ge [sflag:s4], $0x0  }
0x19: {  	s7 =	sld [smem:$0x3F97]  }
0x1a: {  	s8 =	sadd.s32 $0xFFFFE003, lr  }
0x1b: {  	s9 =	sadd.s32 $0xFFFFFEF7, lr;
	s5 =	simm.s32 $0xFFFFFFFF;
	p2 =	slt.u32 s8, $0xFFFFF086  }
0x1c: {  	p1 =	slt.u32 s9, $0xF7A;
	s5 =	simm.s32 @!p2 $0x0  }
0x1d: {  	s5 =	simm.s32 @p1 $0x1;
	p0 =	seq.s32 s7, s2  }
0x1e: {  	s7 =	smul.u32 @!p0 $0xF7A, s2;
	p2 =	seq.s32 @!p0 s5, $0x0  }
0x1f: {  	s9 =	smul.u32 $0xF7A, s1;
	s8 =	simm.s32 @!p0 $0x1BF5;
	p2 =	por !p2, p0  }
0x20: {  	[sflag:s8] =	ssyncset.s32 @!p0 $0xFFFFF086;
	s6 =	sadd.s32 @!p0 s3, s7;
	s7 =	simm.s32 @!p0 $0x108  }
0x21: {  	s3 =	sadd.s32 s3, s9;
	s6 =	sadd.s32 @!p0 $0x88, s6;
	s7 =	simm.s32 @p2 $0x1082  }
0x22: {  	[simem:s7], [sflag:s8] =	dma.local @!p0 [hbm:s6], $0xF7A  }
0x23: {  	s9 =	sor.u32 $0xD0000000, s2;
	s6 =	simm.s32 $0x108;
	_ =	swait.ge @!p0 [sflag:s8], $0x0  }
0x24: {  	s3 =	sadd.s32 $0x88, s3;
	s6 =	simm.s32 @!p1 $0x1082;
	[sflag:s4] =	ssyncset.s32 $0xFFFFF086  }
0x25: {  	[simem:s6], [sflag:s4] =	dma.local [hbm:s3], $0xF7A  }
0x26: {  	[smem:$0x3F97] =	sst s1;
	(tag) =	ssettag s2;
	_ =	strace s9  }
0x27: {  	s1 =	sld [smem:$0x3FA7]  }
0x28: {  	s2 =	sld [smem:$0x3FA8]  }
0x29: {  	s4 =	sld [smem:$0x3FAA]  }
0x2a: {  	p0 =	seq.s32 s5, $0x0;
	s5 =	sld [smem:$0x3FAB]  }
0x2b: {  	s6 =	sld [smem:$0x3FAC]  }
0x2c: {  	s7 =	sld [smem:$0x3FAD]  }
0x2d: {  	s3 =	simm.s32 $0x108;
	s8 =	sld [smem:$0x3FAE]  }
0x2e: {  	s3 =	simm.s32 @!p0 $0x1082;
	s9 =	sld [smem:$0x3FAF]  }
0x2f: {  	lr =	sadd.s32 s0, s3;
	s0 =	sld [smem:$0x3FA6]  }
0x30: {  	s3 =	sld [smem:$0x3FA9]  }
0x31: {  	[smem:$0x3FB2] =	sst s10  }
0x32: {  	s10 =	sld [smem:$0x3FB0];
	_ =	sdelay $0x3  }
0x33: {  	p0 =	seq.s32 s10, $0x1;
	s10 =	sld [smem:$0x3FB2];
	_ =	sdelay $0x3  }
0x34: {  	[smem:$0x3FB2] =	sst s10  }
0x35: {  	s10 =	sld [smem:$0x3FB1];
	_ =	sdelay $0x3  }
0x36: {  	p1 =	seq.s32 s10, $0x1;
	s10 =	sld [smem:$0x3FB2];
	_ =	sdelay $0x3  }
0x37: {  	[smem:$0x3FB2] =	sst s10  }
0x38: {  	s10 =	sld [smem:$0x3FB3]  }
0x39: {  	_ = 	snop;
	(pc) =	sbr.ind lr, $3  }
0x3a: {  	_ = 	snop  }
0x3b: {  	_ = 	snop  }
0x3c: {  	p2 =	seq.s32 s10, $0x1;
	s10 =	sld [smem:$0x3FB2]  }
0x3d: {  	_ =	shalt  }
0x3e: {  	_ =	shalt  }
0x3f: {  	_ =	shalt  }
0x40: {  	_ =	shalt  }
0x41: {  	_ =	shalt  }
0x42: {  	_ =	shalt  }
0x43: {  	_ =	shalt  }
0x44: {  	_ =	shalt  }
0x45: {  	_ =	shalt  }
0x46: {  	_ =	shalt  }
0x47: {  	_ =	shalt  }
0x48: {  	_ =	shalt  }
0x49: {  	_ =	shalt  }
0x4a: {  	_ =	shalt  }
0x4b: {  	_ =	shalt  }
0x4c: {  	_ =	shalt  }
0x4d: {  	_ =	shalt  }
0x4e: {  	_ =	shalt  }
0x4f: {  	_ =	shalt  }
0x50: {  	_ =	shalt  }
0x51: {  	_ =	shalt  }
0x52: {  	_ =	shalt  }
0x53: {  	_ =	shalt  }
0x54: {  	_ =	shalt  }
0x55: {  	_ =	shalt  }
0x56: {  	_ =	shalt  }
0x57: {  	_ =	shalt  }
0x58: {  	_ =	shalt  }
0x59: {  	_ =	shalt  }
0x5a: {  	_ =	shalt  }
0x5b: {  	_ =	shalt  }
0x5c: {  	_ =	shalt  }
0x5d: {  	_ =	shalt  }
0x5e: {  	_ =	shalt  }
0x5f: {  	_ =	shalt  }
0x60: {  	_ =	shalt  }
0x61: {  	_ =	shalt  }
0x62: {  	_ =	shalt  }
0x63: {  	_ =	shalt  }
0x64: {  	_ =	shalt  }
0x65: {  	_ =	shalt  }
0x66: {  	_ =	shalt  }
0x67: {  	_ =	shalt  }
0x68: {  	_ =	shalt  }
0x69: {  	_ =	shalt  }
0x6a: {  	_ =	shalt  }
0x6b: {  	_ =	shalt  }
0x6c: {  	_ =	shalt  }
0x6d: {  	_ =	shalt  }
0x6e: {  	_ =	shalt  }
0x6f: {  	_ =	shalt  }
0x70: {  	_ =	shalt  }
0x71: {  	_ =	shalt  }
0x72: {  	_ =	shalt  }
0x73: {  	_ =	shalt  }
0x74: {  	_ =	shalt  }
0x75: {  	_ =	shalt  }
0x76: {  	_ =	shalt  }
0x77: {  	_ =	shalt  }
0x78: {  	_ =	shalt  }
0x79: {  	_ =	shalt  }
0x7a: {  	_ =	shalt  }
0x7b: {  	_ =	shalt  }
0x7c: {  	_ =	shalt  }
0x7d: {  	_ =	shalt  }
0x7e: {  	_ =	shalt  }
0x7f: {  	_ =	shalt  }
0x80: {  	_ =	shalt  }
0x81: {  	_ =	shalt  }
0x82: {  	_ =	shalt  }
0x83: {  	_ =	shalt  }
0x84: {  	_ =	shalt  }
0x85: {  	_ =	shalt  }
0x86: {  	_ =	shalt  }
0x87: {  	_ =	shalt  }
.Lfunc_end0:
.L_simem_size_0:
called_computation_lowered:
.L_overlay_start_0:
0x88: {  	s2 =	sld [smem:$0x3FD9]  }
0x89: {  	s3 =	sld [smem:$0x3FFE];
	_ =	sdelay $0x1  }
0x8a: {  	s1 =	srdreg.scid  }
0x8b: {  	s0 =	sand.u32 $0x1, s1  }
0x8c: {  	s16 =	sshll.u32 s0, $0xA;
	s2 =	sadd.s32 s3, s2  }
0x8d: {  	s2 =	sadd.s32 s2, s16  }
0x8e: {  	[smem:$0x3FBE] =	sst s2  }
0x8f: {  	_ = 	snop  }
0x90: {  	s2 =	sld [smem:$0x3FD0];
	(tm) =	ssettm $0x1  }
0x91: {  	s17 =	sld [smem:$0x3FFB];
	_ =	sdelay $0x3  }
0x92: {  	_ =	strace s17  }
0x93: {  	s3 =	sld [smem:$0x3FFC];
	_ =	sdelay $0x3  }
0x94: {  	_ =	strace s3  }
0x95: {  	s3 =	sld [smem:$0x3FFD];
	_ =	sdelay $0x3  }
0x96: {  	_ =	strace s3  }
0x97: {  	_ =	strace $0x8FFFFFFF  }
0x98: {  	s18 =	sld [smem:$0x3FDB];
	_ =	sdelay $0x1  }
0x99: {  	s4 =	simm.s32 $_scs_section_size  }
0x9a: {  	s5 =	simm.s32 $_size__tile_overlayer_lowered;
	s6 =	simm.s32 $_tile_overlayer_lowered  }
0x9b: {  	s21 =	simm.s32 $0x1BFF;
	s20 =	sshll.u32 s6, $0x1;
	s3 =	sadd.s32 s4, s18  }
0x9c: {  	s7 =	simm.s32 $0x0;
	s19 =	sshll.u32 s5, $0x1;
	s5 =	sadd.s32 s20, s3  }
0x9d: {  	[timem:s7], [sflag:s21] =	dma.local [hbm:s5], s19  }
0x9e: {  	_ =	swait.ge [sflag:s21], s19  }
0x9f: {  	s4 =	ssub.s32 $0x0, s19;
	[sflag:s21] =	ssyncset.done $0x0  }
0xa0: {  	[sflag:s21] =	ssyncadd.s32 s4;
	_ =	sdelay $0x1  }
0xa1: {  	s22 =	simm.s32 $0x1B8B  }
0xa2: {  	_ =	swait.ge [sflag:s22], $0x1  }
0xa3: {  	[sflag:s22] =	ssyncset.done $0x0  }
0xa4: {  	s23 =	sld [smem:$0x3FFE];
	[sflag:s22] =	ssyncadd.s32 $0xFFFFFFFF  }
0xa5: {  	s25 =	simm.s32 $0x1B8E;
	s24 =	sld [smem:$0x0]  }
0xa6: {  	s26 =	simm.s32 $execute0_lowered;
	[smem:$0x3FD2] =	sst s25  }
0xa7: {  	s6 =	sshll.u32 s26, $0x1;
	_ =	strace $0x80000049;
	[dreg:$0x1] =	wrdreg $0xFFFFFFFF  }
0xa8: {  	s28 =	simm.s32 $_size_execute0_lowered;
	s3 =	sadd.s32 s3, s6;
	[dreg:$0x0] =	wrdreg $0x0  }
0xa9: {  	s6 =	sshll.u32 s28, $0x1;
	[dreg:$0x2] =	wrdreg s3  }
0xaa: {  	[dreg:$0x3] =	wrdreg s6  }
0xab: {  	[dreg:$0x4] =	wrdreg $0xC0  }
0xac: {  	_ =	task [dreg:s7], $0x5FFFF  }
0xad: {  	[dreg:$0x1] =	wrdreg $0xFFFFFFFF  }
0xae: {  	[dreg:$0x0] =	wrdreg $0x60  }
0xaf: {  	[dreg:$0x2] =	wrdreg s2  }
0xb0: {  	[dreg:$0x3] =	wrdreg s23  }
0xb1: {  	[dreg:$0x4] =	wrdreg s1  }
0xb2: {  	[dreg:$0x5] =	wrdreg s24  }
0xb3: {  	[dreg:$0x6] =	wrdreg $0x9  }
0xb4: {  	_ =	task.clear_ibuf [dreg:s7], $0x7FFFF;
	_ =	strace $0x90000049  }
0xb5: {  	s29 =	simm.s32 $0x9;
	_ =	strace $0x8000004B  }
0xb6: {  	_ =	swait.ge [sflag:s29], $0x1  }
0xb7: {  	[sflag:s29] =	ssyncadd.s32 $0xFFFFFFFF  }
0xb8: {  	_ =	strace $0x9000004B  }
0xb9: {  	_ =	sfence  }
0xba: {  	s30 =	sld [smem:$0x0];
	_ =	sdelay $0x2  }
0xbb: {  	s31 =	sshll.u32 s1, $0xD;
	s1 =	sshrl.u32 s1, $0x2  }
0xbc: {  	s3 =	sand.u32 $0x4000, s31;
	s1 =	sadd.s32 s1, s30  }
0xbd: {  	s0 =	sor.u32 s3, s0;
	s1 =	sshll.u32 s1, $0x11  }
0xbe: {  	s0 =	sor.u32 s1, s0  }
0xbf: {  	s0 =	sadd.s32 $0x8F2B, s0  }
0xc0: {  	[sflag:s0] =	ssyncadd.remote.s32 $0x1  }
0xc1: {  	_ =	sfence.sel $0xFFFF  }
0xc2: {  	[dreg:$0x0] =	wrdreg $0xFFFFFFFF;
	(pc) =	sbr.abs _section_cstart, $3  }
0xc3: {  	[dreg:$0x1] =	wrdreg $0xFFFFFFFF  }
0xc4: {  	_ =	task.clear_ibuf [dreg:s7], $0x2FFFF;
	_ =	strace $0x9FFFFFFF  }
0xc5: {  	(tm) =	ssettm $0x7FFFFFFF  }
tec
execute0_lowered:
.L_overlay_start_1:
0x0: {  	(tag) =	ssettag $0x1  }
0x1: {  	s1 =	rddreg [dreg:$0x0]  }
0x2: {  	s11 =	rddreg [dreg:$0x1]  }
0x3: {  	s3 =	rddreg [dreg:$0x2];
	_ =	strace $0x8000004A;
	s12 =	simm.s32 $0x1  }
0x4: {  	v0 =	vimm.s32 $0x0;
	[sflag:s12] =	ssyncpa.u1 $0x0  }
0x5: {  	[tilespmem:$0x28] =	vst v0  }
0x6: {  	[tilespmem:$0x38] =	vst v0  }
0x7: {  	[tilespmem:$0x48] =	vst v0  }
0x8: {  	[tilespmem:$0x58] =	vst v0  }
0x9: {  	[tilespmem:$0x68] =	vst v0  }
0xa: {  	[tilespmem:$0x78] =	vst v0  }
0xb: {  	[tilespmem:$0x88] =	vst v0  }
0xc: {  	[tilespmem:$0x98] =	vst v0  }
0xd: {  	[tilespmem:$0xA8] =	vst v0  }
0xe: {  	[tilespmem:$0xB8] =	vst v0  }
0xf: {  	[tilespmem:$0xC8] =	vst v0  }
0x10: {  	[tilespmem:$0xD8] =	vst v0  }
0x11: {  	[tilespmem:$0xE8] =	vst v0  }
0x12: {  	[tilespmem:$0xF8] =	vst v0  }
0x13: {  	[tilespmem:$0x108] =	vst v0  }
0x14: {  	[tilespmem:$0x118] =	vst v0  }
0x15: {  	[tilespmem:$0x128] =	vst v0  }
0x16: {  	[tilespmem:$0x138] =	vst v0  }
0x17: {  	[tilespmem:$0x148] =	vst v0  }
0x18: {  	[tilespmem:$0x158] =	vst v0  }
0x19: {  	[tilespmem:$0x168] =	vst v0  }
0x1a: {  	[tilespmem:$0x178] =	vst v0  }
0x1b: {  	[tilespmem:$0x188] =	vst v0  }
0x1c: {  	[tilespmem:$0x198] =	vst v0  }
0x1d: {  	[tilespmem:$0x1A8] =	vst v0  }
0x1e: {  	[tilespmem:$0x1B8] =	vst v0  }
0x1f: {  	[tilespmem:$0x1C8] =	vst v0  }
0x20: {  	[tilespmem:$0x1D8] =	vst v0  }
0x21: {  	[tilespmem:$0x1E8] =	vst v0  }
0x22: {  	[tilespmem:$0x1F8] =	vst v0  }
0x23: {  	[tilespmem:$0x208] =	vst v0  }
0x24: {  	[tilespmem:$0x218] =	vst v0  }
0x25: {  	[tilespmem:$0x228] =	vst v0  }
0x26: {  	[tilespmem:$0x238] =	vst v0  }
0x27: {  	[tilespmem:$0x248] =	vst v0  }
0x28: {  	[tilespmem:$0x258] =	vst v0  }
0x29: {  	[tilespmem:$0x268] =	vst v0  }
0x2a: {  	[tilespmem:$0x278] =	vst v0  }
0x2b: {  	[tilespmem:$0x288] =	vst v0  }
0x2c: {  	[tilespmem:$0x298] =	vst v0  }
0x2d: {  	[tilespmem:$0x2A8] =	vst v0  }
0x2e: {  	[tilespmem:$0x2B8] =	vst v0  }
0x2f: {  	[tilespmem:$0x2C8] =	vst v0  }
0x30: {  	[tilespmem:$0x2D8] =	vst v0  }
0x31: {  	[tilespmem:$0x2E8] =	vst v0  }
0x32: {  	[tilespmem:$0x2F8] =	vst v0  }
0x33: {  	[tilespmem:$0x308] =	vst v0  }
0x34: {  	[tilespmem:$0x318] =	vst v0  }
0x35: {  	[tilespmem:$0x328] =	vst v0  }
0x36: {  	[tilespmem:$0x338] =	vst v0  }
0x37: {  	[tilespmem:$0x348] =	vst v0  }
0x38: {  	[tilespmem:$0x358] =	vst v0  }
0x39: {  	[tilespmem:$0x368] =	vst v0  }
0x3a: {  	[tilespmem:$0x378] =	vst v0  }
0x3b: {  	[tilespmem:$0x388] =	vst v0  }
0x3c: {  	[tilespmem:$0x398] =	vst v0  }
0x3d: {  	[tilespmem:$0x3A8] =	vst v0  }
0x3e: {  	[tilespmem:$0x3B8] =	vst v0  }
0x3f: {  	[tilespmem:$0x3C8] =	vst v0  }
0x40: {  	[tilespmem:$0x3D8] =	vst v0  }
0x41: {  	[tilespmem:$0x3E8] =	vst v0  }
0x42: {  	[tilespmem:$0x3F8] =	vst v0  }
0x43: {  	[tilespmem:$0x408] =	vst v0  }
0x44: {  	[tilespmem:$0x418] =	vst v0  }
0x45: {  	[tilespmem:$0x428] =	vst v0  }
0x46: {  	[tilespmem:$0x438] =	vst v0  }
0x47: {  	[tilespmem:$0x448] =	vst v0  }
0x48: {  	[tilespmem:$0x458] =	vst v0  }
0x49: {  	[tilespmem:$0x468] =	vst v0  }
0x4a: {  	[tilespmem:$0x478] =	vst v0  }
0x4b: {  	[tilespmem:$0x488] =	vst v0  }
0x4c: {  	[tilespmem:$0x498] =	vst v0  }
0x4d: {  	[tilespmem:$0x4A8] =	vst v0  }
0x4e: {  	[tilespmem:$0x4B8] =	vst v0  }
0x4f: {  	[tilespmem:$0x4C8] =	vst v0  }
0x50: {  	[tilespmem:$0x4D8] =	vst v0  }
0x51: {  	[tilespmem:$0x4E8] =	vst v0  }
0x52: {  	[tilespmem:$0x4F8] =	vst v0  }
0x53: {  	[tilespmem:$0x508] =	vst v0  }
0x54: {  	[tilespmem:$0x518] =	vst v0  }
0x55: {  	[tilespmem:$0x528] =	vst v0  }
0x56: {  	[tilespmem:$0x538] =	vst v0  }
0x57: {  	[tilespmem:$0x548] =	vst v0  }
0x58: {  	[tilespmem:$0x558] =	vst v0  }
0x59: {  	[tilespmem:$0x568] =	vst v0  }
0x5a: {  	[tilespmem:$0x578] =	vst v0  }
0x5b: {  	[tilespmem:$0x588] =	vst v0  }
0x5c: {  	[tilespmem:$0x598] =	vst v0  }
0x5d: {  	[tilespmem:$0x5A8] =	vst v0  }
0x5e: {  	[tilespmem:$0x5B8] =	vst v0  }
0x5f: {  	[tilespmem:$0x5C8] =	vst v0  }
0x60: {  	[tilespmem:$0x5D8] =	vst v0  }
0x61: {  	[tilespmem:$0x5E8] =	vst v0  }
0x62: {  	[tilespmem:$0x5F8] =	vst v0  }
0x63: {  	[tilespmem:$0x608] =	vst v0  }
0x64: {  	[tilespmem:$0x618] =	vst v0  }
0x65: {  	[tilespmem:$0x628] =	vst v0  }
0x66: {  	[tilespmem:$0x638] =	vst v0  }
0x67: {  	[tilespmem:$0x648] =	vst v0  }
0x68: {  	[tilespmem:$0x658] =	vst v0  }
0x69: {  	[tilespmem:$0x668] =	vst v0  }
0x6a: {  	[tilespmem:$0x678] =	vst v0  }
0x6b: {  	[tilespmem:$0x688] =	vst v0  }
0x6c: {  	[tilespmem:$0x698] =	vst v0  }
0x6d: {  	[tilespmem:$0x6A8] =	vst v0  }
0x6e: {  	[tilespmem:$0x6B8] =	vst v0  }
0x6f: {  	[tilespmem:$0x6C8] =	vst v0  }
0x70: {  	[tilespmem:$0x6D8] =	vst v0  }
0x71: {  	[tilespmem:$0x6E8] =	vst v0  }
0x72: {  	[tilespmem:$0x6F8] =	vst v0  }
0x73: {  	[tilespmem:$0x708] =	vst v0  }
0x74: {  	[tilespmem:$0x718] =	vst v0  }
0x75: {  	[tilespmem:$0x728] =	vst v0  }
0x76: {  	[tilespmem:$0x738] =	vst v0  }
0x77: {  	[tilespmem:$0x748] =	vst v0  }
0x78: {  	[tilespmem:$0x758] =	vst v0  }
0x79: {  	[tilespmem:$0x768] =	vst v0  }
0x7a: {  	[tilespmem:$0x778] =	vst v0  }
0x7b: {  	[tilespmem:$0x788] =	vst v0  }
0x7c: {  	[tilespmem:$0x798] =	vst v0  }
0x7d: {  	[tilespmem:$0x7A8] =	vst v0  }
0x7e: {  	[tilespmem:$0x7B8] =	vst v0  }
0x7f: {  	[tilespmem:$0x7C8] =	vst v0  }
0x80: {  	[tilespmem:$0x7D8] =	vst v0  }
0x81: {  	[tilespmem:$0x7E8] =	vst v0  }
0x82: {  	[tilespmem:$0x7F8] =	vst v0  }
0x83: {  	[tilespmem:$0x808] =	vst v0  }
0x84: {  	[tilespmem:$0x818] =	vst v0  }
0x85: {  	[tilespmem:$0x828] =	vst v0  }
0x86: {  	[tilespmem:$0x838] =	vst v0  }
0x87: {  	[tilespmem:$0x848] =	vst v0  }
0x88: {  	[tilespmem:$0x858] =	vst v0  }
0x89: {  	[tilespmem:$0x868] =	vst v0  }
0x8a: {  	[tilespmem:$0x878] =	vst v0  }
0x8b: {  	[tilespmem:$0x888] =	vst v0  }
0x8c: {  	[tilespmem:$0x898] =	vst v0  }
0x8d: {  	[tilespmem:$0x8A8] =	vst v0  }
0x8e: {  	[tilespmem:$0x8B8] =	vst v0  }
0x8f: {  	[tilespmem:$0x8C8] =	vst v0  }
0x90: {  	[tilespmem:$0x8D8] =	vst v0  }
0x91: {  	[tilespmem:$0x8E8] =	vst v0  }
0x92: {  	[tilespmem:$0x8F8] =	vst v0  }
0x93: {  	[tilespmem:$0x908] =	vst v0  }
0x94: {  	[tilespmem:$0x918] =	vst v0  }
0x95: {  	[tilespmem:$0x928] =	vst v0  }
0x96: {  	[tilespmem:$0x938] =	vst v0  }
0x97: {  	[tilespmem:$0x948] =	vst v0  }
0x98: {  	[tilespmem:$0x958] =	vst v0  }
0x99: {  	[tilespmem:$0x968] =	vst v0  }
0x9a: {  	[tilespmem:$0x978] =	vst v0  }
0x9b: {  	[tilespmem:$0x988] =	vst v0  }
0x9c: {  	[tilespmem:$0x998] =	vst v0  }
0x9d: {  	[tilespmem:$0x9A8] =	vst v0  }
0x9e: {  	[tilespmem:$0x9B8] =	vst v0  }
0x9f: {  	[tilespmem:$0x9C8] =	vst v0  }
0xa0: {  	[tilespmem:$0x9D8] =	vst v0  }
0xa1: {  	[tilespmem:$0x9E8] =	vst v0  }
0xa2: {  	[tilespmem:$0x9F8] =	vst v0  }
0xa3: {  	[tilespmem:$0xA08] =	vst v0  }
0xa4: {  	[tilespmem:$0xA18] =	vst v0  }
0xa5: {  	[tilespmem:$0xA28] =	vst v0  }
0xa6: {  	[tilespmem:$0xA38] =	vst v0  }
0xa7: {  	[tilespmem:$0xA48] =	vst v0  }
0xa8: {  	[tilespmem:$0xA58] =	vst v0  }
0xa9: {  	[tilespmem:$0xA68] =	vst v0  }
0xaa: {  	[tilespmem:$0xA78] =	vst v0  }
0xab: {  	[tilespmem:$0xA88] =	vst v0  }
0xac: {  	[tilespmem:$0xA98] =	vst v0  }
0xad: {  	[tilespmem:$0xAA8] =	vst v0  }
0xae: {  	[tilespmem:$0xAB8] =	vst v0  }
0xaf: {  	[tilespmem:$0xAC8] =	vst v0  }
0xb0: {  	[tilespmem:$0xAD8] =	vst v0  }
0xb1: {  	[tilespmem:$0xAE8] =	vst v0  }
0xb2: {  	[tilespmem:$0xAF8] =	vst v0  }
0xb3: {  	[tilespmem:$0xB08] =	vst v0  }
0xb4: {  	[tilespmem:$0xB18] =	vst v0  }
0xb5: {  	[tilespmem:$0xB28] =	vst v0  }
0xb6: {  	[tilespmem:$0xB38] =	vst v0  }
0xb7: {  	[tilespmem:$0xB48] =	vst v0  }
0xb8: {  	[tilespmem:$0xB58] =	vst v0  }
0xb9: {  	[tilespmem:$0xB68] =	vst v0  }
0xba: {  	[tilespmem:$0xB78] =	vst v0  }
0xbb: {  	[tilespmem:$0xB88] =	vst v0  }
0xbc: {  	[tilespmem:$0xB98] =	vst v0  }
0xbd: {  	[tilespmem:$0xBA8] =	vst v0  }
0xbe: {  	[tilespmem:$0xBB8] =	vst v0  }
0xbf: {  	[tilespmem:$0xBC8] =	vst v0  }
0xc0: {  	[tilespmem:$0xBD8] =	vst v0  }
0xc1: {  	[tilespmem:$0xBE8] =	vst v0  }
0xc2: {  	[tilespmem:$0xBF8] =	vst v0  }
0xc3: {  	[tilespmem:$0xC08] =	vst v0  }
0xc4: {  	[tilespmem:$0xC18] =	vst v0  }
0xc5: {  	[tilespmem:$0xC28] =	vst v0  }
0xc6: {  	[tilespmem:$0xC38] =	vst v0  }
0xc7: {  	[tilespmem:$0xC48] =	vst v0  }
0xc8: {  	[tilespmem:$0xC58] =	vst v0  }
0xc9: {  	[tilespmem:$0xC68] =	vst v0  }
0xca: {  	[tilespmem:$0xC78] =	vst v0  }
0xcb: {  	[tilespmem:$0xC88] =	vst v0  }
0xcc: {  	[tilespmem:$0xC98] =	vst v0  }
0xcd: {  	[tilespmem:$0xCA8] =	vst v0  }
0xce: {  	[tilespmem:$0xCB8] =	vst v0  }
0xcf: {  	[tilespmem:$0xCC8] =	vst v0  }
0xd0: {  	[tilespmem:$0xCD8] =	vst v0  }
0xd1: {  	[tilespmem:$0xCE8] =	vst v0  }
0xd2: {  	[tilespmem:$0xCF8] =	vst v0  }
0xd3: {  	[tilespmem:$0xD08] =	vst v0  }
0xd4: {  	[tilespmem:$0xD18] =	vst v0  }
0xd5: {  	[tilespmem:$0xD28] =	vst v0  }
0xd6: {  	[tilespmem:$0xD38] =	vst v0  }
0xd7: {  	[tilespmem:$0xD48] =	vst v0  }
0xd8: {  	[tilespmem:$0xD58] =	vst v0  }
0xd9: {  	[tilespmem:$0xD68] =	vst v0  }
0xda: {  	[tilespmem:$0xD78] =	vst v0  }
0xdb: {  	[tilespmem:$0xD88] =	vst v0  }
0xdc: {  	[tilespmem:$0xD98] =	vst v0  }
0xdd: {  	[tilespmem:$0xDA8] =	vst v0  }
0xde: {  	[tilespmem:$0xDB8] =	vst v0  }
0xdf: {  	[tilespmem:$0xDC8] =	vst v0  }
0xe0: {  	[tilespmem:$0xDD8] =	vst v0  }
0xe1: {  	[tilespmem:$0xDE8] =	vst v0  }
0xe2: {  	[tilespmem:$0xDF8] =	vst v0  }
0xe3: {  	[tilespmem:$0xE08] =	vst v0  }
0xe4: {  	[tilespmem:$0xE18] =	vst v0  }
0xe5: {  	[tilespmem:$0xE28] =	vst v0  }
0xe6: {  	[tilespmem:$0xE38] =	vst v0  }
0xe7: {  	[tilespmem:$0xE48] =	vst v0  }
0xe8: {  	[tilespmem:$0xE58] =	vst v0  }
0xe9: {  	[tilespmem:$0xE68] =	vst v0  }
0xea: {  	[tilespmem:$0xE78] =	vst v0  }
0xeb: {  	[tilespmem:$0xE88] =	vst v0  }
0xec: {  	[tilespmem:$0xE98] =	vst v0  }
0xed: {  	[tilespmem:$0xEA8] =	vst v0  }
0xee: {  	[tilespmem:$0xEB8] =	vst v0  }
0xef: {  	[tilespmem:$0xEC8] =	vst v0  }
0xf0: {  	[tilespmem:$0xED8] =	vst v0  }
0xf1: {  	[tilespmem:$0xEE8] =	vst v0  }
0xf2: {  	[tilespmem:$0xEF8] =	vst v0  }
0xf3: {  	[tilespmem:$0xF08] =	vst v0  }
0xf4: {  	[tilespmem:$0xF18] =	vst v0  }
0xf5: {  	[tilespmem:$0xF28] =	vst v0  }
0xf6: {  	[tilespmem:$0xF38] =	vst v0  }
0xf7: {  	[tilespmem:$0xF48] =	vst v0  }
0xf8: {  	[tilespmem:$0xF58] =	vst v0  }
0xf9: {  	[tilespmem:$0xF68] =	vst v0  }
0xfa: {  	[tilespmem:$0xF78] =	vst v0  }
0xfb: {  	[tilespmem:$0xF88] =	vst v0  }
0xfc: {  	[tilespmem:$0xF98] =	vst v0  }
0xfd: {  	[tilespmem:$0xFA8] =	vst v0  }
0xfe: {  	[tilespmem:$0xFB8] =	vst v0  }
0xff: {  	[tilespmem:$0xFC8] =	vst v0  }
0x100: {  	[tilespmem:$0xFD8] =	vst v0  }
0x101: {  	[tilespmem:$0xFE8] =	vst v0  }
0x102: {  	[tilespmem:$0xFF8] =	vst v0  }
0x103: {  	[tilespmem:$0x1028] =	vst v0  }
0x104: {  	[tilespmem:$0x10E8] =	vst v0  }
0x105: {  	[tilespmem:$0x1048] =	vst v0  }
0x106: {  	[tilespmem:$0x1068] =	vst v0  }
0x107: {  	[tilespmem:$0x1B28] =	vst v0  }
0x108: {  	[tilespmem:$0x1B18] =	vst v0  }
0x109: {  	[tilespmem:$0x1B08] =	vst v0  }
0x10a: {  	[tilespmem:$0x1AF8] =	vst v0  }
0x10b: {  	[tilespmem:$0x1AE8] =	vst v0  }
0x10c: {  	[tilespmem:$0x1AD8] =	vst v0  }
0x10d: {  	[tilespmem:$0x1AC8] =	vst v0  }
0x10e: {  	[tilespmem:$0x1AB8] =	vst v0  }
0x10f: {  	[tilespmem:$0x1AA8] =	vst v0  }
0x110: {  	[tilespmem:$0x1A98] =	vst v0  }
0x111: {  	[tilespmem:$0x1A88] =	vst v0  }
0x112: {  	[tilespmem:$0x1A78] =	vst v0  }
0x113: {  	[tilespmem:$0x1A68] =	vst v0  }
0x114: {  	[tilespmem:$0x1A58] =	vst v0  }
0x115: {  	[tilespmem:$0x1A48] =	vst v0  }
0x116: {  	[tilespmem:$0x1A38] =	vst v0  }
0x117: {  	[tilespmem:$0x1A28] =	vst v0  }
0x118: {  	[tilespmem:$0x1A18] =	vst v0  }
0x119: {  	[tilespmem:$0x1A08] =	vst v0  }
0x11a: {  	[tilespmem:$0x19F8] =	vst v0  }
0x11b: {  	[tilespmem:$0x19E8] =	vst v0  }
0x11c: {  	[tilespmem:$0x19D8] =	vst v0  }
0x11d: {  	[tilespmem:$0x19C8] =	vst v0  }
0x11e: {  	[tilespmem:$0x19B8] =	vst v0  }
0x11f: {  	[tilespmem:$0x19A8] =	vst v0  }
0x120: {  	[tilespmem:$0x1998] =	vst v0  }
0x121: {  	[tilespmem:$0x1988] =	vst v0  }
0x122: {  	[tilespmem:$0x1978] =	vst v0  }
0x123: {  	[tilespmem:$0x1968] =	vst v0  }
0x124: {  	[tilespmem:$0x1958] =	vst v0  }
0x125: {  	[tilespmem:$0x1948] =	vst v0  }
0x126: {  	[tilespmem:$0x1938] =	vst v0  }
0x127: {  	[tilespmem:$0x1928] =	vst v0  }
0x128: {  	[tilespmem:$0x1918] =	vst v0  }
0x129: {  	[tilespmem:$0x1908] =	vst v0  }
0x12a: {  	[tilespmem:$0x18F8] =	vst v0  }
0x12b: {  	[tilespmem:$0x18E8] =	vst v0  }
0x12c: {  	[tilespmem:$0x18D8] =	vst v0  }
0x12d: {  	[tilespmem:$0x18C8] =	vst v0  }
0x12e: {  	[tilespmem:$0x18B8] =	vst v0  }
0x12f: {  	[tilespmem:$0x18A8] =	vst v0  }
0x130: {  	[tilespmem:$0x1898] =	vst v0  }
0x131: {  	[tilespmem:$0x1888] =	vst v0  }
0x132: {  	[tilespmem:$0x1878] =	vst v0  }
0x133: {  	[tilespmem:$0x1868] =	vst v0  }
0x134: {  	[tilespmem:$0x1858] =	vst v0  }
0x135: {  	[tilespmem:$0x1848] =	vst v0  }
0x136: {  	[tilespmem:$0x1838] =	vst v0  }
0x137: {  	[tilespmem:$0x1828] =	vst v0  }
0x138: {  	[tilespmem:$0x1818] =	vst v0  }
0x139: {  	[tilespmem:$0x1808] =	vst v0  }
0x13a: {  	[tilespmem:$0x17F8] =	vst v0  }
0x13b: {  	[tilespmem:$0x17E8] =	vst v0  }
0x13c: {  	[tilespmem:$0x17D8] =	vst v0  }
0x13d: {  	[tilespmem:$0x17C8] =	vst v0  }
0x13e: {  	[tilespmem:$0x17B8] =	vst v0  }
0x13f: {  	[tilespmem:$0x17A8] =	vst v0  }
0x140: {  	[tilespmem:$0x1798] =	vst v0  }
0x141: {  	[tilespmem:$0x1788] =	vst v0  }
0x142: {  	[tilespmem:$0x1778] =	vst v0  }
0x143: {  	[tilespmem:$0x1768] =	vst v0  }
0x144: {  	[tilespmem:$0x1758] =	vst v0  }
0x145: {  	[tilespmem:$0x1748] =	vst v0  }
0x146: {  	[tilespmem:$0x1738] =	vst v0  }
0x147: {  	[tilespmem:$0x1728] =	vst v0  }
0x148: {  	[tilespmem:$0x1718] =	vst v0  }
0x149: {  	[tilespmem:$0x1708] =	vst v0  }
0x14a: {  	[tilespmem:$0x16F8] =	vst v0  }
0x14b: {  	[tilespmem:$0x16E8] =	vst v0  }
0x14c: {  	[tilespmem:$0x16D8] =	vst v0  }
0x14d: {  	[tilespmem:$0x16C8] =	vst v0  }
0x14e: {  	[tilespmem:$0x16B8] =	vst v0  }
0x14f: {  	[tilespmem:$0x16A8] =	vst v0  }
0x150: {  	[tilespmem:$0x1698] =	vst v0  }
0x151: {  	[tilespmem:$0x1688] =	vst v0  }
0x152: {  	[tilespmem:$0x1678] =	vst v0  }
0x153: {  	[tilespmem:$0x1668] =	vst v0  }
0x154: {  	[tilespmem:$0x1658] =	vst v0  }
0x155: {  	[tilespmem:$0x1648] =	vst v0  }
0x156: {  	[tilespmem:$0x1638] =	vst v0  }
0x157: {  	[tilespmem:$0x1628] =	vst v0  }
0x158: {  	[tilespmem:$0x1618] =	vst v0  }
0x159: {  	[tilespmem:$0x1608] =	vst v0  }
0x15a: {  	[tilespmem:$0x15F8] =	vst v0  }
0x15b: {  	[tilespmem:$0x15E8] =	vst v0  }
0x15c: {  	[tilespmem:$0x15D8] =	vst v0  }
0x15d: {  	[tilespmem:$0x15C8] =	vst v0  }
0x15e: {  	[tilespmem:$0x15B8] =	vst v0  }
0x15f: {  	[tilespmem:$0x15A8] =	vst v0  }
0x160: {  	[tilespmem:$0x1598] =	vst v0  }
0x161: {  	[tilespmem:$0x1588] =	vst v0  }
0x162: {  	[tilespmem:$0x1578] =	vst v0  }
0x163: {  	[tilespmem:$0x1568] =	vst v0  }
0x164: {  	[tilespmem:$0x1558] =	vst v0  }
0x165: {  	[tilespmem:$0x1548] =	vst v0  }
0x166: {  	[tilespmem:$0x1538] =	vst v0  }
0x167: {  	[tilespmem:$0x1528] =	vst v0  }
0x168: {  	[tilespmem:$0x1518] =	vst v0  }
0x169: {  	[tilespmem:$0x1508] =	vst v0  }
0x16a: {  	[tilespmem:$0x14F8] =	vst v0  }
0x16b: {  	[tilespmem:$0x14E8] =	vst v0  }
0x16c: {  	[tilespmem:$0x14D8] =	vst v0  }
0x16d: {  	[tilespmem:$0x14C8] =	vst v0  }
0x16e: {  	[tilespmem:$0x14B8] =	vst v0  }
0x16f: {  	[tilespmem:$0x14A8] =	vst v0  }
0x170: {  	[tilespmem:$0x1498] =	vst v0  }
0x171: {  	[tilespmem:$0x1488] =	vst v0  }
0x172: {  	[tilespmem:$0x1478] =	vst v0  }
0x173: {  	[tilespmem:$0x1468] =	vst v0  }
0x174: {  	[tilespmem:$0x1458] =	vst v0  }
0x175: {  	[tilespmem:$0x1448] =	vst v0  }
0x176: {  	[tilespmem:$0x1438] =	vst v0  }
0x177: {  	[tilespmem:$0x1428] =	vst v0  }
0x178: {  	[tilespmem:$0x1418] =	vst v0  }
0x179: {  	[tilespmem:$0x1408] =	vst v0  }
0x17a: {  	[tilespmem:$0x13F8] =	vst v0  }
0x17b: {  	[tilespmem:$0x13E8] =	vst v0  }
0x17c: {  	[tilespmem:$0x13D8] =	vst v0  }
0x17d: {  	[tilespmem:$0x13C8] =	vst v0  }
0x17e: {  	[tilespmem:$0x13B8] =	vst v0  }
0x17f: {  	[tilespmem:$0x13A8] =	vst v0  }
0x180: {  	[tilespmem:$0x1398] =	vst v0  }
0x181: {  	[tilespmem:$0x1388] =	vst v0  }
0x182: {  	[tilespmem:$0x1378] =	vst v0  }
0x183: {  	[tilespmem:$0x1368] =	vst v0  }
0x184: {  	[tilespmem:$0x1358] =	vst v0  }
0x185: {  	[tilespmem:$0x1348] =	vst v0  }
0x186: {  	[tilespmem:$0x1338] =	vst v0  }
0x187: {  	[tilespmem:$0x1328] =	vst v0  }
0x188: {  	[tilespmem:$0x1318] =	vst v0  }
0x189: {  	[tilespmem:$0x1308] =	vst v0  }
0x18a: {  	[tilespmem:$0x12F8] =	vst v0  }
0x18b: {  	[tilespmem:$0x12E8] =	vst v0  }
0x18c: {  	[tilespmem:$0x12D8] =	vst v0  }
0x18d: {  	[tilespmem:$0x12C8] =	vst v0  }
0x18e: {  	[tilespmem:$0x12B8] =	vst v0  }
0x18f: {  	[tilespmem:$0x12A8] =	vst v0  }
0x190: {  	[tilespmem:$0x1298] =	vst v0  }
0x191: {  	[tilespmem:$0x1288] =	vst v0  }
0x192: {  	[tilespmem:$0x1278] =	vst v0  }
0x193: {  	[tilespmem:$0x1268] =	vst v0  }
0x194: {  	[tilespmem:$0x1258] =	vst v0  }
0x195: {  	[tilespmem:$0x1248] =	vst v0  }
0x196: {  	[tilespmem:$0x1238] =	vst v0  }
0x197: {  	[tilespmem:$0x1228] =	vst v0  }
0x198: {  	[tilespmem:$0x1218] =	vst v0  }
0x199: {  	[tilespmem:$0x1208] =	vst v0  }
0x19a: {  	[tilespmem:$0x11F8] =	vst v0  }
0x19b: {  	[tilespmem:$0x11E8] =	vst v0  }
0x19c: {  	[tilespmem:$0x11D8] =	vst v0  }
0x19d: {  	[tilespmem:$0x11C8] =	vst v0  }
0x19e: {  	[tilespmem:$0x11B8] =	vst v0  }
0x19f: {  	[tilespmem:$0x11A8] =	vst v0  }
0x1a0: {  	[tilespmem:$0x1198] =	vst v0  }
0x1a1: {  	[tilespmem:$0x1188] =	vst v0  }
0x1a2: {  	[tilespmem:$0x1178] =	vst v0  }
0x1a3: {  	[tilespmem:$0x1168] =	vst v0  }
0x1a4: {  	[tilespmem:$0x1158] =	vst v0  }
0x1a5: {  	[tilespmem:$0x1148] =	vst v0  }
0x1a6: {  	[tilespmem:$0x1138] =	vst v0  }
0x1a7: {  	s4 =	stileid.u32;
	[tilespmem:$0x1128] =	vst v0  }
0x1a8: {  	s0 =	smul.u32 $0x17, s4;
	[tilespmem:$0x1118] =	vst v0  }
0x1a9: {  	s2 =	smin.u32 s4, $0x3;
	[tilespmem:$0x1108] =	vst v0  }
0x1aa: {  	[tilespmem:$0x10F8] =	vst v0;
	s0 =	sadd.s32 s2, s0  }
0x1ab: {  	p0 =	slt.u32 s4, $0x3;
	[tilespmem:$0x10C8] =	vst v0;
	s2 =	simm.s32 $0x2880;
	s6 =	smul.u32 $0x1B0, s0  }
0x1ac: {  	s2 =	simm.s32 @!p0 $0x26D0;
	[tilespmem:$0x10D8] =	vst v0  }
0x1ad: {  	[tilespmem:$0x10B8] =	vst v0;
	s0 =	sadd.s32 s2, s6  }
0x1ae: {  	[tilespmem:$0x1038] =	vst v0;
	s7 =	smin.u32 s0, $0x27100  }
0x1af: {  	s5 =	simm.s32 $0x2;
	s8 =	simm.s32 $0x9;
	[tilespmem:$0x10A8] =	vst v0;
	s0 =	ssub.s32 s7, s6  }
0x1b0: {  	s10 =	simm.s32 $0xA;
	s30 =	simm.s32 $0xB;
	[tilespmem:$0x1098] =	vst v0;
	p0 =	sgt.s32 s0, $0x0  }
0x1b1: {  	s16 =	simm.s32 $0x0;
	p4 =	por $0x0, $0x0;
	[tilespmem:$0x1088] =	vst v0;
	s0 =	simm.s32 @!p0 $0x0  }
0x1b2: {  	s17 =	simm.s32 $0xC;
	s21 =	simm.s32 $0x0;
	[tilespmem:$0x1078] =	vst v0;
	s28 =	smulhi.u32 $0x4BDA12F7, s0  }
0x1b3: {  	s18 =	simm.s32 $0x0;
	s20 =	simm.s32 $0x0;
	s3 =	sand.u32 $0x1, s3;
	[tilespmem:$0x1058] =	vst v0  }
0x1b4: {  	[dreg:$0x6] =	wrdreg s3;
	s3 =	smul.u32 $0x4E20, s3;
	[tilespmem:$0x1018] =	vst v0;
	s2 =	sshrl.u32 s28, $0x7  }
0x1b5: {  	s31 =	sshll.u32 s4, $0x5;
	[tilespmem:$0x1008] =	vst v0;
	[sflag:s5] =	ssyncpa.u1 $0x0;
	v0 =	vimm.s32 $0xFFFFFFFF;
	s29 =	smul.u32 $0x1B0, s2  }
.Ltmp0:
0x1b6: {  	[dreg:$0x5] =	wrdreg s31;
	[tilespmem:$0x3648] =	vst v0;
	[sflag:s8] =	ssyncpa.u1 $0x0;
	(pc) =	sbr.rel .LBB2_1-.Ltmp0, $4  }
0x1b7: {  	s3 =	sadd.s32 s3, s11;
	[sflag:s10] =	ssyncpa.u1 $0x0;
	p0 =	sne.s32 s0, s29  }
0x1b8: {  	s11 =	sadd.s32 $0x13FF400, s11;
	[sflag:s30] =	ssyncpa.u1 $0x0;
	s12 =	simm.s32 @!p0 $0x0  }
0x1b9: {  	s13 =	sadd.s32 $0xF13600, s3;
	s14 =	sadd.s32 $0xF09800, s3;
	s12 =	sadd.s32 s12, s2  }
0x1ba: {  	v0 =	vlaneseq.u32;
	s19 =	smov.u32 s6;
	p0 =	por $0x1, $0x1;
	s15 =	sadd.s32 $0x1, s12  }
.LBB2_18:
0x1bb: {  	s0 =	simm.s32 $0x2  }
0x1bc: {  	_ =	swait.ge [sflag:s0], $0x0  }
0x1bd: {  	[sflag:s0] =	ssyncset.done $0x0;
	s0 =	simm.s32 $0x0  }
.LBB2_19:
0x1be: {  	_ =	swait.ge [sflag:s17], s0  }
0x1bf: {  	s31 =	ssub.s32 $0x0, s0;
	v1 =	vmov s23;
	vm0 =	veq.s32 v0, $0x0;
	[sflag:s17] =	ssyncset.done $0x0  }
0x1c0: {  	vm15 =	veq.s32 v0, $0x2;
	v1 =	vsel vm0, s28, v1;
	[sflag:s17] =	ssyncadd.s32 s31  }
0x1c1: {  	v1 =	vsel vm15, s21, v1;
	[sflag:s17] =	ssyncpa.u1 $0x1  }
0x1c2: {  	[tilespmem:$0x3648] =	vst v1  }
.LBB2_20:
0x1c3: {  	s0 =	sadd.s32 $0x1B0, s19  }
0x1c4: {  	s2 =	smov.u32 s6;
	p1 =	slt.s32 s0, s7  }
0x1c5: {  	s2 =	smov.u32 @p1 s0;
	p1 =	sne.s32 s20, s15  }
.Ltmp1:
0x1c6: {  	_ = 	snop;
	(pc) =	sbr.rel @!p1 .LBB2_21-.Ltmp1, $4  }
0x1c7: {  	_ = 	snop  }
0x1c8: {  	s21 =	smov.u32 s18  }
0x1c9: {  	s31 =	sadd.s32 $0x1, s20;
	s18 =	smov.u32 s19;
	p0 =	por !p0, !p0  }
0x1ca: {  	p4 =	por !p4, !p4;
	s20 =	smov.u32 s31;
	s19 =	smov.u32 s2  }
.LBB2_1:
0x1cb: {  	p2 =	sge.u32 s20, s12  }
0x1cc: {  	s0 =	smulhi.u32 @!p2 $0xAAAAAAAB, s20  }
0x1cd: {  	s2 =	smov.u32 s19;
	p3 =	sgt.s32 @!p2 s19, $0x26F50  }
0x1ce: {  	s3 =	sshra.s32 @!p2 s19, $0x1F;
	p3 =	por !p3, p2;
	s0 =	sshrl.u32 @!p2 s0, $0x1  }
0x1cf: {  	s3 =	sand.u32 @!p2 s3, s19;
	s2 =	simm.s32 @p3 $0x26F50;
	s0 =	smul.u32 @!p2 $0x3, s0  }
0x1d0: {  	s2 =	ssub.s32 @!p2 s2, s3  }
0x1d1: {  	s23 =	sadd.s32 $0xFFFFFFFF, s20;
	s2 =	sadd.s32 @!p2 $0xFFFD90B0, s2;
	s0 =	ssub.s32 @!p2 s20, s0  }
0x1d2: {  	s3 =	sshll.u32 @!p2 s2, $0x2;
	p3 =	sgt.s32 @!p2 s2, $0x1AF;
	s0 =	smul.u32 @!p2 $0x6C0, s0  }
0x1d3: {  	s5 =	sand.u32 @!p2 $0x7, s19;
	s2 =	ssub.s32 @!p2 $0x6C0, s3;
	p3 =	por !p3, p2  }
0x1d4: {  	s3 =	sshrl.u32 @!p2 s19, $0x3;
	s2 =	sshrl.u32 @!p2 s2, $0x2;
	s0 =	sshrl.u32 @!p2 s0, $0x2  }
0x1d5: {  	s3 =	sadd.s32 @!p2 s3, s13;
	s2 =	simm.s32 @!p3 $0x0;
	s0 =	sadd.s32 @!p2 $0x3888, s0  }
0x1d6: {  	[tilespmem:s0], [sflag:$0xA] =	stream.linear.gather @!p2 [hbm4b:s3+s5], s2, $0x38;
	[tilespmem:$0x1F0F8] =	vst v63  }
0x1d7: {  	p2 =	sge.u32 s23, s12  }
0x1d8: {  	p3 =	sgt.s32 @!p2 s18, $0x26F50  }
0x1d9: {  	s0 =	smov.u32 s18;
	s2 =	sshra.s32 @!p2 s18, $0x1F;
	p3 =	por !p3, p2  }
0x1da: {  	s2 =	sand.u32 @!p2 s2, s18;
	s0 =	simm.s32 @p3 $0x26F50  }
0x1db: {  	s0 =	ssub.s32 @!p2 s0, s2  }
0x1dc: {  	s0 =	sadd.s32 @!p2 $0xFFFD90B0, s0  }
0x1dd: {  	s2 =	sshll.u32 @!p2 s0, $0x2  }
0x1de: {  	p3 =	sgt.s32 @!p2 s0, $0x1AF;
	s0 =	ssub.s32 @!p2 $0x6C0, s2  }
0x1df: {  	s22 =	ssub.s32 @!p2 $0x27100, s18;
	p3 =	por !p3, p2;
	s0 =	sshrl.u32 @!p2 s0, $0x2  }
0x1e0: {  	s2 =	sand.u32 @!p2 $0x1, s23;
	s0 =	simm.s32 @!p3 $0x0;
	p3 =	slt.s32 @!p2 s22, $0x1  }
0x1e1: {  	s3 =	simm.s32 @!p2 $0xA;
	s2 =	smul.u32 @!p2 $0x6C0, s2;
	p3 =	por p2, p3  }
.Ltmp2:
0x1e2: {  	_ =	swait.ge @!p2 [sflag:s3], s0;
	(pc) =	sbr.rel @p3 .LBB2_7-.Ltmp2, $4  }
0x1e3: {  	s5 =	ssub.s32 @!p2 $0x0, s0;
	[sflag:s3] =	ssyncset.done @!p2 $0x0  }
0x1e4: {  	s2 =	sshrl.u32 @!p2 s2, $0x2;
	[sflag:s3] =	ssyncadd.s32 @!p2 s5;
	s3 =	sshrl.u32 @!p2 s18, $0x3  }
0x1e5: {  	s2 =	sadd.s32 @!p2 $0x3D98, s2;
	s5 =	sand.u32 @!p2 $0x7, s18;
	s3 =	sadd.s32 @!p2 s3, s14  }
0x1e6: {  	[tilespmem:s2], [sflag:$0xB] =	stream.linear.gather @!p2 [hbm4b:s3+s5], s0, $0x38;
	[tilespmem:$0x1F0F8] =	vst v63  }
0x1e7: {  	s0 =	smulhi.u32 $0xAAAAAAAB, s23;
	_ =	sdelay $0x1  }
0x1e8: {  	s0 =	sshrl.u32 s0, $0x1  }
0x1e9: {  	s0 =	smul.u32 $0x3, s0;
	_ =	sdelay $0x1  }
0x1ea: {  	s0 =	ssub.s32 s23, s0  }
0x1eb: {  	s2 =	simm.s32 $0x1;
	s0 =	smul.u32 $0x6C0, s0  }
.Ltmp3:
0x1ec: {  	s2 =	simm.s32 @!p0 $0x0;
	(pc) =	sbr.rel .LBB2_4-.Ltmp3, $4  }
0x1ed: {  	s2 =	smul.u32 $0x36000, s2  }
0x1ee: {  	p3 =	slt.s32 @!p2 s22, $0x1B0;
	s0 =	sshrl.u32 s0, $0x2  }
0x1ef: {  	p2 =	por !p3, p2;
	s2 =	sshrl.u32 s2, $0x2;
	s0 =	sadd.s32 $0x3888, s0  }
0x1f0: {  	s24 =	simm.s32 $0x0;
	s22 =	simm.s32 @p2 $0x1B0;
	s23 =	sadd.s32 $0x40F8, s2;
	v1 =	vmov s0  }
.LBB2_3:
0x1f1: {  	p2 =	sge.s32 s24, s22  }
.Ltmp4:
0x1f2: {  	_ = 	snop;
	(pc) =	sbr.rel @p2 .LBB2_7-.Ltmp4, $2  }
0x1f3: {  	_ =	sdelay $0x2  }
0x1f4: {  	s23 =	sadd.s32 $0x800, s23  }
.LBB2_4:
0x1f5: {  	p2 =	sle.s32 s22, s24  }
.Ltmp5:
0x1f6: {  	_ = 	snop;
	(pc) =	sbr.rel @p2 .LBB2_3-.Ltmp5, $2  }
0x1f7: {  	_ =	sdelay $0x2  }
0x1f8: {  	s0 =	smov.u32 s24;
	s24 =	sadd.s32 $0x10, s24  }
0x1f9: {  	s2 =	ssub.s32 s22, s0  }
0x1fa: {  	p2 =	slt.s32 s2, $0x10  }
0x1fb: {  	s2 =	simm.s32 @!p2 $0x10  }
0x1fc: {  	v2 =	vmov s2  }
0x1fd: {  	vm0 =	vgt.s32 v2, v0;
	_ =	sdelay $0x5  }
0x1fe: {  	v2 =	vld.idx.msk [tilespmem:v1+s0+$0x0 ss:$0x1], vm0;
	_ =	sdelay $0x2  }
0x1ff: {  	p2 =	slt.s32 s24, s22;
	s2 =	smov.u32 s22  }
0x200: {  	s3 =	smov.u32 s23;
	s25 =	simm.s32 $0x0;
	s2 =	smov.u32 @p2 s24  }
.LBB2_6:
0x201: {  	(v2sf) =	vpush v2, s25;
	_ =	sdelay $0xc  }
0x202: {  	s25 =	sadd.s32 $0x1, s25  }
0x203: {  	s31 =	sadd.s32 s25, s0  }
0x204: {  	p2 =	slt.s32 s31, s2;
	s5 =	spop (v2sf)  }
.Ltmp6:
0x205: {  	s5 =	sshll.u32 s5, $0x4;
	(pc) =	sbr.rel @p2 .LBB2_6-.Ltmp6, $4  }
0x206: {  	s5 =	sand.u32 $0x1FFFFFF0, s5  }
0x207: {  	s5 =	sadd.s32 s11, s5  }
0x208: {  	[tilespmem:s3], [sflag:$0x9] =	stream.linear.gather [hbm4b:s5+s16], $0x8, $0x38;
	[tilespmem:$0x1F0F8] =	vst v63  }
0x209: {  	s3 =	sadd.s32 $0x80, s3  }
.Ltmp7:
0x20a: {  	_ = 	snop;
	(pc) =	sbr.rel .LBB2_3-.Ltmp7, $1  }
0x20b: {  	_ =	sdelay $0x3  }
.LBB2_7:
0x20c: {  	p2 =	slt.u32 s20, $0x2  }
.Ltmp8:
0x20d: {  	_ = 	snop;
	(pc) =	sbr.rel @p2 .LBB2_20-.Ltmp8, $1  }
0x20e: {  	_ =	sdelay $0x3  }
0x20f: {  	p2 =	sgt.s32 s21, $0x26F50  }
0x210: {  	s0 =	smov.u32 s21;
	s2 =	sshra.s32 s21, $0x1F;
	s3 =	ssub.s32 $0x27100, s21  }
0x211: {  	s0 =	simm.s32 @!p2 $0x26F50;
	s2 =	sand.u32 s2, s21;
	p2 =	slt.s32 s3, $0x1B0  }
0x212: {  	s0 =	ssub.s32 s0, s2;
	s3 =	simm.s32 @!p2 $0x1B0  }
0x213: {  	s0 =	sadd.s32 $0xFFFD90B0, s0;
	s24 =	sshll.u32 s3, $0x3  }
0x214: {  	s28 =	simm.s32 $0x9;
	s25 =	sshll.u32 s0, $0x2;
	s2 =	sand.u32 $0x3FFFFFF8, s24  }
0x215: {  	p2 =	sgt.s32 s0, $0x1AF;
	s26 =	ssub.s32 $0x6C0, s25;
	_ =	swait.ge [sflag:s28], s2  }
0x216: {  	s2 =	ssub.s32 $0x0, s2;
	[sflag:s28] =	ssyncset.done $0x0;
	s0 =	sshrl.u32 s26, $0x2  }
0x217: {  	s30 =	simm.s32 $0xB;
	[sflag:s28] =	ssyncadd.s32 s2;
	s0 =	simm.s32 @p2 $0x0  }
0x218: {  	_ =	swait.ge [sflag:s30], s0  }
0x219: {  	s0 =	ssub.s32 $0x0, s0;
	[sflag:s30] =	ssyncset.done $0x0  }
0x21a: {  	[sflag:s30] =	ssyncadd.s32 s0  }
0x21b: {  	v1 =	vld [tilespmem:$0x3648];
	_ =	sdelay $0x4  }
0x21c: {  	(v2sf) =	vpush v1, $0x0  }
0x21d: {  	(v2sf) =	vpush v1, $0x1  }
0x21e: {  	(v2sf) =	vpush v1, $0x2;
	_ =	sdelay $0x3  }
0x21f: {  	s0 =	sadd.s32 $0x1B0, s21  }
0x220: {  	s2 =	ssub.s32 $0x4E200, s21;
	p2 =	slt.s32 s7, s0  }
0x221: {  	s0 =	smov.u32 @p2 s7;
	p2 =	sgt.s32 s2, $0x0  }
0x222: {  	s25 =	ssub.s32 s0, s21;
	s2 =	simm.s32 @!p2 $0x0  }
0x223: {  	p2 =	slt.s32 s2, s25  }
0x224: {  	s25 =	smov.u32 @p2 s2  }
0x225: {  	s24 =	simm.s32 $0x1;
	p2 =	slt.s32 s25, $0x1  }
.Ltmp9:
0x226: {  	s24 =	simm.s32 @!p4 $0x0;
	(pc) =	sbr.rel @p2 .LBB2_12-.Ltmp9, $4  }
0x227: {  	s31 =	smul.u32 $0x6C0, s24  }
0x228: {  	s26 =	spop (v2sf)  }
0x229: {  	s0 =	sshrl.u32 s31, $0x2;
	s29 =	spop (v2sf)  }
0x22a: {  	s22 =	sadd.s32 $0x3D98, s0;
	s21 =	spop (v2sf)  }
0x22b: {  	s0 =	smin.u32 s25, $0x10  }
0x22c: {  	v1 =	vmov s0  }
0x22d: {  	p3 =	sgt.s32 s25, $0x10;
	vm1 =	vgt.u32 v1, v0  }
.Ltmp10:
0x22e: {  	_ = 	snop;
	(pc) =	sbr.rel @!p3 .LBB2_11-.Ltmp10, $2  }
0x22f: {  	_ =	sdelay $0x2  }
0x230: {  	s23 =	simm.s32 $0x10;
	s28 =	sadd.s32 $0xFFFFFFF0, s25;
	s0 =	smov.u32 s22;
	vm0 =	vmmov vm1  }
.LBB2_10:
0x231: {  	s2 =	smin.u32 s28, $0x10;
	s23 =	sadd.s32 $0x10, s23;
	v1 =	vld.msk [tilespmem:s0+$0x0 ss:$0x1], vm1  }
0x232: {  	v2 =	vmov s2;
	p3 =	slt.s32 s23, s25  }
0x233: {  	vm1 =	vgt.u32 v2, v0  }
.Ltmp11:
0x234: {  	(pc) =	sbr.rel @p3 .LBB2_10-.Ltmp11, $3  }
0x235: {  	_ =	sdelay $0x1  }
0x236: {  	v1 =	vshll.u32 v1, $0x4  }
0x237: {  	s28 =	sadd.s32 $0xFFFFFFF0, s28;
	[tilespmem:s0+$0x0] =	vst.msk vm0, v1;
	s0 =	sadd.s32 $0x10, s0;
	vm0 =	vmmov vm1  }
.LBB2_11:
0x238: {  	_ =	sdelay $0x4  }
0x239: {  	v1 =	vld.msk [tilespmem:s0+$0x0 ss:$0x1], vm1;
	_ =	sdelay $0x4  }
0x23a: {  	v1 =	vshll.u32 v1, $0x4  }
0x23b: {  	[tilespmem:s0+$0x0] =	vst.msk vm0, v1  }
.LBB2_12:
0x23c: {  	s0 =	sand.u32 $0x1, s20  }
0x23d: {  	s2 =	smul.u32 $0x1B0, s0  }
0x23e: {  	p3 =	sne.s32 s29, $0xFFFFFFFF  }
0x23f: {  	v1 =	vld.msk @!p3 [tilespmem:s2+$0x3D98], $0x1;
	_ =	sdelay $0x4  }
0x240: {  	(v2sf) =	vpush @!p3 v1, $0x0;
	_ =	sdelay $0x9  }
0x241: {  	s0 =	smul.u32 $0xD800, s0;
	_ =	sdelay $0x1  }
0x242: {  	v1 =	vld.msk @!p3 [tilespmem:s0+$0x40F8], $0xff  }
.Ltmp12:
0x243: {  	_ = 	snop;
	(pc) =	sbr.rel @p2 .LBB2_18-.Ltmp12, $4  }
0x244: {  	_ = 	snop  }
0x245: {  	s28 =	spop @!p3 (v2sf)  }
0x246: {  	s21 =	simm.s32 @!p3 $0x0;
	s0 =	simm.s32 @!p3 $0x28;
	s23 =	smov.u32 s28  }
0x247: {  	[tilespmem:s0+$0x0] =	vst.msk @!p3 $0xff, v1;
	[sflag:s17] =	ssyncpa.u1 $0x0;
	s28 =	smov.u32 @p3 s26;
	s23 =	smov.u32 @p3 s29  }
0x248: {  	v1 =	vld.msk [tilespmem:s22+$0x0], $0x1;
	_ =	sdelay $0x4  }
0x249: {  	(v2sf) =	vpush v1, $0x0;
	_ =	sdelay $0xe  }
0x24a: {  	s0 =	simm.s32 @!p4 $0x0;
	s26 =	smul.u32 $0x36000, s24;
	s31 =	spop (v2sf)  }
0x24b: {  	s29 =	ssub.s32 $0x0, s25;
	s0 =	simm.s32 @p4 $0x1;
	p2 =	seq.s32 s28, s31  }
0x24c: {  	s2 =	smov.u32 s28;
	[smem:$0x7FD] =	sst s0;
	p3 =	sgt.s32 @!p2 s28, $0x0  }
0x24d: {  	s0 =	sshrl.u32 s26, $0x2;
	s26 =	sadd.s32 $0x1, s29;
	p3 =	por !p3, p2  }
0x24e: {  	s2 =	simm.s32 @p3 $0x0;
	p3 =	seq.s32 s26, $0x0  }
.Ltmp13:
0x24f: {  	_ = 	snop;
	(pc) =	sbr.rel @p3 .LBB2_15-.Ltmp13, $4  }
0x250: {  	s25 =	simm.s32 $0x0  }
0x251: {  	s24 =	sadd.s32 $0x40F8, s0;
	s0 =	simm.s32 @!p2 $0x1;
	s3 =	smin.u32 @!p2 s2, $0x270FF  }
0x252: {  	s30 =	sadd.s32 $0x1, s22;
	s0 =	smov.u32 @p2 s25;
	s5 =	sand.u32 @!p2 $0x3FFF8, s3  }
0x253: {  	s2 =	simm.s32 @!p2 $0x1B38;
	s3 =	sand.u32 @!p2 $0x7, s3;
	s5 =	sadd.s32 @!p2 s1, s5  }
.LBB2_14:
0x254: {  	s4 =	smov.u32 s0  }
0x255: {  	[tilespmem:s2], [sflag:$0x2] =	stream.linear.gather @!p2 [hbm4b:s5+s3], $0x8, $0x38;
	[tilespmem:$0x1F0F8] =	vst v63  }
0x256: {  	s26 =	sadd.s32 $0x1, s26;
	s3 =	smov.u32 s31;
	v1 =	vld.msk [tilespmem:s30+$0x0], $0x1  }
0x257: {  	p3 =	seq.s32 s26, $0x0;
	_ =	sdelay $0x3  }
0x258: {  	(v2sf) =	vpush v1, $0x0;
	_ =	sdelay $0xe  }
0x259: {  	s31 =	spop (v2sf)  }
0x25a: {  	p2 =	seq.s32 s3, s31  }
0x25b: {  	p4 =	sgt.s32 @!p2 s3, $0x0;
	s2 =	sshll.u32 @!p2 s0, $0x6;
	s0 =	sadd.s32 @!p2 $0x1, s0  }
.Ltmp14:
0x25c: {  	p4 =	por !p4, p2;
	s2 =	sshra.s32 @!p2 s2, $0x2;
	(pc) =	sbr.rel @!p3 .LBB2_14-.Ltmp14, $4  }
0x25d: {  	s0 =	smov.u32 @p2 s4;
	s3 =	simm.s32 @p4 $0x0;
	s2 =	sadd.s32 @!p2 $0x1B38, s2  }
0x25e: {  	s3 =	smin.u32 @!p2 s3, $0x270FF  }
0x25f: {  	s4 =	sand.u32 @!p2 $0x3FFF8, s3;
	s3 =	sand.u32 @!p2 $0x7, s3  }
0x260: {  	s30 =	sadd.s32 $0x1, s30;
	s5 =	sadd.s32 @!p2 s1, s4  }
.LBB2_15:
0x261: {  	[tilespmem:s2], [sflag:$0x2] =	stream.linear.gather @!p2 [hbm4b:s5+s3], $0x8, $0x38;
	[tilespmem:$0x1F0F8] =	vst v63  }
0x262: {  	s0 =	sshll.u32 s0, $0x3  }
0x263: {  	s31 =	simm.s32 $0x2;
	s0 =	sand.u32 $0x3FFFFFF8, s0  }
0x264: {  	_ =	swait.ge [sflag:s31], s0  }
0x265: {  	s0 =	ssub.s32 $0x0, s0;
	[sflag:s31] =	ssyncset.done $0x0  }
0x266: {  	[sflag:s31] =	ssyncadd.s32 s0  }
0x267: {  	v1 =	vld.msk [tilespmem:s22+$0x0], $0x1;
	_ =	sdelay $0x4  }
0x268: {  	(v2sf) =	vpush v1, $0x0;
	_ =	sdelay $0xe  }
0x269: {  	s26 =	spop (v2sf)  }
0x26a: {  	p2 =	sne.s32 s28, s26  }
0x26b: {  	p4 =	sne.s32 @p2 s28, s23  }
0x26c: {  	p3 =	por !p4, !p2  }
0x26d: {  	s0 =	sshll.u32 @!p3 s21, $0x6;
	s2 =	simm.s32 @!p3 $0x0  }
0x26e: {  	s0 =	sshra.s32 @!p3 s0, $0x2;
	v1 =	vld.msk @!p3 [tilespmem:s2+$0x1B38], $0xff  }
0x26f: {  	v2 =	vld.msk @!p3 [tilespmem:s0+$0x28], $0xff;
	_ =	sdelay $0x1  }
0x270: {  	p5 =	sgt.u32 @!p3 s28, $0x270FF  }
0x271: {  	p6 =	por @p2 p5, !p4  }
0x272: {  	p1 =	por p6, !p2;
	p6 =	por p4, !p2  }
0x273: {  	s3 =	sadd.s32 @!p3 $0x28, s0;
	s2 =	sand.u32 @!p1 $0x3FFF8, s28;
	s4 =	sshll.u32 @!p6 s21, $0x6;
	v1 =	vmax.f32 @!p3 v1, v2  }
0x274: {  	s28 =	sand.u32 @!p1 $0x7, s28;
	s2 =	sadd.s32 @!p1 s1, s2;
	[tilespmem:s0+$0x28] =	vst.msk @!p3 $0xff, v1;
	s0 =	sshra.s32 @!p6 s4, $0x2  }
0x275: {  	[hbm4b:s2+s28] =	stream.linear.scatter @!p1 [tilespmem:s3], [sflag:$0xC], $0x8, $0x38;
	[tilespmem:$0x1F0F8] =	vst v63  }
0x276: {  	s5 =	rddreg [dreg:$0x5];
	s0 =	sadd.s32 @!p6 $0x28, s0;
	s2 =	simm.s32 @!p6 $0x1  }
0x277: {  	[spmem:s5] =	stream.linear.scatter @!p6 [tilespmem:s0], [sflag:$0x1], $0x8, $0x38;
	[tilespmem:$0x1F0F8] =	vst v63  }
0x278: {  	s0 =	sadd.s32 @p2 $0x1, s21;
	_ =	swait.ge @!p6 [sflag:s2], $0x8  }
0x279: {  	s3 =	sshrl.u32 @p2 s0, $0x4;
	[sflag:s2] =	ssyncset.done @!p6 $0x0  }
0x27a: {  	s3 =	smulhi.u32 @p2 $0x97B425F, s3;
	[sflag:s2] =	ssyncadd.s32 @!p6 $0xFFFFFFF8  }
0x27b: {  	v1 =	vld.msk @p2 [tilespmem:s24+$0x0], $0xff  }
0x27c: {  	s28 =	sadd.s32 $0x1, s29;
	p1 =	por @p2 !p5, !p4;
	s2 =	smul.u32 @p2 $0x1B0, s3  }
0x27d: {  	p1 =	por !p1, !p2;
	p6 =	seq.s32 s28, $0x0  }
.Ltmp15:
0x27e: {  	s3 =	simm.s32 @!p3 $0x0;
	s2 =	ssub.s32 @p2 s0, s2;
	(pc) =	sbr.rel @p6 .LBB2_17-.Ltmp15, $4  }
0x27f: {  	s3 =	simm.s32 @!p1 $0x20;
	s4 =	sshll.u32 @p2 s2, $0x4  }
0x280: {  	s29 =	simm.s32 $0x0;
	s0 =	sshll.u32 @!p2 s21, $0x6;
	s3 =	sadd.s32 @!p3 $0x0, s3;
	[tilespmem:s4+$0x28] =	vst.msk @p2 $0xff, v1  }
0x281: {  	s5 =	simm.s32 @p2 $0x1;
	s3 =	smov.u32 @p3 s25;
	s0 =	sshra.s32 @!p2 s0, $0x2;
	v1 =	vld.msk @!p2 [tilespmem:s24+$0x0], $0xff  }
0x282: {  	s29 =	smov.u32 @p2 s5;
	s21 =	smov.u32 @p2 s2;
	s25 =	smov.u32 @p2 s3;
	v2 =	vld.msk @!p2 [tilespmem:s0+$0x28], $0xff  }
.LBB2_16:
0x283: {  	_ =	sdelay $0x3  }
0x284: {  	v1 =	vmax.f32 @!p2 v1, v2  }
0x285: {  	s22 =	sadd.s32 $0x1, s22;
	[tilespmem:s0+$0x28] =	vst.msk @!p2 $0xff, v1  }
0x286: {  	v1 =	vld.msk [tilespmem:s22+$0x0], $0x1;
	_ =	sdelay $0x4  }
0x287: {  	(v2sf) =	vpush v1, $0x0;
	_ =	sdelay $0xe  }
0x288: {  	s30 =	smov.u32 s26;
	s26 =	spop (v2sf)  }
0x289: {  	p2 =	sne.s32 s30, s26  }
0x28a: {  	p5 =	sne.s32 @p2 s30, s23  }
0x28b: {  	s0 =	sadd.s32 @p2 $0x1, s21;
	p4 =	por !p5, !p2  }
0x28c: {  	s31 =	sshll.u32 @!p2 s21, $0x6;
	s3 =	sadd.s32 @p2 $0x1, s29;
	s4 =	sshll.u32 @!p4 s29, $0x6  }
0x28d: {  	s2 =	sshrl.u32 @p2 s0, $0x4;
	s5 =	sshll.u32 @!p4 s21, $0x6;
	s4 =	sshra.s32 @!p4 s4, $0x2  }
0x28e: {  	p1 =	sgt.u32 @!p4 s30, $0x270FF;
	s2 =	smulhi.u32 @p2 $0x97B425F, s2;
	s5 =	sshra.s32 @!p4 s5, $0x2;
	v1 =	vld.msk @!p4 [tilespmem:s4+$0x1B38], $0xff  }
0x28f: {  	s8 =	simm.s32 @!p4 $0x0;
	s29 =	smov.u32 @p2 s3;
	p6 =	por @p2 p1, !p5;
	v2 =	vld.msk @!p4 [tilespmem:s5+$0x28], $0xff  }
0x290: {  	p1 =	por @p2 !p1, !p5;
	p5 =	por p5, !p2;
	s4 =	sadd.s32 @!p4 $0x28, s5  }
0x291: {  	p6 =	por p6, !p2;
	p1 =	por !p1, !p2;
	s2 =	smul.u32 @p2 $0x1B0, s2  }
0x292: {  	s10 =	sshll.u32 @!p5 s21, $0x6;
	s9 =	sand.u32 @!p6 $0x3FFF8, s30;
	s8 =	simm.s32 @!p1 $0x20  }
0x293: {  	s30 =	sand.u32 @!p6 $0x7, s30;
	s9 =	sadd.s32 @!p6 s1, s9;
	s3 =	sadd.s32 @!p4 s8, s25  }
0x294: {  	s8 =	rddreg [dreg:$0x5];
	s0 =	ssub.s32 @p2 s0, s2;
	s3 =	smov.u32 @p4 s25;
	v1 =	vmax.f32 @!p4 v1, v2  }
0x295: {  	s2 =	sshll.u32 @p2 s0, $0x4;
	s25 =	smov.u32 @p2 s3;
	s3 =	sshra.s32 @!p5 s10, $0x2;
	[tilespmem:s5+$0x28] =	vst.msk @!p4 $0xff, v1  }
0x296: {  	[hbm4b:s9+s30] =	stream.linear.scatter @!p6 [tilespmem:s4], [sflag:$0xC], $0x8, $0x38;
	[tilespmem:$0x1F0F8] =	vst v63  }
0x297: {  	s21 =	smov.u32 @p2 s0;
	s0 =	sadd.s32 @!p5 $0x28, s3;
	s3 =	simm.s32 @!p5 $0x1  }
0x298: {  	[spmem:s8] =	stream.linear.scatter @!p5 [tilespmem:s0], [sflag:$0x1], $0x8, $0x38;
	[tilespmem:$0x1F0F8] =	vst v63  }
0x299: {  	_ =	swait.ge @!p5 [sflag:s3], $0x8  }
0x29a: {  	[sflag:s3] =	ssyncset.done @!p5 $0x0  }
0x29b: {  	s24 =	sadd.s32 $0x80, s24;
	[sflag:s3] =	ssyncadd.s32 @!p5 $0xFFFFFFF8  }
0x29c: {  	v1 =	vld.msk @p2 [tilespmem:s24+$0x0], $0xff  }
0x29d: {  	s28 =	sadd.s32 $0x1, s28  }
0x29e: {  	p3 =	seq.s32 s28, $0x0  }
.Ltmp16:
0x29f: {  	_ = 	snop;
	(pc) =	sbr.rel @!p3 .LBB2_16-.Ltmp16, $4  }
0x2a0: {  	_ = 	snop  }
0x2a1: {  	[tilespmem:s2+$0x28] =	vst.msk @p2 $0xff, v1  }
0x2a2: {  	s0 =	sshra.s32 @!p2 s31, $0x2;
	v1 =	vld.msk @!p2 [tilespmem:s24+$0x0], $0xff  }
0x2a3: {  	v2 =	vld.msk @!p2 [tilespmem:s0+$0x28], $0xff  }
.LBB2_17:
0x2a4: {  	_ = 	snop  }
.Ltmp17:
0x2a5: {  	_ = 	snop;
	(pc) =	sbr.rel .LBB2_19-.Ltmp17, $3  }
0x2a6: {  	s2 =	sld [smem:$0x7FD];
	_ =	sdelay $0x1  }
0x2a7: {  	v1 =	vmax.f32 @!p2 v1, v2  }
0x2a8: {  	s28 =	smov.u32 s26;
	p4 =	seq.s32 s2, $0x1;
	[tilespmem:s0+$0x28] =	vst.msk @!p2 $0xff, v1;
	s0 =	sshrl.u32 s25, $0x2  }
.LBB2_21:
0x2a9: {  	_ =	sfence.sel $0x180000  }
0x2aa: {  	s0 =	simm.s32 $0x9;
	[bflag:$0x0] =	sbarrier.arrive $0xFFFF  }
0x2ab: {  	s24 =	simm.s32 $0xA;
	[sflag:s0] =	ssyncpa.u1 $0x1  }
0x2ac: {  	s25 =	simm.s32 $0xB;
	[sflag:s24] =	ssyncpa.u1 $0x1  }
0x2ad: {  	s26 =	simm.s32 $0x2;
	[sflag:s25] =	ssyncpa.u1 $0x1  }
0x2ae: {  	[sflag:s26] =	ssyncpa.u1 $0x1  }
0x2af: {  	v0 =	vld [tilespmem:$0x3648];
	_ =	sdelay $0x4  }
0x2b0: {  	(v2sf) =	vpush v0, $0x0  }
0x2b1: {  	(v2sf) =	vpush v0, $0x1;
	_ =	sdelay $0x1  }
0x2b2: {  	(v2sf) =	vpush v0, $0x2;
	_ =	sdelay $0xb  }
0x2b3: {  	s0 =	spop (v2sf)  }
0x2b4: {  	s2 =	spop (v2sf)  }
0x2b5: {  	s3 =	smov.u32 s0;
	p0 =	sne.s32 s0, s2  }
0x2b6: {  	s4 =	spop (v2sf);
	s3 =	simm.s32 @!p0 $0xFFFFFFFF  }
0x2b7: {  	v2 =	vimm.s32 $0x1;
	v3 =	vlaneseq.u32;
	p0 =	seq.s32 s4, $0xFFFFFFFF;
	v1 =	vmov s3  }
0x2b8: {  	s16 =	stileid.u32;
	v0 =	vperm.xlane v0, v2;
	p1 =	sne.s32 @!p0 s0, s2;
	v1 =	vperm.xlane v1, v3  }
0x2b9: {  	vm0 =	vcmask $0x3F04;
	s6 =	simm.s32 $0x3648;
	s0 =	simm.s32 @!p0 $0x1;
	p1 =	por !p1, p0  }
0x2ba: {  	s3 =	sshll.u32 s16, $0x1;
	s2 =	sshll.u32 @!p0 s4, $0x6;
	s0 =	simm.s32 @p1 $0x0;
	v0 =	vsel vm0, v1, v0  }
0x2bb: {  	s5 =	sor.u32 $0x200, s3;
	s2 =	sshra.s32 @!p0 s2, $0x2;
	s0 =	sor.u32 @!p0 s0, s3;
	[tilespmem:$0x3648] =	vst v0  }
0x2bc: {  	[spmem:s5] =	stream.linear.scatter [tilespmem:s6], [sflag:$0x1], $0x2, $0x38;
	[tilespmem:$0x1F0F8] =	vst v63  }
0x2bd: {  	s2 =	sadd.s32 @!p0 $0x28, s2;
	s0 =	sshll.u32 @!p0 s0, $0x4  }
0x2be: {  	[spmem:s0] =	stream.linear.scatter @!p0 [tilespmem:s2], [sflag:$0x1], $0x10, $0x38;
	[tilespmem:$0x1F0F8] =	vst v63  }
0x2bf: {  	s0 =	simm.s32 @!p0 $0x12  }
0x2c0: {  	s28 =	simm.s32 $0x1;
	s0 =	simm.s32 @p0 $0x2  }
0x2c1: {  	_ =	swait.ge [sflag:s28], s0  }
0x2c2: {  	s0 =	ssub.s32 $0x0, s0;
	[sflag:s28] =	ssyncset.done $0x0  }
0x2c3: {  	p0 =	sne.s32 s16, $0x0;
	[sflag:s28] =	ssyncadd.s32 s0  }
.Ltmp18:
0x2c4: {  	_ =	sfence.stream.spmem;
	(pc) =	sbr.rel @p0 .LBB2_38-.Ltmp18, $4  }
0x2c5: {  	s29 =	simm.s32 $0x3;
	[bflag:$0x0] =	sbarrier.arrive $0xFFFF  }
0x2c6: {  	s30 =	simm.s32 $0x4;
	[sflag:s29] =	ssyncpa.u1 $0x1  }
0x2c7: {  	s31 =	simm.s32 $0x3C;
	[sflag:s30] =	ssyncpa.u1 $0x1  }
0x2c8: {  	s17 =	rddreg [dreg:$0x6];
	[sflag:s31] =	ssyncpa.u1 $0x1  }
0x2c9: {  	_ =	sfence.stream.spmem;
	s0 =	simm.s32 $0x5  }
0x2ca: {  	s2 =	simm.s32 $0x200;
	s3 =	simm.s32 $0x3658;
	[sflag:s0] =	ssyncpa.u1 $0x0  }
0x2cb: {  	[tilespmem:s3], [sflag:$0x5] =	stream.linear.gather [spmem:s2], $0x20, $0x38;
	[tilespmem:$0x1F0F8] =	vst v63  }
0x2cc: {  	s26 =	simm.s32 $0x0;
	s28 =	simm.s32 $0x3678  }
0x2cd: {  	[tilespmem:s28], [sflag:$0x5] =	stream.linear.gather [spmem:s26], $0x200, $0x38;
	[tilespmem:$0x1F0F8] =	vst v63  }
0x2ce: {  	_ =	swait.ge [sflag:s0], $0x220  }
0x2cf: {  	[sflag:s0] =	ssyncset.done $0x0  }
0x2d0: {  	s29 =	simm.s32 $0x0;
	[sflag:s0] =	ssyncadd.s32 $0xFFFFFDE0  }
0x2d1: {  	v0 =	vld.msk [tilespmem:s29+$0x3658], $0x1;
	_ =	sdelay $0x1  }
0x2d2: {  	s30 =	simm.s32 $0x1  }
0x2d3: {  	v1 =	vld.msk [tilespmem:s30+$0x3658], $0x1;
	_ =	sdelay $0x1  }
0x2d4: {  	(v2sf) =	vpush v0, $0x0;
	_ =	sdelay $0x2  }
0x2d5: {  	(v2sf) =	vpush v1, $0x0;
	_ =	sdelay $0x2  }
0x2d6: {  	s31 =	simm.s32 $0x2  }
0x2d7: {  	v0 =	vld.msk [tilespmem:s31+$0x3658], $0x1;
	_ =	sdelay $0x2  }
0x2d8: {  	s6 =	simm.s32 $0xFFFFFFFF;
	s2 =	simm.s32 $0xFFFFFFFF;
	s0 =	simm.s32 $0xC  }
.LBB2_23:
0x2d9: {  	s3 =	smov.u32 s6;
	s4 =	smov.u32 s2  }
0x2da: {  	s2 =	sshra.s32 s0, $0x2;
	p1 =	sne.s32 s0, $0x7C;
	s0 =	sadd.s32 $0x4, s0;
	(v2sf) =	vpush v0, $0x0  }
0x2db: {  	v0 =	vld.msk [tilespmem:s2+$0x3658], $0x1  }
.Ltmp19:
0x2dc: {  	(pc) =	sbr.rel @p1 .LBB2_23-.Ltmp19, $4  }
0x2dd: {  	s6 =	spop (v2sf)  }
0x2de: {  	p2 =	sne.s32 s4, $0xFFFFFFFF;
	s2 =	smov.u32 s6  }
0x2df: {  	p3 =	seq.s32 s6, $0xFFFFFFFF;
	s2 =	smov.u32 @p2 s4  }
0x2e0: {  	s6 =	smov.u32 @p3 s3;
	s2 =	smov.u32 @p3 s4  }
0x2e1: {  	(v2sf) =	vpush v0, $0x0;
	_ =	sdelay $0x8  }
0x2e2: {  	s0 =	spop (v2sf)  }
0x2e3: {  	p1 =	sne.s32 s2, $0xFFFFFFFF;
	s3 =	smov.u32 s0  }
0x2e4: {  	s9 =	simm.s32 $0x6;
	p2 =	seq.s32 s0, $0xFFFFFFFF;
	s3 =	smov.u32 @p1 s2  }
0x2e5: {  	s10 =	simm.s32 $0x3638;
	s3 =	smov.u32 @p2 s2;
	s2 =	spop (v2sf)  }
0x2e6: {  	s0 =	smov.u32 @p2 s6;
	p1 =	sne.s32 s3, $0xFFFFFFFF;
	s4 =	smov.u32 s2  }
.Ltmp20:
0x2e7: {  	p2 =	seq.s32 s2, $0xFFFFFFFF;
	s4 =	smov.u32 @p1 s3;
	(pc) =	sbr.rel .LBB2_25-.Ltmp20, $4  }
0x2e8: {  	s11 =	simm.s32 $0x0;
	s4 =	smov.u32 @p2 s3;
	s7 =	spop (v2sf)  }
0x2e9: {  	[sflag:s9] =	ssyncpa.u1 $0x0;
	p1 =	sne.s32 s4, $0xFFFFFFFF;
	s8 =	smov.u32 s7  }
0x2ea: {  	s2 =	smov.u32 @p2 s0;
	p2 =	seq.s32 s7, $0xFFFFFFFF;
	s8 =	smov.u32 @p1 s4  }
0x2eb: {  	s6 =	simm.s32 $0x0;
	s7 =	smov.u32 @p2 s2;
	s8 =	smov.u32 @p2 s4  }
.LBB2_30:
0x2ec: {  	p1 =	sgt.u32 s12, $0x270FF  }
0x2ed: {  	p2 =	seq.s32 @!p1 s12, s8  }
0x2ee: {  	p1 =	por p1, p2  }
0x2ef: {  	p2 =	sne.s32 @!p1 s12, s7  }
0x2f0: {  	p1 =	por p1, !p2  }
0x2f1: {  	s0 =	sshll.u32 @p1 s11, $0x6  }
0x2f2: {  	s0 =	sand.u32 @!p1 $0x3FFF8, s12  }
0x2f3: {  	s2 =	sand.u32 @!p1 $0x7, s12;
	s0 =	sadd.s32 @!p1 s1, s0  }
0x2f4: {  	[tilespmem:s10], [sflag:$0x6] =	stream.linear.gather @!p1 [hbm4b:s0+s2], $0x8, $0x38;
	[tilespmem:$0x1F0F8] =	vst v63  }
0x2f5: {  	_ =	swait.ge @!p1 [sflag:s9], $0x8  }
0x2f6: {  	[sflag:s9] =	ssyncset.done @!p1 $0x0  }
0x2f7: {  	s0 =	sshll.u32 @!p1 s11, $0x6;
	[sflag:s9] =	ssyncadd.s32 @!p1 $0xFFFFFFF8  }
0x2f8: {  	s2 =	sshrl.u32 @!p1 s0, $0x2;
	v1 =	vld @!p1 [tilespmem:$0x3638]  }
0x2f9: {  	v2 =	vld @!p1 [tilespmem:s2+$0x3678];
	_ =	sdelay $0x4  }
0x2fa: {  	v1 =	vmax.f32 @!p1 v1, v2  }
0x2fb: {  	[tilespmem:s2+$0x3678] =	vst @!p1 v1  }
0x2fc: {  	s0 =	sshrl.u32 s0, $0x2;
	[tilespmem:s6+$0x3658] =	vst.msk $0x1, v0  }
0x2fd: {  	v0 =	vld [tilespmem:s0+$0x3678];
	_ =	sdelay $0x2  }
0x2fe: {  	s31 =	sshll.u32 s6, $0x6  }
0x2ff: {  	s0 =	sshra.s32 s31, $0x2  }
0x300: {  	s6 =	sadd.s32 $0x1, s6;
	[tilespmem:s0+$0x3678] =	vst v0  }
.LBB2_32:
0x301: {  	s11 =	sadd.s32 $0x1, s11  }
0x302: {  	p1 =	sne.s32 s11, $0x20  }
.Ltmp21:
0x303: {  	_ = 	snop;
	(pc) =	sbr.rel @!p1 .LBB2_33-.Ltmp21, $1  }
0x304: {  	_ =	sdelay $0x3  }
.LBB2_25:
0x305: {  	v0 =	vld.msk [tilespmem:s11+$0x3658], $0x1;
	_ =	sdelay $0x4  }
0x306: {  	(v2sf) =	vpush v0, $0x0;
	_ =	sdelay $0xe  }
0x307: {  	s12 =	spop (v2sf)  }
0x308: {  	p1 =	seq.s32 s12, $0xFFFFFFFF  }
.Ltmp22:
0x309: {  	_ = 	snop;
	(pc) =	sbr.rel @p1 .LBB2_32-.Ltmp22, $1  }
0x30a: {  	_ =	sdelay $0x3  }
0x30b: {  	p1 =	slt.s32 s6, $0x1  }
.Ltmp23:
0x30c: {  	_ = 	snop;
	(pc) =	sbr.rel @p1 .LBB2_30-.Ltmp23, $1  }
0x30d: {  	_ =	sdelay $0x3  }
0x30e: {  	s13 =	simm.s32 $0x3658;
	p1 =	por $0x0, $0x0  }
0x30f: {  	v1 =	vld.msk @!p1 [tilespmem:s13+$0x0], $0x1;
	_ =	sdelay $0x4  }
0x310: {  	(v2sf) =	vpush @!p1 v1, $0x0;
	_ =	sdelay $0xd  }
0x311: {  	p3 =	sne.s32 s6, $0x1  }
.Ltmp24:
0x312: {  	s0 =	spop @!p1 (v2sf);
	(pc) =	sbr.rel @!p3 .LBB2_29-.Ltmp24, $4  }
0x313: {  	p2 =	seq.s32 @!p1 s12, s0  }
0x314: {  	s14 =	simm.s32 $0x0;
	p2 =	por !p2, p1  }
0x315: {  	s0 =	simm.s32 $0xFFFFFFFF;
	s14 =	simm.s32 @p2 $0xFFFFFFFF  }
0x316: {  	s15 =	simm.s32 $0x1;
	s14 =	smov.u32 @p1 s0  }
.LBB2_28:
0x317: {  	s0 =	smov.u32 s14;
	p1 =	sne.s32 s14, $0xFFFFFFFF  }
0x318: {  	s13 =	sadd.s32 $0x1, s13;
	s14 =	smov.u32 s15;
	s15 =	sadd.s32 $0x1, s15  }
0x319: {  	p2 =	sne.s32 s6, s15;
	v1 =	vld.msk @!p1 [tilespmem:s13+$0x0], $0x1;
	_ =	sdelay $0x4  }
0x31a: {  	(v2sf) =	vpush @!p1 v1, $0x0;
	_ =	sdelay $0xe  }
.Ltmp25:
0x31b: {  	s2 =	spop @!p1 (v2sf);
	(pc) =	sbr.rel @p2 .LBB2_28-.Ltmp25, $4  }
0x31c: {  	p3 =	seq.s32 @!p1 s12, s2  }
0x31d: {  	p3 =	por !p3, p1  }
0x31e: {  	s14 =	simm.s32 @p3 $0xFFFFFFFF  }
0x31f: {  	s14 =	smov.u32 @p1 s0  }
.LBB2_29:
0x320: {  	p1 =	sne.s32 s14, $0xFFFFFFFF  }
.Ltmp26:
0x321: {  	_ = 	snop;
	(pc) =	sbr.rel @!p1 .LBB2_30-.Ltmp26, $1  }
0x322: {  	_ =	sdelay $0x3  }
0x323: {  	s0 =	sshll.u32 s11, $0x4  }
0x324: {  	s2 =	sshll.u32 s14, $0x6;
	s0 =	sand.u32 $0x3FFFFFF0, s0  }
0x325: {  	s31 =	sshra.s32 s2, $0x2;
	v0 =	vld [tilespmem:s0+$0x3678]  }
0x326: {  	v1 =	vld [tilespmem:s31+$0x3678];
	_ =	sdelay $0x1  }
.Ltmp27:
0x327: {  	_ = 	snop;
	(pc) =	sbr.rel .LBB2_32-.Ltmp27, $3  }
0x328: {  	_ =	sdelay $0x1  }
0x329: {  	v0 =	vmax.f32 v0, v1  }
0x32a: {  	[tilespmem:s31+$0x3678] =	vst v0  }
.LBB2_33:
0x32b: {  	s0 =	simm.s32 $0x6;
	p1 =	seq.s32 s6, $0x0  }
0x32c: {  	[sflag:s0] =	ssyncpa.u1 $0x1;
	v0 =	vimm.s32 @p1 $0xFFFFFFFF  }
0x32d: {  	s9 =	sadd.s32 $0xFFFFFFFF, s6;
	[tilespmem:$0x3878] =	vst @p1 v0  }
0x32e: {  	v0 =	vld.msk @!p1 [tilespmem:s9+$0x3658], $0x1;
	_ =	sdelay $0x1  }
0x32f: {  	v1 =	vld.msk @!p1 [tilespmem:$0x3658], $0x1;
	_ =	sdelay $0x2  }
0x330: {  	p2 =	seq.s32 @!p1 s9, $0x0;
	v0 =	vbroadcast @!p1 v0, $0x0  }
0x331: {  	vm0 =	vmmov @!p1 $0x1;
	p2 =	por !p2, p1  }
0x332: {  	v1 =	vnsel @!p1 vm0, $0xFFFFFFFF, v1;
	vm0 =	vcmask @!p1 $0x308;
	v0 =	vpsel !p2, $0xFFFFFFFF, v0  }
0x333: {  	p2 =	sne.s32 @!p1 s8, s7;
	v0 =	vsel @!p1 vm0, v1, v0  }
0x334: {  	s0 =	simm.s32 @!p1 $0x3678;
	s2 =	simm.s32 @!p1 $0x0;
	p3 =	por !p2, p1;
	[tilespmem:$0x3878] =	vst @!p1 v0  }
0x335: {  	[spmem:s2] =	stream.linear.scatter @!p1 [tilespmem:s0], [sflag:$0x1], $0x10, $0x38;
	[tilespmem:$0x1F0F8] =	vst v63  }
0x336: {  	s0 =	sshll.u32 @!p3 s9, $0x6  }
0x337: {  	s0 =	sshra.s32 @!p3 s0, $0x2  }
0x338: {  	s2 =	simm.s32 @!p3 $0x10;
	s0 =	sadd.s32 @!p3 $0x3678, s0  }
0x339: {  	[spmem:s2] =	stream.linear.scatter @!p3 [tilespmem:s0], [sflag:$0x1], $0x10, $0x38;
	[tilespmem:$0x1F0F8] =	vst v63  }
0x33a: {  	s0 =	simm.s32 @!p3 $0x1  }
0x33b: {  	_ =	swait.ge @!p3 [sflag:s0], $0x20  }
0x33c: {  	p1 =	por p2, p1;
	[sflag:s0] =	ssyncset.done @!p3 $0x0  }
0x33d: {  	[sflag:s0] =	ssyncadd.s32 @!p3 $0xFFFFFFE0;
	s0 =	simm.s32 @!p1 $0x1  }
0x33e: {  	_ =	swait.ge @!p1 [sflag:s0], $0x10  }
0x33f: {  	s29 =	simm.s32 $0x3878;
	[sflag:s0] =	ssyncset.done @!p1 $0x0  }
0x340: {  	s30 =	simm.s32 $0x200;
	s31 =	simm.s32 $0x1;
	[sflag:s0] =	ssyncadd.s32 @!p1 $0xFFFFFFF0  }
0x341: {  	[spmem:s30] =	stream.linear.scatter [tilespmem:s29], [sflag:$0x1], $0x10, $0x38;
	[tilespmem:$0x1F0F8] =	vst v63  }
0x342: {  	_ =	swait.ge [sflag:s31], $0x10  }
0x343: {  	[sflag:s31] =	ssyncset.done $0x0  }
0x344: {  	p1 =	seq.s32 s17, $0x0;
	s8 =	rddreg [dreg:$0x2];
	[sflag:s31] =	ssyncadd.s32 $0xFFFFFFF0  }
0x345: {  	s2 =	sshll.u32 @p1 s8, $0xE;
	s7 =	rddreg [dreg:$0x3]  }
0x346: {  	s0 =	sadd.s32 @p1 $0x15C3C, s2;
	s2 =	sshll.u32 @p1 s7, $0x11  }
0x347: {  	_ =	sfence.stream.spmem;
	s0 =	sor.u32 @p1 s2, s0  }
0x348: {  	[sflag:s0] =	ssyncadd.remote.s32 @p1 $0x1;
	s0 =	simm.s32 @p1 $0x4  }
0x349: {  	s3 =	simm.s32 @!p1 $0x3C;
	s2 =	sand.u32 $0xFFFFFFFE, s8;
	_ =	swait.ge @p1 [sflag:s0], $0x6  }
0x34a: {  	s4 =	simm.s32 @!p1 $0x0;
	s2 =	sadd.s32 @!p1 $0x4, s2;
	[sflag:s0] =	ssyncset.done @p1 $0x0  }
0x34b: {  	s5 =	simm.s32 @!p1 $0x20;
	[sflag:s0] =	ssyncadd.s32 @p1 $0xFFFFFFFA;
	s0 =	sshll.u32 @!p1 s2, $0x1A  }
0x34c: {  	s2 =	sshll.u32 @!p1 s2, $0xD;
	s0 =	sor.u32 @!p1 s0, s7;
	_ =	swait.eq @!p1 [sflag:s3], $0x1  }
0x34d: {  	s2 =	sor.u32 @!p1 $0x1C04, s2;
	s3 =	simm.s32 @!p1 $0x1C03;
	s0 =	sor.u32 @!p1 $0x80004000, s0  }
0x34e: {  	[spmem:s5], [sflag:s2] =	dma.general @!p1 [spmem:s4], [sflag:s3], length:$0x4, [dreg:$0x0], stride_count:$0x0, ici_dest:s0, dma_misc:DstOpCode:WRITE  }
0x34f: {  	p2 =	slt.s32 s9, $0x2;
	s4 =	simm.s32 @!p1 $0x40;
	s5 =	simm.s32 @!p1 $0x42  }
0x350: {  	[spmem:s5], [sflag:s2] =	dma.general @!p1 [spmem:s4], [sflag:s3], length:$0x2, [dreg:$0x0], stride_count:$0x0, ici_dest:s0, dma_misc:DstOpCode:WRITE  }
.Ltmp28:
0x351: {  	s0 =	simm.s32 @!p1 $0x3;
	(pc) =	sbr.rel @p2 .LBB2_37-.Ltmp28, $4  }
0x352: {  	s2 =	sshll.u32 @!p1 s8, $0xE;
	_ =	swait.ge @!p1 [sflag:s0], $0x6  }
0x353: {  	s3 =	sshll.u32 @!p1 s7, $0x11;
	s2 =	sadd.s32 @!p1 $0x11C3C, s2;
	[sflag:s0] =	ssyncset.done @!p1 $0x0  }
0x354: {  	[sflag:s0] =	ssyncadd.s32 @!p1 $0xFFFFFFFA;
	s0 =	sor.u32 @!p1 s3, s2  }
0x355: {  	[sflag:s0] =	ssyncadd.remote.s32 @!p1 $0xFFFFFFFF;
	s0 =	simm.s32 $0x0  }
0x356: {  	s0 =	simm.s32 $0x3659  }
0x357: {  	v0 =	vld.msk [tilespmem:s0+$0x0], $0x1;
	_ =	sdelay $0x4  }
0x358: {  	(v2sf) =	vpush v0, $0x0;
	_ =	sdelay $0xd  }
0x359: {  	s3 =	sadd.s32 $0xFFFFFFFE, s6  }
0x35a: {  	s3 =	sadd.s32 $0xFFFFFFFF, s3;
	s0 =	spop (v2sf)  }
0x35b: {  	p2 =	sne.s32 s3, $0x0;
	p1 =	sgt.u32 s0, $0x270FF  }
.Ltmp29:
0x35c: {  	s4 =	sand.u32 @!p1 $0x3FFF8, s0;
	(pc) =	sbr.rel @!p2 .LBB2_36-.Ltmp29, $4  }
0x35d: {  	s2 =	simm.s32 $0x3688;
	s0 =	sand.u32 @!p1 $0x7, s0;
	s4 =	sadd.s32 @!p1 s1, s4  }
0x35e: {  	[hbm4b:s4+s0] =	stream.linear.scatter @!p1 [tilespmem:s2], [sflag:$0x5], $0x8, $0x38;
	[tilespmem:$0x1F0F8] =	vst v63  }
0x35f: {  	s0 =	simm.s32 $0x0  }
0x360: {  	s6 =	simm.s32 $0x0;
	s7 =	simm.s32 $0x365A;
	s0 =	simm.s32 @!p1 $0x20  }
.LBB2_35:
0x361: {  	v0 =	vld.msk [tilespmem:s7+$0x0], $0x1;
	s3 =	sadd.s32 $0xFFFFFFFF, s3;
	s6 =	sadd.s32 s6, s0  }
0x362: {  	p1 =	sne.s32 s3, $0x0;
	_ =	sdelay $0x3  }
0x363: {  	(v2sf) =	vpush v0, $0x0;
	_ =	sdelay $0xe  }
.Ltmp30:
0x364: {  	s4 =	spop (v2sf);
	(pc) =	sbr.rel @p1 .LBB2_35-.Ltmp30, $4  }
0x365: {  	s0 =	simm.s32 $0x0;
	p2 =	sgt.u32 s4, $0x270FF  }
0x366: {  	s2 =	sadd.s32 $0x10, s2;
	s0 =	simm.s32 @!p2 $0x20;
	s5 =	sand.u32 @!p2 $0x3FFF8, s4  }
0x367: {  	s7 =	sadd.s32 $0x1, s7;
	s4 =	sand.u32 @!p2 $0x7, s4;
	s5 =	sadd.s32 @!p2 s1, s5  }
0x368: {  	[hbm4b:s5+s4] =	stream.linear.scatter @!p2 [tilespmem:s2], [sflag:$0x5], $0x8, $0x38;
	[tilespmem:$0x1F0F8] =	vst v63  }
.LBB2_36:
0x369: {  	s0 =	sadd.s32 s6, s0  }
0x36a: {  	s0 =	sshrl.u32 s0, $0x2  }
.LBB2_37:
0x36b: {  	s2 =	simm.s32 $0x5  }
0x36c: {  	_ =	swait.ge [sflag:s2], s0  }
0x36d: {  	s31 =	ssub.s32 $0x0, s0;
	[sflag:s2] =	ssyncset.done $0x0  }
0x36e: {  	[sflag:s2] =	ssyncadd.s32 s31  }
0x36f: {  	[sflag:s2] =	ssyncpa.u1 $0x1  }
.LBB2_38:
0x370: {  	s0 =	sor.u32 s17, s16  }
0x371: {  	p1 =	sne.s32 s0, $0x0  }
.Ltmp31:
0x372: {  	_ = 	snop;
	(pc) =	sbr.rel @p1 .LBB2_53-.Ltmp31, $3  }
0x373: {  	_ =	sdelay $0x1  }
0x374: {  	[bflag:$0x0] =	sbarrier.arrive $0xFFFF  }
0x375: {  	_ =	sfence  }
0x376: {  	s0 =	simm.s32 $0x7  }
0x377: {  	s2 =	simm.s32 $0x200;
	s3 =	simm.s32 $0x3658;
	[sflag:s0] =	ssyncpa.u1 $0x0  }
0x378: {  	[tilespmem:s3], [sflag:$0x7] =	stream.linear.gather [spmem:s2], $0x20, $0x38;
	[tilespmem:$0x1F0F8] =	vst v63  }
0x379: {  	s30 =	simm.s32 $0x3678;
	s2 =	simm.s32 $0x0  }
0x37a: {  	[tilespmem:s30], [sflag:$0x7] =	stream.linear.gather [spmem:s2], $0x200, $0x38;
	[tilespmem:$0x1F0F8] =	vst v63  }
.Ltmp32:
0x37b: {  	_ = 	snop;
	(pc) =	sbr.rel .LBB2_40-.Ltmp32, $4  }
0x37c: {  	_ =	swait.ge [sflag:s0], $0x220  }
0x37d: {  	[sflag:s0] =	ssyncset.done $0x0  }
0x37e: {  	s31 =	simm.s32 $0x8;
	[sflag:s0] =	ssyncadd.s32 $0xFFFFFDE0  }
0x37f: {  	s3 =	simm.s32 $0x0;
	[sflag:s31] =	ssyncpa.u1 $0x0  }
.LBB2_45:
0x380: {  	p1 =	slt.u32 s4, $0x27100  }
0x381: {  	s0 =	sand.u32 @p1 $0x3FFF8, s4  }
0x382: {  	s4 =	sand.u32 @p1 $0x7, s4;
	s5 =	simm.s32 @p1 $0x3638;
	s0 =	sadd.s32 @p1 s1, s0  }
0x383: {  	[tilespmem:s5], [sflag:$0x8] =	stream.linear.gather @p1 [hbm4b:s0+s4], $0x8, $0x38;
	[tilespmem:$0x1F0F8] =	vst v63  }
0x384: {  	s0 =	simm.s32 @p1 $0x8  }
0x385: {  	_ =	swait.ge @p1 [sflag:s0], $0x8  }
0x386: {  	[sflag:s0] =	ssyncset.done @p1 $0x0  }
0x387: {  	[sflag:s0] =	ssyncadd.s32 @p1 $0xFFFFFFF8;
	s0 =	sshll.u32 @p1 s3, $0x6  }
0x388: {  	v1 =	vld @p1 [tilespmem:$0x3638];
	s4 =	sshrl.u32 @p1 s0, $0x2  }
0x389: {  	v2 =	vld @p1 [tilespmem:s4+$0x3678];
	_ =	sdelay $0x4  }
0x38a: {  	s5 =	sshll.u32 @!p1 s3, $0x6;
	v1 =	vmax.f32 @p1 v1, v2  }
0x38b: {  	s5 =	smov.u32 @p1 s0;
	[tilespmem:s4+$0x3678] =	vst @p1 v1  }
0x38c: {  	s0 =	sshrl.u32 s5, $0x2;
	[tilespmem:s2+$0x3658] =	vst.msk $0x1, v0  }
0x38d: {  	v0 =	vld [tilespmem:s0+$0x3678];
	_ =	sdelay $0x2  }
0x38e: {  	s31 =	sshll.u32 s2, $0x6  }
0x38f: {  	s0 =	sshra.s32 s31, $0x2  }
0x390: {  	s2 =	sadd.s32 $0x1, s2;
	[tilespmem:s0+$0x3678] =	vst v0  }
.LBB2_47:
0x391: {  	s3 =	sadd.s32 $0x1, s3  }
0x392: {  	p1 =	sne.s32 s3, $0x20  }
.Ltmp33:
0x393: {  	_ = 	snop;
	(pc) =	sbr.rel @!p1 .LBB2_48-.Ltmp33, $1  }
0x394: {  	_ =	sdelay $0x3  }
.LBB2_40:
0x395: {  	v0 =	vld.msk [tilespmem:s3+$0x3658], $0x1;
	_ =	sdelay $0x4  }
0x396: {  	(v2sf) =	vpush v0, $0x0;
	_ =	sdelay $0xe  }
0x397: {  	s4 =	spop (v2sf)  }
0x398: {  	p1 =	seq.s32 s4, $0xFFFFFFFF  }
.Ltmp34:
0x399: {  	_ = 	snop;
	(pc) =	sbr.rel @p1 .LBB2_47-.Ltmp34, $1  }
0x39a: {  	_ =	sdelay $0x3  }
0x39b: {  	p1 =	slt.s32 s2, $0x1  }
.Ltmp35:
0x39c: {  	_ = 	snop;
	(pc) =	sbr.rel @p1 .LBB2_45-.Ltmp35, $1  }
0x39d: {  	_ =	sdelay $0x3  }
0x39e: {  	s5 =	simm.s32 $0x3658;
	p1 =	por $0x0, $0x0  }
0x39f: {  	v1 =	vld.msk @!p1 [tilespmem:s5+$0x0], $0x1;
	_ =	sdelay $0x4  }
0x3a0: {  	(v2sf) =	vpush @!p1 v1, $0x0;
	_ =	sdelay $0xd  }
0x3a1: {  	p3 =	sne.s32 s2, $0x1  }
.Ltmp36:
0x3a2: {  	s0 =	spop @!p1 (v2sf);
	(pc) =	sbr.rel @!p3 .LBB2_44-.Ltmp36, $4  }
0x3a3: {  	p2 =	seq.s32 @!p1 s4, s0  }
0x3a4: {  	s6 =	simm.s32 $0x0;
	p2 =	por !p2, p1  }
0x3a5: {  	s0 =	simm.s32 $0xFFFFFFFF;
	s6 =	simm.s32 @p2 $0xFFFFFFFF  }
0x3a6: {  	s7 =	simm.s32 $0x1;
	s6 =	smov.u32 @p1 s0  }
.LBB2_43:
0x3a7: {  	s0 =	smov.u32 s6;
	p1 =	sne.s32 s6, $0xFFFFFFFF  }
0x3a8: {  	s5 =	sadd.s32 $0x1, s5;
	s6 =	smov.u32 s7;
	s7 =	sadd.s32 $0x1, s7  }
0x3a9: {  	p2 =	sne.s32 s2, s7;
	v1 =	vld.msk @!p1 [tilespmem:s5+$0x0], $0x1;
	_ =	sdelay $0x4  }
0x3aa: {  	(v2sf) =	vpush @!p1 v1, $0x0;
	_ =	sdelay $0xe  }
.Ltmp37:
0x3ab: {  	s8 =	spop @!p1 (v2sf);
	(pc) =	sbr.rel @p2 .LBB2_43-.Ltmp37, $4  }
0x3ac: {  	p3 =	seq.s32 @!p1 s4, s8  }
0x3ad: {  	p3 =	por !p3, p1  }
0x3ae: {  	s6 =	simm.s32 @p3 $0xFFFFFFFF  }
0x3af: {  	s6 =	smov.u32 @p1 s0  }
.LBB2_44:
0x3b0: {  	p1 =	sne.s32 s6, $0xFFFFFFFF  }
.Ltmp38:
0x3b1: {  	_ = 	snop;
	(pc) =	sbr.rel @!p1 .LBB2_45-.Ltmp38, $1  }
0x3b2: {  	_ =	sdelay $0x3  }
0x3b3: {  	s0 =	sshll.u32 s3, $0x4  }
0x3b4: {  	s4 =	sshll.u32 s6, $0x6;
	s0 =	sand.u32 $0x3FFFFFF0, s0  }
0x3b5: {  	s31 =	sshra.s32 s4, $0x2;
	v0 =	vld [tilespmem:s0+$0x3678]  }
0x3b6: {  	v1 =	vld [tilespmem:s31+$0x3678];
	_ =	sdelay $0x1  }
.Ltmp39:
0x3b7: {  	_ = 	snop;
	(pc) =	sbr.rel .LBB2_47-.Ltmp39, $3  }
0x3b8: {  	_ =	sdelay $0x1  }
0x3b9: {  	v0 =	vmax.f32 v0, v1  }
0x3ba: {  	[tilespmem:s31+$0x3678] =	vst v0  }
.LBB2_48:
0x3bb: {  	p1 =	slt.s32 s2, $0x1  }
.Ltmp40:
0x3bc: {  	_ = 	snop;
	(pc) =	sbr.rel @p1 .LBB2_52-.Ltmp40, $3  }
0x3bd: {  	_ =	sdelay $0x1  }
0x3be: {  	s0 =	simm.s32 $0x8  }
0x3bf: {  	s3 =	simm.s32 $0x0;
	[sflag:s0] =	ssyncpa.u1 $0x1  }
0x3c0: {  	s0 =	simm.s32 $0x3658  }
0x3c1: {  	v0 =	vld.msk [tilespmem:s0+$0x0], $0x1;
	_ =	sdelay $0x4  }
0x3c2: {  	(v2sf) =	vpush v0, $0x0;
	_ =	sdelay $0xe  }
0x3c3: {  	s2 =	sadd.s32 $0xFFFFFFFF, s2;
	s0 =	spop (v2sf)  }
0x3c4: {  	p2 =	sne.s32 s2, $0x0;
	p1 =	sgt.u32 s0, $0x270FF  }
.Ltmp41:
0x3c5: {  	s5 =	sand.u32 @!p1 $0x3FFF8, s0;
	(pc) =	sbr.rel @!p2 .LBB2_51-.Ltmp41, $4  }
0x3c6: {  	s4 =	simm.s32 $0x3678;
	s0 =	sand.u32 @!p1 $0x7, s0;
	s5 =	sadd.s32 @!p1 s1, s5  }
0x3c7: {  	[hbm4b:s5+s0] =	stream.linear.scatter @!p1 [tilespmem:s4], [sflag:$0x7], $0x8, $0x38;
	[tilespmem:$0x1F0F8] =	vst v63  }
0x3c8: {  	s0 =	simm.s32 $0x0  }
0x3c9: {  	s5 =	simm.s32 $0x3659;
	s0 =	simm.s32 @!p1 $0x20  }
.LBB2_50:
0x3ca: {  	v0 =	vld.msk [tilespmem:s5+$0x0], $0x1;
	s2 =	sadd.s32 $0xFFFFFFFF, s2;
	s3 =	sadd.s32 s3, s0  }
0x3cb: {  	p1 =	sne.s32 s2, $0x0;
	_ =	sdelay $0x3  }
0x3cc: {  	(v2sf) =	vpush v0, $0x0;
	_ =	sdelay $0xe  }
.Ltmp42:
0x3cd: {  	s6 =	spop (v2sf);
	(pc) =	sbr.rel @p1 .LBB2_50-.Ltmp42, $4  }
0x3ce: {  	s0 =	simm.s32 $0x0;
	p2 =	sgt.u32 s6, $0x270FF  }
0x3cf: {  	s4 =	sadd.s32 $0x10, s4;
	s0 =	simm.s32 @!p2 $0x20;
	s7 =	sand.u32 @!p2 $0x3FFF8, s6  }
0x3d0: {  	s5 =	sadd.s32 $0x1, s5;
	s6 =	sand.u32 @!p2 $0x7, s6;
	s7 =	sadd.s32 @!p2 s1, s7  }
0x3d1: {  	[hbm4b:s7+s6] =	stream.linear.scatter @!p2 [tilespmem:s4], [sflag:$0x7], $0x8, $0x38;
	[tilespmem:$0x1F0F8] =	vst v63  }
.LBB2_51:
0x3d2: {  	s0 =	sadd.s32 s3, s0  }
0x3d3: {  	s3 =	sshrl.u32 s0, $0x2  }
.LBB2_52:
0x3d4: {  	s0 =	simm.s32 $0x7  }
0x3d5: {  	_ =	swait.ge [sflag:s0], s3  }
0x3d6: {  	s1 =	ssub.s32 $0x0, s3;
	[sflag:s0] =	ssyncset.done $0x0  }
0x3d7: {  	[sflag:s0] =	ssyncadd.s32 s1  }
0x3d8: {  	[sflag:s0] =	ssyncpa.u1 $0x1  }
.LBB2_53:
0x3d9: {  	_ =	sfence;
	s0 =	simm.s32 $0x1  }
0x3da: {  	[sflag:s0] =	ssyncpa.u1 $0x1  }
0x3db: {  	_ =	strace $0x9000004A  }
0x3dc: {  	[bflag:$0x2] =	sbarrier.arrive $0xFFFF  }
0x3dd: {  	s0 =	rddreg [dreg:$0x4]  }
0x3de: {  	s0 =	sadd.s32 @!p0 $0x100000, s0  }
0x3df: {  	[sflag:s0] =	ssyncadd.tile.s32 @!p0 $0x1;
	_ =	shalt  }
.Lfunc_end2:
_tile_overlayer_lowered:
.L_overlay_start_2:
0x3e0: {  	(tag) =	ssettag $0x2  }
0x3e1: {  	s0 =	rddreg [dreg:$0x0];
	s2 =	stileid.u32  }
0x3e2: {  	s1 =	rddreg [dreg:$0x1];
	p0 =	sne.s32 s2, $0x0  }
0x3e3: {  	s3 =	rddreg [dreg:$0x2];
	[bflag:$0x3] =	sbarrier.arrive $0xFFFF;
	s2 =	simm.s32 @!p0 $0x1C01  }
0x3e4: {  	[timem:s3], [sflag:s2] =	dma.local @!p0 [hbm:s0], s1  }
0x3e5: {  	s0 =	simm.s32 @!p0 $0x1  }
0x3e6: {  	_ =	swait.ge @!p0 [sflag:s0], s1  }
0x3e7: {  	s1 =	ssub.s32 @!p0 $0x0, s1;
	[sflag:s0] =	ssyncset.done @!p0 $0x0  }
0x3e8: {  	[sflag:s0] =	ssyncadd.s32 @!p0 s1  }
0x3e9: {  	[bflag:$0x3] =	sbarrier.arrive $0xFFFF  }
0x3ea: {  	_ =	shalt  }

</sc_bundles>
